<compile_context>
chip_gen: v7x
topology: tpu7x:2x2x1
jax: 0.10.2.dev20260603
libtpu: 0.0.44.dev20260713+nightly
codegen_flags: <defaults>
</compile_context>

<pallas_src>
import functools

import jax
import jax.numpy as jnp
from jax import lax
from jax.experimental import pallas as pl
from jax.experimental.pallas import tpu as pltpu
from jax.experimental.pallas import tpu_sc as plsc

N = 10000
D = 128
RW = 128
HID = 256
NTILES = 16
EPT = 20625
CH = 128
NCH = 162
EPT_PAD = NCH * CH


def _project_body(x_ref, w_ref, att_s_ref, att_d_ref, h_ref, a_s_ref, a_d_ref):
    h = jnp.dot(x_ref[...], w_ref[0], preferred_element_type=jnp.float32)
    h_ref[...] = h
    a_s_ref[...] = jnp.sum(h * att_s_ref[0], axis=1)[None, None, :]
    a_d_ref[...] = jnp.sum(h * att_d_ref[0], axis=1)[None, None, :]


def _tc_project(x, w_st, att_s, att_d):
    return pl.pallas_call(
        _project_body,
        grid=(2,),
        in_specs=[
            pl.BlockSpec((N, D), lambda d: (0, 0)),
            pl.BlockSpec((1, D, D), lambda d: (d, 0, 0)),
            pl.BlockSpec((1, 1, D), lambda d: (d, 0, 0)),
            pl.BlockSpec((1, 1, D), lambda d: (d, 0, 0)),
        ],
        out_specs=[
            pl.BlockSpec((N, RW), lambda d: (d, 0)),
            pl.BlockSpec((1, 1, N), lambda d: (d, 0, 0)),
            pl.BlockSpec((1, 1, N), lambda d: (d, 0, 0)),
        ],
        out_shape=[
            jax.ShapeDtypeStruct((2 * N, RW), jnp.float32),
            jax.ShapeDtypeStruct((2, 1, N), jnp.float32),
            jax.ShapeDtypeStruct((2, 1, N), jnp.float32),
        ],
    )(x, w_st, att_s, att_d)


_MESH = plsc.VectorSubcoreMesh(core_axis_name="c", subcore_axis_name="s")


def _sc_body(h_hbm, a_s_hbm, a_d_hbm, gi_hbm, si_hbm, z2d_hbm, z1d_hbm,
             out0_hbm, out1_hbm, den_hbm,
             gidx_a, sidx_a, aw_a, ad_a, w_a, rows0,
             gidx_b, sidx_b, aw_b, ad_b, w_b, rows1, dstage,
             out_sh, den_sh, a_sh, a_dh, sem0, sem1):
    c = lax.axis_index("c")
    s = lax.axis_index("s")
    lane = lax.iota(jnp.int32, 16)
    cN = c * N

    @pl.when(s == 0)
    def _():
        pltpu.sync_copy(z2d_hbm, out_sh)
        pltpu.sync_copy(z1d_hbm, den_sh)
        pltpu.sync_copy(a_s_hbm.at[pl.ds(cN, N)], a_sh)
        pltpu.sync_copy(a_d_hbm.at[pl.ds(cN, N)], a_dh)

    plsc.subcore_barrier()

    wbase = (c * NTILES + s) * NCH

    def prep(j, gidx, sidx, aw, ad, w):
        pltpu.sync_copy(gi_hbm.at[wbase + j], gidx)
        pltpu.sync_copy(si_hbm.at[wbase + j], sidx)
        pltpu.sync_copy(a_sh.at[gidx], aw)
        pltpu.sync_copy(a_dh.at[sidx], ad)
        for k in range(CH // 16):
            e16 = aw[pl.ds(k * 16, 16)] + ad[pl.ds(k * 16, 16)]
            e16 = jnp.where(e16 >= 0.0, e16, e16 * 0.2)
            w16 = jnp.exp(e16)
            pos = j * CH + k * 16 + lane
            w[pl.ds(k * 16, 16)] = jnp.where(pos < EPT, w16, 0.0)
            gidx[pl.ds(k * 16, 16)] = gidx[pl.ds(k * 16, 16)] + cN

    def mul_rows(buf, w):
        def ebody(e, _):
            grp = (e // 16) * 16
            w16 = w[pl.ds(grp, 16)]
            wb = jnp.sum(jnp.where(lane == (e - grp), w16, 0.0))
            for q in range(RW // 16):
                buf[e, pl.ds(q * 16, 16)] = buf[e, pl.ds(q * 16, 16)] * wb
            return 0
        lax.fori_loop(0, CH, ebody, 0, unroll=4)

    prep(0, gidx_a, sidx_a, aw_a, ad_a, w_a)
    pltpu.async_copy(h_hbm.at[gidx_a], rows0, sem0)

    def pbody(p, _):
        j0 = 2 * p
        prep(j0 + 1, gidx_b, sidx_b, aw_b, ad_b, w_b)
        pltpu.async_copy(h_hbm.at[gidx_b], rows1, sem1)
        pltpu.make_async_copy(h_hbm.at[gidx_a], rows0, sem0).wait()
        mul_rows(rows0, w_a)
        pltpu.sync_copy(rows0, out_sh.at[sidx_a], add=True)
        pltpu.sync_copy(w_a, den_sh.at[sidx_a], add=True)

        @pl.when(p + 1 < NCH // 2)
        def _():
            prep(j0 + 2, gidx_a, sidx_a, aw_a, ad_a, w_a)
            pltpu.async_copy(h_hbm.at[gidx_a], rows0, sem0)

        pltpu.make_async_copy(h_hbm.at[gidx_b], rows1, sem1).wait()
        mul_rows(rows1, w_b)
        pltpu.sync_copy(rows1, out_sh.at[sidx_b], add=True)
        pltpu.sync_copy(w_b, den_sh.at[sidx_b], add=True)
        return 0
    lax.fori_loop(0, NCH // 2, pbody, 0)

    plsc.subcore_barrier()

    @pl.when((s == 0) & (c == 0))
    def _():
        pltpu.sync_copy(out_sh, out0_hbm)

    @pl.when((s == 0) & (c == 1))
    def _():
        pltpu.sync_copy(out_sh, out1_hbm)

    @pl.when(s == 1)
    def _():
        pltpu.sync_copy(den_sh, dstage)
        pltpu.sync_copy(dstage, den_hbm.at[pl.ds(cN, N)])


_sc_edge = functools.partial(
    pl.kernel,
    out_type=[jax.ShapeDtypeStruct((N, RW), jnp.float32),
              jax.ShapeDtypeStruct((N, RW), jnp.float32),
              jax.ShapeDtypeStruct((2 * N,), jnp.float32)],
    mesh=_MESH,
    compiler_params=pltpu.CompilerParams(needs_layout_passes=False,
                                         use_tc_tiling_on_sc=False),
    scratch_types=[
        pltpu.VMEM((CH,), jnp.int32),
        pltpu.VMEM((CH,), jnp.int32),
        pltpu.VMEM((CH,), jnp.float32),
        pltpu.VMEM((CH,), jnp.float32),
        pltpu.VMEM((CH,), jnp.float32),
        pltpu.VMEM((CH, RW), jnp.float32),
        pltpu.VMEM((CH,), jnp.int32),
        pltpu.VMEM((CH,), jnp.int32),
        pltpu.VMEM((CH,), jnp.float32),
        pltpu.VMEM((CH,), jnp.float32),
        pltpu.VMEM((CH,), jnp.float32),
        pltpu.VMEM((CH, RW), jnp.float32),
        pltpu.VMEM((N,), jnp.float32),
        pltpu.VMEM_SHARED((N, RW), jnp.float32),
        pltpu.VMEM_SHARED((N,), jnp.float32),
        pltpu.VMEM_SHARED((N,), jnp.float32),
        pltpu.VMEM_SHARED((N,), jnp.float32),
        pltpu.SemaphoreType.DMA,
        pltpu.SemaphoreType.DMA,
    ],
)(_sc_body)


def _fuse_body(o0_ref, o1_ref, dens_ref, bias_f_ref, bias_b_ref, fw_ref,
               fb_ref, g_ref, b_ref, o_ref):
    o0 = o0_ref[...]
    o1 = o1_ref[...]
    dv = dens_ref[...] + 1e-16
    gf = o0 / dv[:N] + bias_f_ref[...][None, :]
    gb = o1 / dv[N:] + bias_b_ref[...][None, :]
    comb = jnp.concatenate([gf, gb], axis=1)
    fused = jnp.dot(comb, fw_ref[...], preferred_element_type=jnp.float32)
    fused = fused + fb_ref[...][None, :]
    mean = jnp.mean(fused, axis=0)
    cent = fused - mean[None, :]
    var = jnp.mean(cent * cent, axis=0)
    scale = g_ref[...] / jnp.sqrt(var + 1e-5)
    o_ref[...] = jnp.maximum(cent * scale[None, :] + b_ref[...][None, :], 0.0)


def _tc_fuse(o0, o1, dens, bias_f, bias_b, fusion_W, fusion_b,
             bn_gamma, bn_beta):
    return pl.pallas_call(
        _fuse_body,
        out_shape=jax.ShapeDtypeStruct((N, HID), jnp.float32),
    )(o0, o1, dens, bias_f, bias_b, fusion_W, fusion_b, bn_gamma, bn_beta)


def kernel(x, edge_index, W_f, att_src_f, att_dst_f, bias_f,
           W_b, att_src_b, att_dst_b, bias_b,
           fusion_W, fusion_b, bn_gamma, bn_beta):
    w_st = jnp.stack([W_f, W_b])
    att_s = jnp.stack([att_src_f.reshape(1, -1), att_src_b.reshape(1, -1)])
    att_d = jnp.stack([att_dst_f.reshape(1, -1), att_dst_b.reshape(1, -1)])
    h_all, a_s2, a_d2 = _tc_project(x, w_st, att_s, att_d)

    src = edge_index[0]
    dst = edge_index[1]
    loop = jnp.arange(N, dtype=src.dtype)
    gi = jnp.stack([jnp.concatenate([src, loop]), jnp.concatenate([dst, loop])])
    si = jnp.stack([jnp.concatenate([dst, loop]), jnp.concatenate([src, loop])])
    gi = gi.reshape(2, NTILES, EPT)
    si = si.reshape(2, NTILES, EPT)
    pad_n = EPT_PAD - EPT
    padg = jnp.zeros((2, NTILES, pad_n), jnp.int32)
    pads = jnp.broadcast_to((jnp.arange(pad_n, dtype=jnp.int32) * 79) % N,
                            (2, NTILES, pad_n))
    gi = jnp.concatenate([gi, padg], axis=2).reshape(2 * NTILES * NCH, CH)
    si = jnp.concatenate([si, pads], axis=2).reshape(2 * NTILES * NCH, CH)

    o0, o1, dens = _sc_edge(h_all, a_s2.reshape(2 * N), a_d2.reshape(2 * N),
                            gi, si, jnp.zeros((N, RW), jnp.float32),
                            jnp.zeros((N,), jnp.float32))
    return _tc_fuse(o0, o1, dens.reshape(2 * N, 1), bias_f, bias_b,
                    fusion_W, fusion_b, bn_gamma, bn_beta)

# --- scband reference (transcript-rebuilt; emitter-appended) ---
"""Pipeline reference for scband-bidirectional-gnn-24498493456395 (READ-ONLY COPY).

The authoritative reference and input builder live on the scoring server;
editing this copy changes nothing except your own understanding.
"""

import jax, jax.numpy as jnp
import numpy as np

N = 10000
E = 320000
IN_DIM = 128
HIDDEN = 256
HEADS = 1  # config.num_heads // 2 with num_heads=2 (required for fusion dim to match)
OUT_PER = HIDDEN // 2  # 128; GAT concat output = HEADS*OUT_PER = 128 per direction


def setup_inputs(seed: int = 0):
    key = jax.random.key(seed)
    ks = jax.random.split(key, 16)
    x = jax.random.normal(ks[0], (N, IN_DIM), dtype=jnp.float32)
    edge_index = jax.random.randint(ks[1], (2, E), 0, N, dtype=jnp.int32)
    s_in = 1.0 / np.sqrt(IN_DIM)
    s_h = 1.0 / np.sqrt(HIDDEN)
    return {
        "x": x,
        "edge_index": edge_index,
        "W_f": jax.random.normal(ks[2], (IN_DIM, HEADS * OUT_PER), dtype=jnp.float32) * s_in,
        "att_src_f": jax.random.normal(ks[3], (1, HEADS, OUT_PER), dtype=jnp.float32) * 0.1,
        "att_dst_f": jax.random.normal(ks[4], (1, HEADS, OUT_PER), dtype=jnp.float32) * 0.1,
        "bias_f": jnp.zeros((HEADS * OUT_PER,), dtype=jnp.float32),
        "W_b": jax.random.normal(ks[5], (IN_DIM, HEADS * OUT_PER), dtype=jnp.float32) * s_in,
        "att_src_b": jax.random.normal(ks[6], (1, HEADS, OUT_PER), dtype=jnp.float32) * 0.1,
        "att_dst_b": jax.random.normal(ks[7], (1, HEADS, OUT_PER), dtype=jnp.float32) * 0.1,
        "bias_b": jnp.zeros((HEADS * OUT_PER,), dtype=jnp.float32),
        "fusion_W": jax.random.normal(ks[8], (HIDDEN, HIDDEN), dtype=jnp.float32) * s_h,
        "fusion_b": jnp.zeros((HIDDEN,), dtype=jnp.float32),
        "bn_gamma": jnp.ones((HIDDEN,), dtype=jnp.float32),
        "bn_beta": jnp.zeros((HIDDEN,), dtype=jnp.float32),
    }


def gat_conv(x, edge_index, W, att_src, att_dst, bias):
    # PyG GATConv with add_self_loops=True, concat=True, negative_slope=0.2 (dropout inactive)
    src = edge_index[0]
    dst = edge_index[1]
    loop = jnp.arange(N, dtype=src.dtype)
    src = jnp.concatenate([src, loop])
    dst = jnp.concatenate([dst, loop])
    h = (x @ W).reshape(N, HEADS, OUT_PER)
    a_s = jnp.sum(h * att_src, axis=-1)  # [N, HEADS]
    a_d = jnp.sum(h * att_dst, axis=-1)
    e = a_s[src] + a_d[dst]  # [E+N, HEADS]
    e = jax.nn.leaky_relu(e, 0.2)
    e_max = jax.ops.segment_max(e, dst, num_segments=N)
    e_max = jnp.where(jnp.isfinite(e_max), e_max, 0.0)
    e_max = jax.lax.stop_gradient(e_max)
    num = jnp.exp(e - e_max[dst])
    den = jax.ops.segment_sum(num, dst, num_segments=N)
    alpha = num / (den[dst] + 1e-16)
    msg = h[src] * alpha[..., None]
    out = jax.ops.segment_sum(msg, dst, num_segments=N)
    return out.reshape(N, HEADS * OUT_PER) + bias


def reference(x, edge_index, W_f, att_src_f, att_dst_f, bias_f, W_b, att_src_b, att_dst_b, bias_b, fusion_W, fusion_b, bn_gamma, bn_beta):
    fwd = gat_conv(x, edge_index, W_f, att_src_f, att_dst_f, bias_f)
    rev = jnp.flip(edge_index, axis=0)
    bwd = gat_conv(x, rev, W_b, att_src_b, att_dst_b, bias_b)
    combined = jnp.concatenate([fwd, bwd], axis=1)  # [N, HIDDEN]
    fused = combined @ fusion_W + fusion_b
    # BatchNorm1d (training-mode batch statistics, eps=1e-5)
    mean = jnp.mean(fused, axis=0)
    var = jnp.var(fused, axis=0)
    normed = (fused - mean) / jnp.sqrt(var + 1e-5) * bn_gamma + bn_beta
    return jax.nn.relu(normed)

if __name__ == "__main__":
    import jax
    _d = setup_inputs()
    print(jax.jit(kernel)(*tuple(_d.values())))

</pallas_src>

<mosaic_0001>
#map = affine_map<(d0, d1) -> (0, 0)>
#map1 = affine_map<(d0, d1) -> (0)>
module attributes {stable_mosaic.version = 14 : i64} {
  func.func @_sc_body(%arg0: i32, %arg1: i32, %arg2: memref<20000x128xf32, #tpu.memory_space<hbm>>, %arg3: memref<20000xf32, #tpu.memory_space<hbm>>, %arg4: memref<20000xf32, #tpu.memory_space<hbm>>, %arg5: memref<5184x128xi32, #tpu.memory_space<hbm>>, %arg6: memref<5184x128xi32, #tpu.memory_space<hbm>>, %arg7: memref<10000x128xf32, #tpu.memory_space<hbm>>, %arg8: memref<10000xf32, #tpu.memory_space<hbm>>, %arg9: memref<10000x128xf32, #tpu.memory_space<hbm>>, %arg10: memref<10000x128xf32, #tpu.memory_space<hbm>>, %arg11: memref<20000xf32, #tpu.memory_space<hbm>>, %arg12: memref<128xi32, #tpu.memory_space<vmem>>, %arg13: memref<128xi32, #tpu.memory_space<vmem>>, %arg14: memref<128xf32, #tpu.memory_space<vmem>>, %arg15: memref<128xf32, #tpu.memory_space<vmem>>, %arg16: memref<128xf32, #tpu.memory_space<vmem>>, %arg17: memref<128x128xf32, #tpu.memory_space<vmem>>, %arg18: memref<128xi32, #tpu.memory_space<vmem>>, %arg19: memref<128xi32, #tpu.memory_space<vmem>>, %arg20: memref<128xf32, #tpu.memory_space<vmem>>, %arg21: memref<128xf32, #tpu.memory_space<vmem>>, %arg22: memref<128xf32, #tpu.memory_space<vmem>>, %arg23: memref<128x128xf32, #tpu.memory_space<vmem>>, %arg24: memref<10000xf32, #tpu.memory_space<vmem>>, %arg25: memref<10000x128xf32, #tpu.memory_space<vmem_shared>>, %arg26: memref<10000xf32, #tpu.memory_space<vmem_shared>>, %arg27: memref<10000xf32, #tpu.memory_space<vmem_shared>>, %arg28: memref<10000xf32, #tpu.memory_space<vmem_shared>>, %arg29: memref<!tpu.dma_semaphore, #tpu.memory_space<semaphore_mem>>, %arg30: memref<!tpu.dma_semaphore, #tpu.memory_space<semaphore_mem>>) attributes {dimension_semantics = [#tpu.dimension_semantics<core_parallel>, #tpu.dimension_semantics<subcore_parallel>], iteration_bounds = array<i64: 2, 16>, scalar_prefetch = 0 : i64, scratch_operands = 19 : i64, tpu.core_type = #tpu.core_type<sc_vector_subcore>, window_params = [{transform_indices = #map}, {transform_indices = #map1}, {transform_indices = #map1}, {transform_indices = #map}, {transform_indices = #map}, {transform_indices = #map}, {transform_indices = #map1}, {transform_indices = #map}, {transform_indices = #map}, {transform_indices = #map1}]} {
    %iota3A = tpu.iota {dimensions = array<i32: 0>} : vector<16xi32>
    %mul3A = arith.constant 10000 : i32
    %mul3A_0 = arith.muli %arg0, %mul3A : i32
    %eq3A = arith.constant 0 : i32
    %eq3A_1 = arith.cmpi eq, %arg1, %eq3A : i32
    %convert_element_type3A = arith.extui %eq3A_1 : i1 to i32
    %cond3A = arith.constant 0 : i32
    %cond3A_2 = arith.cmpi ne, %convert_element_type3A, %cond3A : i32
    scf.if %cond3A_2 {
      "tpu.region"() ({
        %run_scoped3A = tpu.sem_alloc : memref<!tpu.dma_semaphore, #tpu.memory_space<semaphore_mem>>
        tpu.enqueue_dma source(%arg7 : memref<10000x128xf32, #tpu.memory_space<hbm>>) target(%arg25 : memref<10000x128xf32, #tpu.memory_space<vmem_shared>>) target_semaphore(%run_scoped3A : memref<!tpu.dma_semaphore, #tpu.memory_space<semaphore_mem>>)
        tpu.wait_dma2 semaphore(%run_scoped3A : memref<!tpu.dma_semaphore, #tpu.memory_space<semaphore_mem>>) src(%arg7 : memref<10000x128xf32, #tpu.memory_space<hbm>>) dst(%arg25 : memref<10000x128xf32, #tpu.memory_space<vmem_shared>>)
        tpu.yield
      }) : () -> ()
      "tpu.region"() ({
        %run_scoped3A = tpu.sem_alloc : memref<!tpu.dma_semaphore, #tpu.memory_space<semaphore_mem>>
        tpu.enqueue_dma source(%arg8 : memref<10000xf32, #tpu.memory_space<hbm>>) target(%arg26 : memref<10000xf32, #tpu.memory_space<vmem_shared>>) target_semaphore(%run_scoped3A : memref<!tpu.dma_semaphore, #tpu.memory_space<semaphore_mem>>)
        tpu.wait_dma2 semaphore(%run_scoped3A : memref<!tpu.dma_semaphore, #tpu.memory_space<semaphore_mem>>) src(%arg8 : memref<10000xf32, #tpu.memory_space<hbm>>) dst(%arg26 : memref<10000xf32, #tpu.memory_space<vmem_shared>>)
        tpu.yield
      }) : () -> ()
      "tpu.region"() ({
        %run_scoped3A = tpu.sem_alloc : memref<!tpu.dma_semaphore, #tpu.memory_space<semaphore_mem>>
        %dma_start3A_272 = tpu.memref_slice %arg3[%mul3A_0] : memref<20000xf32, #tpu.memory_space<hbm>> -> memref<10000xf32, #tpu.memory_space<hbm>>
        tpu.enqueue_dma source(%dma_start3A_272 : memref<10000xf32, #tpu.memory_space<hbm>>) target(%arg27 : memref<10000xf32, #tpu.memory_space<vmem_shared>>) target_semaphore(%run_scoped3A : memref<!tpu.dma_semaphore, #tpu.memory_space<semaphore_mem>>)
        %dma_wait3A = tpu.memref_slice %arg3[%mul3A_0] : memref<20000xf32, #tpu.memory_space<hbm>> -> memref<10000xf32, #tpu.memory_space<hbm>>
        tpu.wait_dma2 semaphore(%run_scoped3A : memref<!tpu.dma_semaphore, #tpu.memory_space<semaphore_mem>>) src(%dma_wait3A : memref<10000xf32, #tpu.memory_space<hbm>>) dst(%arg27 : memref<10000xf32, #tpu.memory_space<vmem_shared>>)
        tpu.yield
      }) : () -> ()
      "tpu.region"() ({
        %run_scoped3A = tpu.sem_alloc : memref<!tpu.dma_semaphore, #tpu.memory_space<semaphore_mem>>
        %dma_start3A_272 = tpu.memref_slice %arg4[%mul3A_0] : memref<20000xf32, #tpu.memory_space<hbm>> -> memref<10000xf32, #tpu.memory_space<hbm>>
        tpu.enqueue_dma source(%dma_start3A_272 : memref<10000xf32, #tpu.memory_space<hbm>>) target(%arg28 : memref<10000xf32, #tpu.memory_space<vmem_shared>>) target_semaphore(%run_scoped3A : memref<!tpu.dma_semaphore, #tpu.memory_space<semaphore_mem>>)
        %dma_wait3A = tpu.memref_slice %arg4[%mul3A_0] : memref<20000xf32, #tpu.memory_space<hbm>> -> memref<10000xf32, #tpu.memory_space<hbm>>
        tpu.wait_dma2 semaphore(%run_scoped3A : memref<!tpu.dma_semaphore, #tpu.memory_space<semaphore_mem>>) src(%dma_wait3A : memref<10000xf32, #tpu.memory_space<hbm>>) dst(%arg28 : memref<10000xf32, #tpu.memory_space<vmem_shared>>)
        tpu.yield
      }) : () -> ()
    } else {
    }
    %barrier3A = arith.constant 0 : index
    tpu.barrier barrier_id(%barrier3A)
    %mul3A_3 = arith.constant 16 : i32
    %mul3A_4 = arith.muli %arg0, %mul3A_3 : i32
    %add3A = arith.addi %mul3A_4, %arg1 : i32
    %mul3A_5 = arith.constant 162 : i32
    %mul3A_6 = arith.muli %add3A, %mul3A_5 : i32
    %add3A_7 = arith.constant 0 : i32
    %add3A_8 = arith.addi %mul3A_6, %add3A_7 : i32
    "tpu.region"() ({
      %run_scoped3A = tpu.sem_alloc : memref<!tpu.dma_semaphore, #tpu.memory_space<semaphore_mem>>
      %dma_start3A_272 = arith.constant 0 : i32
      %dma_start3A_273 = tpu.memref_slice %arg5[%add3A_8, %dma_start3A_272] : memref<5184x128xi32, #tpu.memory_space<hbm>> -> memref<1x128xi32, #tpu.memory_space<hbm>>
      %dma_start3A_274 = tpu.memref_squeeze %dma_start3A_273 : memref<1x128xi32, #tpu.memory_space<hbm>> -> memref<128xi32, #tpu.memory_space<hbm>>
      %dma_start3A_275 = arith.constant 0 : i32
      %dma_start3A_276 = tpu.memref_slice %arg5[%add3A_8, %dma_start3A_275] : memref<5184x128xi32, #tpu.memory_space<hbm>> -> memref<1x128xi32, #tpu.memory_space<hbm>>
      %dma_start3A_277 = tpu.memref_squeeze %dma_start3A_276 : memref<1x128xi32, #tpu.memory_space<hbm>> -> memref<128xi32, #tpu.memory_space<hbm>>
      tpu.enqueue_dma source(%dma_start3A_277 : memref<128xi32, #tpu.memory_space<hbm>>) target(%arg12 : memref<128xi32, #tpu.memory_space<vmem>>) target_semaphore(%run_scoped3A : memref<!tpu.dma_semaphore, #tpu.memory_space<semaphore_mem>>)
      %dma_wait3A = arith.constant 0 : i32
      %dma_wait3A_278 = tpu.memref_slice %arg5[%add3A_8, %dma_wait3A] : memref<5184x128xi32, #tpu.memory_space<hbm>> -> memref<1x128xi32, #tpu.memory_space<hbm>>
      %dma_wait3A_279 = tpu.memref_squeeze %dma_wait3A_278 : memref<1x128xi32, #tpu.memory_space<hbm>> -> memref<128xi32, #tpu.memory_space<hbm>>
      %dma_wait3A_280 = arith.constant 0 : i32
      %dma_wait3A_281 = tpu.memref_slice %arg5[%add3A_8, %dma_wait3A_280] : memref<5184x128xi32, #tpu.memory_space<hbm>> -> memref<1x128xi32, #tpu.memory_space<hbm>>
      %dma_wait3A_282 = tpu.memref_squeeze %dma_wait3A_281 : memref<1x128xi32, #tpu.memory_space<hbm>> -> memref<128xi32, #tpu.memory_space<hbm>>
      tpu.wait_dma2 semaphore(%run_scoped3A : memref<!tpu.dma_semaphore, #tpu.memory_space<semaphore_mem>>) src(%dma_wait3A_282 : memref<128xi32, #tpu.memory_space<hbm>>) dst(%arg12 : memref<128xi32, #tpu.memory_space<vmem>>)
      tpu.yield
    }) : () -> ()
    %add3A_9 = arith.constant 0 : i32
    %add3A_10 = arith.addi %mul3A_6, %add3A_9 : i32
    "tpu.region"() ({
      %run_scoped3A = tpu.sem_alloc : memref<!tpu.dma_semaphore, #tpu.memory_space<semaphore_mem>>
      %dma_start3A_272 = arith.constant 0 : i32
      %dma_start3A_273 = tpu.memref_slice %arg6[%add3A_10, %dma_start3A_272] : memref<5184x128xi32, #tpu.memory_space<hbm>> -> memref<1x128xi32, #tpu.memory_space<hbm>>
      %dma_start3A_274 = tpu.memref_squeeze %dma_start3A_273 : memref<1x128xi32, #tpu.memory_space<hbm>> -> memref<128xi32, #tpu.memory_space<hbm>>
      %dma_start3A_275 = arith.constant 0 : i32
      %dma_start3A_276 = tpu.memref_slice %arg6[%add3A_10, %dma_start3A_275] : memref<5184x128xi32, #tpu.memory_space<hbm>> -> memref<1x128xi32, #tpu.memory_space<hbm>>
      %dma_start3A_277 = tpu.memref_squeeze %dma_start3A_276 : memref<1x128xi32, #tpu.memory_space<hbm>> -> memref<128xi32, #tpu.memory_space<hbm>>
      tpu.enqueue_dma source(%dma_start3A_277 : memref<128xi32, #tpu.memory_space<hbm>>) target(%arg13 : memref<128xi32, #tpu.memory_space<vmem>>) target_semaphore(%run_scoped3A : memref<!tpu.dma_semaphore, #tpu.memory_space<semaphore_mem>>)
      %dma_wait3A = arith.constant 0 : i32
      %dma_wait3A_278 = tpu.memref_slice %arg6[%add3A_10, %dma_wait3A] : memref<5184x128xi32, #tpu.memory_space<hbm>> -> memref<1x128xi32, #tpu.memory_space<hbm>>
      %dma_wait3A_279 = tpu.memref_squeeze %dma_wait3A_278 : memref<1x128xi32, #tpu.memory_space<hbm>> -> memref<128xi32, #tpu.memory_space<hbm>>
      %dma_wait3A_280 = arith.constant 0 : i32
      %dma_wait3A_281 = tpu.memref_slice %arg6[%add3A_10, %dma_wait3A_280] : memref<5184x128xi32, #tpu.memory_space<hbm>> -> memref<1x128xi32, #tpu.memory_space<hbm>>
      %dma_wait3A_282 = tpu.memref_squeeze %dma_wait3A_281 : memref<1x128xi32, #tpu.memory_space<hbm>> -> memref<128xi32, #tpu.memory_space<hbm>>
      tpu.wait_dma2 semaphore(%run_scoped3A : memref<!tpu.dma_semaphore, #tpu.memory_space<semaphore_mem>>) src(%dma_wait3A_282 : memref<128xi32, #tpu.memory_space<hbm>>) dst(%arg13 : memref<128xi32, #tpu.memory_space<vmem>>)
      tpu.yield
    }) : () -> ()
    "tpu.region"() ({
      %run_scoped3A = tpu.sem_alloc : memref<!tpu.dma_semaphore, #tpu.memory_space<semaphore_mem>>
      %dma_start3A_272 = arith.constant 0 : i32
      %dma_start3A_273 = tpu.memref_slice %arg27[%dma_start3A_272] : memref<10000xf32, #tpu.memory_space<vmem_shared>> -> memref<10000xf32, #tpu.memory_space<vmem_shared>>
      tpu.enqueue_indirect_dma source(%dma_start3A_273 : memref<10000xf32, #tpu.memory_space<vmem_shared>>) target(%arg14 : memref<128xf32, #tpu.memory_space<vmem>>) offsets(%arg12 : memref<128xi32, #tpu.memory_space<vmem>>) semaphore(%run_scoped3A : memref<!tpu.dma_semaphore, #tpu.memory_space<semaphore_mem>>)
      %dma_wait3A = arith.constant 0 : i32
      %dma_wait3A_274 = tpu.memref_slice %arg27[%dma_wait3A] : memref<10000xf32, #tpu.memory_space<vmem_shared>> -> memref<10000xf32, #tpu.memory_space<vmem_shared>>
      tpu.wait_indirect_dma semaphore(%run_scoped3A : memref<!tpu.dma_semaphore, #tpu.memory_space<semaphore_mem>>) src(%dma_wait3A_274 : memref<10000xf32, #tpu.memory_space<vmem_shared>>) dst(%arg14 : memref<128xf32, #tpu.memory_space<vmem>>)
      tpu.yield
    }) : () -> ()
    "tpu.region"() ({
      %run_scoped3A = tpu.sem_alloc : memref<!tpu.dma_semaphore, #tpu.memory_space<semaphore_mem>>
      %dma_start3A_272 = arith.constant 0 : i32
      %dma_start3A_273 = tpu.memref_slice %arg28[%dma_start3A_272] : memref<10000xf32, #tpu.memory_space<vmem_shared>> -> memref<10000xf32, #tpu.memory_space<vmem_shared>>
      tpu.enqueue_indirect_dma source(%dma_start3A_273 : memref<10000xf32, #tpu.memory_space<vmem_shared>>) target(%arg15 : memref<128xf32, #tpu.memory_space<vmem>>) offsets(%arg13 : memref<128xi32, #tpu.memory_space<vmem>>) semaphore(%run_scoped3A : memref<!tpu.dma_semaphore, #tpu.memory_space<semaphore_mem>>)
      %dma_wait3A = arith.constant 0 : i32
      %dma_wait3A_274 = tpu.memref_slice %arg28[%dma_wait3A] : memref<10000xf32, #tpu.memory_space<vmem_shared>> -> memref<10000xf32, #tpu.memory_space<vmem_shared>>
      tpu.wait_indirect_dma semaphore(%run_scoped3A : memref<!tpu.dma_semaphore, #tpu.memory_space<semaphore_mem>>) src(%dma_wait3A_274 : memref<10000xf32, #tpu.memory_space<vmem_shared>>) dst(%arg15 : memref<128xf32, #tpu.memory_space<vmem>>)
      tpu.yield
    }) : () -> ()
    %get3A = arith.constant 0 : index
    %get3A_11 = tpu.vector_load %arg14[%get3A] {strides = array<i32>} : memref<128xf32, #tpu.memory_space<vmem>>, vector<16xf32>,
    %get3A_12 = arith.constant 0 : index
    %get3A_13 = tpu.vector_load %arg15[%get3A_12] {strides = array<i32>} : memref<128xf32, #tpu.memory_space<vmem>>, vector<16xf32>,
    %add3A_14 = arith.addf %get3A_11, %get3A_13 : vector<16xf32>
    %ge3A = arith.constant 0.000000e+00 : f32
    %ge3A_15 = vector.broadcast %ge3A : f32 to vector<16xf32>
    %ge3A_16 = arith.cmpf oge, %add3A_14, %ge3A_15 : vector<16xf32>
    %mul3A_17 = arith.constant 2.000000e-01 : f32
    %mul3A_18 = vector.broadcast %mul3A_17 : f32 to vector<16xf32>
    %mul3A_19 = arith.mulf %add3A_14, %mul3A_18 : vector<16xf32>
    %select_n3A = arith.select %ge3A_16, %add3A_14, %mul3A_19 : vector<16xi1>, vector<16xf32>
    %exp3A = math.exp %select_n3A : vector<16xf32>
    %add3A_20 = arith.constant 0 : i32
    %add3A_21 = vector.broadcast %add3A_20 : i32 to vector<16xi32>
    %add3A_22 = arith.addi %add3A_21, %iota3A : vector<16xi32>
    %lt3A = arith.constant 20625 : i32
    %lt3A_23 = vector.broadcast %lt3A : i32 to vector<16xi32>
    %lt3A_24 = arith.cmpi slt, %add3A_22, %lt3A_23 : vector<16xi32>
    %jit3A = arith.constant 0.000000e+00 : f32
    %broadcast_in_dim3A = vector.broadcast %jit3A : f32 to vector<16xf32>
    %select_n3A_25 = arith.select %lt3A_24, %exp3A, %broadcast_in_dim3A : vector<16xi1>, vector<16xf32>
    %swap3A = arith.constant 0 : index
    %swap3A_26 = tpu.vector_load %arg16[%swap3A] {strides = array<i32>} : memref<128xf32, #tpu.memory_space<vmem>>, vector<16xf32>,
    tpu.vector_store %arg16[%swap3A], %select_n3A_25 {strides = array<i32>} : memref<128xf32, #tpu.memory_space<vmem>>, vector<16xf32>,
    %get3A_27 = arith.constant 0 : index
    %get3A_28 = tpu.vector_load %arg12[%get3A_27] {strides = array<i32>} : memref<128xi32, #tpu.memory_space<vmem>>, vector<16xi32>,
    %add3A_29 = vector.broadcast %mul3A_0 : i32 to vector<16xi32>
    %add3A_30 = arith.addi %get3A_28, %add3A_29 : vector<16xi32>
    %swap3A_31 = arith.constant 0 : index
    %swap3A_32 = tpu.vector_load %arg12[%swap3A_31] {strides = array<i32>} : memref<128xi32, #tpu.memory_space<vmem>>, vector<16xi32>,
    tpu.vector_store %arg12[%swap3A_31], %add3A_30 {strides = array<i32>} : memref<128xi32, #tpu.memory_space<vmem>>, vector<16xi32>,
    %get3A_33 = arith.constant 16 : index
    %get3A_34 = tpu.vector_load %arg14[%get3A_33] {strides = array<i32>} : memref<128xf32, #tpu.memory_space<vmem>>, vector<16xf32>,
    %get3A_35 = arith.constant 16 : index
    %get3A_36 = tpu.vector_load %arg15[%get3A_35] {strides = array<i32>} : memref<128xf32, #tpu.memory_space<vmem>>, vector<16xf32>,
    %add3A_37 = arith.addf %get3A_34, %get3A_36 : vector<16xf32>
    %ge3A_38 = arith.constant 0.000000e+00 : f32
    %ge3A_39 = vector.broadcast %ge3A_38 : f32 to vector<16xf32>
    %ge3A_40 = arith.cmpf oge, %add3A_37, %ge3A_39 : vector<16xf32>
    %mul3A_41 = arith.constant 2.000000e-01 : f32
    %mul3A_42 = vector.broadcast %mul3A_41 : f32 to vector<16xf32>
    %mul3A_43 = arith.mulf %add3A_37, %mul3A_42 : vector<16xf32>
    %select_n3A_44 = arith.select %ge3A_40, %add3A_37, %mul3A_43 : vector<16xi1>, vector<16xf32>
    %exp3A_45 = math.exp %select_n3A_44 : vector<16xf32>
    %add3A_46 = arith.constant 16 : i32
    %add3A_47 = vector.broadcast %add3A_46 : i32 to vector<16xi32>
    %add3A_48 = arith.addi %add3A_47, %iota3A : vector<16xi32>
    %lt3A_49 = arith.constant 20625 : i32
    %lt3A_50 = vector.broadcast %lt3A_49 : i32 to vector<16xi32>
    %lt3A_51 = arith.cmpi slt, %add3A_48, %lt3A_50 : vector<16xi32>
    %jit3A_52 = arith.constant 0.000000e+00 : f32
    %broadcast_in_dim3A_53 = vector.broadcast %jit3A_52 : f32 to vector<16xf32>
    %select_n3A_54 = arith.select %lt3A_51, %exp3A_45, %broadcast_in_dim3A_53 : vector<16xi1>, vector<16xf32>
    %swap3A_55 = arith.constant 16 : index
    %swap3A_56 = tpu.vector_load %arg16[%swap3A_55] {strides = array<i32>} : memref<128xf32, #tpu.memory_space<vmem>>, vector<16xf32>,
    tpu.vector_store %arg16[%swap3A_55], %select_n3A_54 {strides = array<i32>} : memref<128xf32, #tpu.memory_space<vmem>>, vector<16xf32>,
    %get3A_57 = arith.constant 16 : index
    %get3A_58 = tpu.vector_load %arg12[%get3A_57] {strides = array<i32>} : memref<128xi32, #tpu.memory_space<vmem>>, vector<16xi32>,
    %add3A_59 = vector.broadcast %mul3A_0 : i32 to vector<16xi32>
    %add3A_60 = arith.addi %get3A_58, %add3A_59 : vector<16xi32>
    %swap3A_61 = arith.constant 16 : index
    %swap3A_62 = tpu.vector_load %arg12[%swap3A_61] {strides = array<i32>} : memref<128xi32, #tpu.memory_space<vmem>>, vector<16xi32>,
    tpu.vector_store %arg12[%swap3A_61], %add3A_60 {strides = array<i32>} : memref<128xi32, #tpu.memory_space<vmem>>, vector<16xi32>,
    %get3A_63 = arith.constant 32 : index
    %get3A_64 = tpu.vector_load %arg14[%get3A_63] {strides = array<i32>} : memref<128xf32, #tpu.memory_space<vmem>>, vector<16xf32>,
    %get3A_65 = arith.constant 32 : index
    %get3A_66 = tpu.vector_load %arg15[%get3A_65] {strides = array<i32>} : memref<128xf32, #tpu.memory_space<vmem>>, vector<16xf32>,
    %add3A_67 = arith.addf %get3A_64, %get3A_66 : vector<16xf32>
    %ge3A_68 = arith.constant 0.000000e+00 : f32
    %ge3A_69 = vector.broadcast %ge3A_68 : f32 to vector<16xf32>
    %ge3A_70 = arith.cmpf oge, %add3A_67, %ge3A_69 : vector<16xf32>
    %mul3A_71 = arith.constant 2.000000e-01 : f32
    %mul3A_72 = vector.broadcast %mul3A_71 : f32 to vector<16xf32>
    %mul3A_73 = arith.mulf %add3A_67, %mul3A_72 : vector<16xf32>
    %select_n3A_74 = arith.select %ge3A_70, %add3A_67, %mul3A_73 : vector<16xi1>, vector<16xf32>
    %exp3A_75 = math.exp %select_n3A_74 : vector<16xf32>
    %add3A_76 = arith.constant 32 : i32
    %add3A_77 = vector.broadcast %add3A_76 : i32 to vector<16xi32>
    %add3A_78 = arith.addi %add3A_77, %iota3A : vector<16xi32>
    %lt3A_79 = arith.constant 20625 : i32
    %lt3A_80 = vector.broadcast %lt3A_79 : i32 to vector<16xi32>
    %lt3A_81 = arith.cmpi slt, %add3A_78, %lt3A_80 : vector<16xi32>
    %jit3A_82 = arith.constant 0.000000e+00 : f32
    %broadcast_in_dim3A_83 = vector.broadcast %jit3A_82 : f32 to vector<16xf32>
    %select_n3A_84 = arith.select %lt3A_81, %exp3A_75, %broadcast_in_dim3A_83 : vector<16xi1>, vector<16xf32>
    %swap3A_85 = arith.constant 32 : index
    %swap3A_86 = tpu.vector_load %arg16[%swap3A_85] {strides = array<i32>} : memref<128xf32, #tpu.memory_space<vmem>>, vector<16xf32>,
    tpu.vector_store %arg16[%swap3A_85], %select_n3A_84 {strides = array<i32>} : memref<128xf32, #tpu.memory_space<vmem>>, vector<16xf32>,
    %get3A_87 = arith.constant 32 : index
    %get3A_88 = tpu.vector_load %arg12[%get3A_87] {strides = array<i32>} : memref<128xi32, #tpu.memory_space<vmem>>, vector<16xi32>,
    %add3A_89 = vector.broadcast %mul3A_0 : i32 to vector<16xi32>
    %add3A_90 = arith.addi %get3A_88, %add3A_89 : vector<16xi32>
    %swap3A_91 = arith.constant 32 : index
    %swap3A_92 = tpu.vector_load %arg12[%swap3A_91] {strides = array<i32>} : memref<128xi32, #tpu.memory_space<vmem>>, vector<16xi32>,
    tpu.vector_store %arg12[%swap3A_91], %add3A_90 {strides = array<i32>} : memref<128xi32, #tpu.memory_space<vmem>>, vector<16xi32>,
    %get3A_93 = arith.constant 48 : index
    %get3A_94 = tpu.vector_load %arg14[%get3A_93] {strides = array<i32>} : memref<128xf32, #tpu.memory_space<vmem>>, vector<16xf32>,
    %get3A_95 = arith.constant 48 : index
    %get3A_96 = tpu.vector_load %arg15[%get3A_95] {strides = array<i32>} : memref<128xf32, #tpu.memory_space<vmem>>, vector<16xf32>,
    %add3A_97 = arith.addf %get3A_94, %get3A_96 : vector<16xf32>
    %ge3A_98 = arith.constant 0.000000e+00 : f32
    %ge3A_99 = vector.broadcast %ge3A_98 : f32 to vector<16xf32>
    %ge3A_100 = arith.cmpf oge, %add3A_97, %ge3A_99 : vector<16xf32>
    %mul3A_101 = arith.constant 2.000000e-01 : f32
    %mul3A_102 = vector.broadcast %mul3A_101 : f32 to vector<16xf32>
    %mul3A_103 = arith.mulf %add3A_97, %mul3A_102 : vector<16xf32>
    %select_n3A_104 = arith.select %ge3A_100, %add3A_97, %mul3A_103 : vector<16xi1>, vector<16xf32>
    %exp3A_105 = math.exp %select_n3A_104 : vector<16xf32>
    %add3A_106 = arith.constant 48 : i32
    %add3A_107 = vector.broadcast %add3A_106 : i32 to vector<16xi32>
    %add3A_108 = arith.addi %add3A_107, %iota3A : vector<16xi32>
    %lt3A_109 = arith.constant 20625 : i32
    %lt3A_110 = vector.broadcast %lt3A_109 : i32 to vector<16xi32>
    %lt3A_111 = arith.cmpi slt, %add3A_108, %lt3A_110 : vector<16xi32>
    %jit3A_112 = arith.constant 0.000000e+00 : f32
    %broadcast_in_dim3A_113 = vector.broadcast %jit3A_112 : f32 to vector<16xf32>
    %select_n3A_114 = arith.select %lt3A_111, %exp3A_105, %broadcast_in_dim3A_113 : vector<16xi1>, vector<16xf32>
    %swap3A_115 = arith.constant 48 : index
    %swap3A_116 = tpu.vector_load %arg16[%swap3A_115] {strides = array<i32>} : memref<128xf32, #tpu.memory_space<vmem>>, vector<16xf32>,
    tpu.vector_store %arg16[%swap3A_115], %select_n3A_114 {strides = array<i32>} : memref<128xf32, #tpu.memory_space<vmem>>, vector<16xf32>,
    %get3A_117 = arith.constant 48 : index
    %get3A_118 = tpu.vector_load %arg12[%get3A_117] {strides = array<i32>} : memref<128xi32, #tpu.memory_space<vmem>>, vector<16xi32>,
    %add3A_119 = vector.broadcast %mul3A_0 : i32 to vector<16xi32>
    %add3A_120 = arith.addi %get3A_118, %add3A_119 : vector<16xi32>
    %swap3A_121 = arith.constant 48 : index
    %swap3A_122 = tpu.vector_load %arg12[%swap3A_121] {strides = array<i32>} : memref<128xi32, #tpu.memory_space<vmem>>, vector<16xi32>,
    tpu.vector_store %arg12[%swap3A_121], %add3A_120 {strides = array<i32>} : memref<128xi32, #tpu.memory_space<vmem>>, vector<16xi32>,
    %get3A_123 = arith.constant 64 : index
    %get3A_124 = tpu.vector_load %arg14[%get3A_123] {strides = array<i32>} : memref<128xf32, #tpu.memory_space<vmem>>, vector<16xf32>,
    %get3A_125 = arith.constant 64 : index
    %get3A_126 = tpu.vector_load %arg15[%get3A_125] {strides = array<i32>} : memref<128xf32, #tpu.memory_space<vmem>>, vector<16xf32>,
    %add3A_127 = arith.addf %get3A_124, %get3A_126 : vector<16xf32>
    %ge3A_128 = arith.constant 0.000000e+00 : f32
    %ge3A_129 = vector.broadcast %ge3A_128 : f32 to vector<16xf32>
    %ge3A_130 = arith.cmpf oge, %add3A_127, %ge3A_129 : vector<16xf32>
    %mul3A_131 = arith.constant 2.000000e-01 : f32
    %mul3A_132 = vector.broadcast %mul3A_131 : f32 to vector<16xf32>
    %mul3A_133 = arith.mulf %add3A_127, %mul3A_132 : vector<16xf32>
    %select_n3A_134 = arith.select %ge3A_130, %add3A_127, %mul3A_133 : vector<16xi1>, vector<16xf32>
    %exp3A_135 = math.exp %select_n3A_134 : vector<16xf32>
    %add3A_136 = arith.constant 64 : i32
    %add3A_137 = vector.broadcast %add3A_136 : i32 to vector<16xi32>
    %add3A_138 = arith.addi %add3A_137, %iota3A : vector<16xi32>
    %lt3A_139 = arith.constant 20625 : i32
    %lt3A_140 = vector.broadcast %lt3A_139 : i32 to vector<16xi32>
    %lt3A_141 = arith.cmpi slt, %add3A_138, %lt3A_140 : vector<16xi32>
    %jit3A_142 = arith.constant 0.000000e+00 : f32
    %broadcast_in_dim3A_143 = vector.broadcast %jit3A_142 : f32 to vector<16xf32>
    %select_n3A_144 = arith.select %lt3A_141, %exp3A_135, %broadcast_in_dim3A_143 : vector<16xi1>, vector<16xf32>
    %swap3A_145 = arith.constant 64 : index
    %swap3A_146 = tpu.vector_load %arg16[%swap3A_145] {strides = array<i32>} : memref<128xf32, #tpu.memory_space<vmem>>, vector<16xf32>,
    tpu.vector_store %arg16[%swap3A_145], %select_n3A_144 {strides = array<i32>} : memref<128xf32, #tpu.memory_space<vmem>>, vector<16xf32>,
    %get3A_147 = arith.constant 64 : index
    %get3A_148 = tpu.vector_load %arg12[%get3A_147] {strides = array<i32>} : memref<128xi32, #tpu.memory_space<vmem>>, vector<16xi32>,
    %add3A_149 = vector.broadcast %mul3A_0 : i32 to vector<16xi32>
    %add3A_150 = arith.addi %get3A_148, %add3A_149 : vector<16xi32>
    %swap3A_151 = arith.constant 64 : index
    %swap3A_152 = tpu.vector_load %arg12[%swap3A_151] {strides = array<i32>} : memref<128xi32, #tpu.memory_space<vmem>>, vector<16xi32>,
    tpu.vector_store %arg12[%swap3A_151], %add3A_150 {strides = array<i32>} : memref<128xi32, #tpu.memory_space<vmem>>, vector<16xi32>,
    %get3A_153 = arith.constant 80 : index
    %get3A_154 = tpu.vector_load %arg14[%get3A_153] {strides = array<i32>} : memref<128xf32, #tpu.memory_space<vmem>>, vector<16xf32>,
    %get3A_155 = arith.constant 80 : index
    %get3A_156 = tpu.vector_load %arg15[%get3A_155] {strides = array<i32>} : memref<128xf32, #tpu.memory_space<vmem>>, vector<16xf32>,
    %add3A_157 = arith.addf %get3A_154, %get3A_156 : vector<16xf32>
    %ge3A_158 = arith.constant 0.000000e+00 : f32
    %ge3A_159 = vector.broadcast %ge3A_158 : f32 to vector<16xf32>
    %ge3A_160 = arith.cmpf oge, %add3A_157, %ge3A_159 : vector<16xf32>
    %mul3A_161 = arith.constant 2.000000e-01 : f32
    %mul3A_162 = vector.broadcast %mul3A_161 : f32 to vector<16xf32>
    %mul3A_163 = arith.mulf %add3A_157, %mul3A_162 : vector<16xf32>
    %select_n3A_164 = arith.select %ge3A_160, %add3A_157, %mul3A_163 : vector<16xi1>, vector<16xf32>
    %exp3A_165 = math.exp %select_n3A_164 : vector<16xf32>
    %add3A_166 = arith.constant 80 : i32
    %add3A_167 = vector.broadcast %add3A_166 : i32 to vector<16xi32>
    %add3A_168 = arith.addi %add3A_167, %iota3A : vector<16xi32>
    %lt3A_169 = arith.constant 20625 : i32
    %lt3A_170 = vector.broadcast %lt3A_169 : i32 to vector<16xi32>
    %lt3A_171 = arith.cmpi slt, %add3A_168, %lt3A_170 : vector<16xi32>
    %jit3A_172 = arith.constant 0.000000e+00 : f32
    %broadcast_in_dim3A_173 = vector.broadcast %jit3A_172 : f32 to vector<16xf32>
    %select_n3A_174 = arith.select %lt3A_171, %exp3A_165, %broadcast_in_dim3A_173 : vector<16xi1>, vector<16xf32>
    %swap3A_175 = arith.constant 80 : index
    %swap3A_176 = tpu.vector_load %arg16[%swap3A_175] {strides = array<i32>} : memref<128xf32, #tpu.memory_space<vmem>>, vector<16xf32>,
    tpu.vector_store %arg16[%swap3A_175], %select_n3A_174 {strides = array<i32>} : memref<128xf32, #tpu.memory_space<vmem>>, vector<16xf32>,
    %get3A_177 = arith.constant 80 : index
    %get3A_178 = tpu.vector_load %arg12[%get3A_177] {strides = array<i32>} : memref<128xi32, #tpu.memory_space<vmem>>, vector<16xi32>,
    %add3A_179 = vector.broadcast %mul3A_0 : i32 to vector<16xi32>
    %add3A_180 = arith.addi %get3A_178, %add3A_179 : vector<16xi32>
    %swap3A_181 = arith.constant 80 : index
    %swap3A_182 = tpu.vector_load %arg12[%swap3A_181] {strides = array<i32>} : memref<128xi32, #tpu.memory_space<vmem>>, vector<16xi32>,
    tpu.vector_store %arg12[%swap3A_181], %add3A_180 {strides = array<i32>} : memref<128xi32, #tpu.memory_space<vmem>>, vector<16xi32>,
    %get3A_183 = arith.constant 96 : index
    %get3A_184 = tpu.vector_load %arg14[%get3A_183] {strides = array<i32>} : memref<128xf32, #tpu.memory_space<vmem>>, vector<16xf32>,
    %get3A_185 = arith.constant 96 : index
    %get3A_186 = tpu.vector_load %arg15[%get3A_185] {strides = array<i32>} : memref<128xf32, #tpu.memory_space<vmem>>, vector<16xf32>,
    %add3A_187 = arith.addf %get3A_184, %get3A_186 : vector<16xf32>
    %ge3A_188 = arith.constant 0.000000e+00 : f32
    %ge3A_189 = vector.broadcast %ge3A_188 : f32 to vector<16xf32>
    %ge3A_190 = arith.cmpf oge, %add3A_187, %ge3A_189 : vector<16xf32>
    %mul3A_191 = arith.constant 2.000000e-01 : f32
    %mul3A_192 = vector.broadcast %mul3A_191 : f32 to vector<16xf32>
    %mul3A_193 = arith.mulf %add3A_187, %mul3A_192 : vector<16xf32>
    %select_n3A_194 = arith.select %ge3A_190, %add3A_187, %mul3A_193 : vector<16xi1>, vector<16xf32>
    %exp3A_195 = math.exp %select_n3A_194 : vector<16xf32>
    %add3A_196 = arith.constant 96 : i32
    %add3A_197 = vector.broadcast %add3A_196 : i32 to vector<16xi32>
    %add3A_198 = arith.addi %add3A_197, %iota3A : vector<16xi32>
    %lt3A_199 = arith.constant 20625 : i32
    %lt3A_200 = vector.broadcast %lt3A_199 : i32 to vector<16xi32>
    %lt3A_201 = arith.cmpi slt, %add3A_198, %lt3A_200 : vector<16xi32>
    %jit3A_202 = arith.constant 0.000000e+00 : f32
    %broadcast_in_dim3A_203 = vector.broadcast %jit3A_202 : f32 to vector<16xf32>
    %select_n3A_204 = arith.select %lt3A_201, %exp3A_195, %broadcast_in_dim3A_203 : vector<16xi1>, vector<16xf32>
    %swap3A_205 = arith.constant 96 : index
    %swap3A_206 = tpu.vector_load %arg16[%swap3A_205] {strides = array<i32>} : memref<128xf32, #tpu.memory_space<vmem>>, vector<16xf32>,
    tpu.vector_store %arg16[%swap3A_205], %select_n3A_204 {strides = array<i32>} : memref<128xf32, #tpu.memory_space<vmem>>, vector<16xf32>,
    %get3A_207 = arith.constant 96 : index
    %get3A_208 = tpu.vector_load %arg12[%get3A_207] {strides = array<i32>} : memref<128xi32, #tpu.memory_space<vmem>>, vector<16xi32>,
    %add3A_209 = vector.broadcast %mul3A_0 : i32 to vector<16xi32>
    %add3A_210 = arith.addi %get3A_208, %add3A_209 : vector<16xi32>
    %swap3A_211 = arith.constant 96 : index
    %swap3A_212 = tpu.vector_load %arg12[%swap3A_211] {strides = array<i32>} : memref<128xi32, #tpu.memory_space<vmem>>, vector<16xi32>,
    tpu.vector_store %arg12[%swap3A_211], %add3A_210 {strides = array<i32>} : memref<128xi32, #tpu.memory_space<vmem>>, vector<16xi32>,
    %get3A_213 = arith.constant 112 : index
    %get3A_214 = tpu.vector_load %arg14[%get3A_213] {strides = array<i32>} : memref<128xf32, #tpu.memory_space<vmem>>, vector<16xf32>,
    %get3A_215 = arith.constant 112 : index
    %get3A_216 = tpu.vector_load %arg15[%get3A_215] {strides = array<i32>} : memref<128xf32, #tpu.memory_space<vmem>>, vector<16xf32>,
    %add3A_217 = arith.addf %get3A_214, %get3A_216 : vector<16xf32>
    %ge3A_218 = arith.constant 0.000000e+00 : f32
    %ge3A_219 = vector.broadcast %ge3A_218 : f32 to vector<16xf32>
    %ge3A_220 = arith.cmpf oge, %add3A_217, %ge3A_219 : vector<16xf32>
    %mul3A_221 = arith.constant 2.000000e-01 : f32
    %mul3A_222 = vector.broadcast %mul3A_221 : f32 to vector<16xf32>
    %mul3A_223 = arith.mulf %add3A_217, %mul3A_222 : vector<16xf32>
    %select_n3A_224 = arith.select %ge3A_220, %add3A_217, %mul3A_223 : vector<16xi1>, vector<16xf32>
    %exp3A_225 = math.exp %select_n3A_224 : vector<16xf32>
    %add3A_226 = arith.constant 112 : i32
    %add3A_227 = vector.broadcast %add3A_226 : i32 to vector<16xi32>
    %add3A_228 = arith.addi %add3A_227, %iota3A : vector<16xi32>
    %lt3A_229 = arith.constant 20625 : i32
    %lt3A_230 = vector.broadcast %lt3A_229 : i32 to vector<16xi32>
    %lt3A_231 = arith.cmpi slt, %add3A_228, %lt3A_230 : vector<16xi32>
    %jit3A_232 = arith.constant 0.000000e+00 : f32
    %broadcast_in_dim3A_233 = vector.broadcast %jit3A_232 : f32 to vector<16xf32>
    %select_n3A_234 = arith.select %lt3A_231, %exp3A_225, %broadcast_in_dim3A_233 : vector<16xi1>, vector<16xf32>
    %swap3A_235 = arith.constant 112 : index
    %swap3A_236 = tpu.vector_load %arg16[%swap3A_235] {strides = array<i32>} : memref<128xf32, #tpu.memory_space<vmem>>, vector<16xf32>,
    tpu.vector_store %arg16[%swap3A_235], %select_n3A_234 {strides = array<i32>} : memref<128xf32, #tpu.memory_space<vmem>>, vector<16xf32>,
    %get3A_237 = arith.constant 112 : index
    %get3A_238 = tpu.vector_load %arg12[%get3A_237] {strides = array<i32>} : memref<128xi32, #tpu.memory_space<vmem>>, vector<16xi32>,
    %add3A_239 = vector.broadcast %mul3A_0 : i32 to vector<16xi32>
    %add3A_240 = arith.addi %get3A_238, %add3A_239 : vector<16xi32>
    %swap3A_241 = arith.constant 112 : index
    %swap3A_242 = tpu.vector_load %arg12[%swap3A_241] {strides = array<i32>} : memref<128xi32, #tpu.memory_space<vmem>>, vector<16xi32>,
    tpu.vector_store %arg12[%swap3A_241], %add3A_240 {strides = array<i32>} : memref<128xi32, #tpu.memory_space<vmem>>, vector<16xi32>,
    %dma_start3A = arith.constant 0 : i32
    %dma_start3A_243 = arith.constant 0 : i32
    %dma_start3A_244 = tpu.memref_slice %arg2[%dma_start3A, %dma_start3A_243] : memref<20000x128xf32, #tpu.memory_space<hbm>> -> memref<20000x128xf32, #tpu.memory_space<hbm>>
    tpu.enqueue_indirect_dma source(%dma_start3A_244 : memref<20000x128xf32, #tpu.memory_space<hbm>>) target(%arg17 : memref<128x128xf32, #tpu.memory_space<vmem>>) offsets(%arg12 : memref<128xi32, #tpu.memory_space<vmem>>) semaphore(%arg29 : memref<!tpu.dma_semaphore, #tpu.memory_space<semaphore_mem>>)
    %scan3A = arith.constant 0 : i32
    %scan3A_245 = arith.constant 0 : i32
    %scan3A_246 = arith.constant 81 : i32
    %scan3A_247 = arith.addi %scan3A_245, %scan3A_246 : i32
    %scan3A_248 = arith.constant 1 : i32
    %scan3A_249 = scf.for %scan3A_272 = %scan3A_245 to %scan3A_247 step %scan3A_248 iter_args(%scan3A_273 = %scan3A) -> (i32)  : i32 {
      %mul3A_274 = arith.constant 2 : i32
      %mul3A_275 = arith.muli %mul3A_274, %scan3A_272 : i32
      %add3A_276 = arith.constant 1 : i32
      %add3A_277 = arith.addi %mul3A_275, %add3A_276 : i32
      %add3A_278 = arith.addi %mul3A_6, %add3A_277 : i32
      "tpu.region"() ({
        %run_scoped3A = tpu.sem_alloc : memref<!tpu.dma_semaphore, #tpu.memory_space<semaphore_mem>>
        %dma_start3A_574 = arith.constant 0 : i32
        %dma_start3A_575 = tpu.memref_slice %arg5[%add3A_278, %dma_start3A_574] : memref<5184x128xi32, #tpu.memory_space<hbm>> -> memref<1x128xi32, #tpu.memory_space<hbm>>
        %dma_start3A_576 = tpu.memref_squeeze %dma_start3A_575 : memref<1x128xi32, #tpu.memory_space<hbm>> -> memref<128xi32, #tpu.memory_space<hbm>>
        %dma_start3A_577 = arith.constant 0 : i32
        %dma_start3A_578 = tpu.memref_slice %arg5[%add3A_278, %dma_start3A_577] : memref<5184x128xi32, #tpu.memory_space<hbm>> -> memref<1x128xi32, #tpu.memory_space<hbm>>
        %dma_start3A_579 = tpu.memref_squeeze %dma_start3A_578 : memref<1x128xi32, #tpu.memory_space<hbm>> -> memref<128xi32, #tpu.memory_space<hbm>>
        tpu.enqueue_dma source(%dma_start3A_579 : memref<128xi32, #tpu.memory_space<hbm>>) target(%arg18 : memref<128xi32, #tpu.memory_space<vmem>>) target_semaphore(%run_scoped3A : memref<!tpu.dma_semaphore, #tpu.memory_space<semaphore_mem>>)
        %dma_wait3A_580 = arith.constant 0 : i32
        %dma_wait3A_581 = tpu.memref_slice %arg5[%add3A_278, %dma_wait3A_580] : memref<5184x128xi32, #tpu.memory_space<hbm>> -> memref<1x128xi32, #tpu.memory_space<hbm>>
        %dma_wait3A_582 = tpu.memref_squeeze %dma_wait3A_581 : memref<1x128xi32, #tpu.memory_space<hbm>> -> memref<128xi32, #tpu.memory_space<hbm>>
        %dma_wait3A_583 = arith.constant 0 : i32
        %dma_wait3A_584 = tpu.memref_slice %arg5[%add3A_278, %dma_wait3A_583] : memref<5184x128xi32, #tpu.memory_space<hbm>> -> memref<1x128xi32, #tpu.memory_space<hbm>>
        %dma_wait3A_585 = tpu.memref_squeeze %dma_wait3A_584 : memref<1x128xi32, #tpu.memory_space<hbm>> -> memref<128xi32, #tpu.memory_space<hbm>>
        tpu.wait_dma2 semaphore(%run_scoped3A : memref<!tpu.dma_semaphore, #tpu.memory_space<semaphore_mem>>) src(%dma_wait3A_585 : memref<128xi32, #tpu.memory_space<hbm>>) dst(%arg18 : memref<128xi32, #tpu.memory_space<vmem>>)
        tpu.yield
      }) : () -> ()
      %add3A_279 = arith.addi %mul3A_6, %add3A_277 : i32
      "tpu.region"() ({
        %run_scoped3A = tpu.sem_alloc : memref<!tpu.dma_semaphore, #tpu.memory_space<semaphore_mem>>
        %dma_start3A_574 = arith.constant 0 : i32
        %dma_start3A_575 = tpu.memref_slice %arg6[%add3A_279, %dma_start3A_574] : memref<5184x128xi32, #tpu.memory_space<hbm>> -> memref<1x128xi32, #tpu.memory_space<hbm>>
        %dma_start3A_576 = tpu.memref_squeeze %dma_start3A_575 : memref<1x128xi32, #tpu.memory_space<hbm>> -> memref<128xi32, #tpu.memory_space<hbm>>
        %dma_start3A_577 = arith.constant 0 : i32
        %dma_start3A_578 = tpu.memref_slice %arg6[%add3A_279, %dma_start3A_577] : memref<5184x128xi32, #tpu.memory_space<hbm>> -> memref<1x128xi32, #tpu.memory_space<hbm>>
        %dma_start3A_579 = tpu.memref_squeeze %dma_start3A_578 : memref<1x128xi32, #tpu.memory_space<hbm>> -> memref<128xi32, #tpu.memory_space<hbm>>
        tpu.enqueue_dma source(%dma_start3A_579 : memref<128xi32, #tpu.memory_space<hbm>>) target(%arg19 : memref<128xi32, #tpu.memory_space<vmem>>) target_semaphore(%run_scoped3A : memref<!tpu.dma_semaphore, #tpu.memory_space<semaphore_mem>>)
        %dma_wait3A_580 = arith.constant 0 : i32
        %dma_wait3A_581 = tpu.memref_slice %arg6[%add3A_279, %dma_wait3A_580] : memref<5184x128xi32, #tpu.memory_space<hbm>> -> memref<1x128xi32, #tpu.memory_space<hbm>>
        %dma_wait3A_582 = tpu.memref_squeeze %dma_wait3A_581 : memref<1x128xi32, #tpu.memory_space<hbm>> -> memref<128xi32, #tpu.memory_space<hbm>>
        %dma_wait3A_583 = arith.constant 0 : i32
        %dma_wait3A_584 = tpu.memref_slice %arg6[%add3A_279, %dma_wait3A_583] : memref<5184x128xi32, #tpu.memory_space<hbm>> -> memref<1x128xi32, #tpu.memory_space<hbm>>
        %dma_wait3A_585 = tpu.memref_squeeze %dma_wait3A_584 : memref<1x128xi32, #tpu.memory_space<hbm>> -> memref<128xi32, #tpu.memory_space<hbm>>
        tpu.wait_dma2 semaphore(%run_scoped3A : memref<!tpu.dma_semaphore, #tpu.memory_space<semaphore_mem>>) src(%dma_wait3A_585 : memref<128xi32, #tpu.memory_space<hbm>>) dst(%arg19 : memref<128xi32, #tpu.memory_space<vmem>>)
        tpu.yield
      }) : () -> ()
      "tpu.region"() ({
        %run_scoped3A = tpu.sem_alloc : memref<!tpu.dma_semaphore, #tpu.memory_space<semaphore_mem>>
        %dma_start3A_574 = arith.constant 0 : i32
        %dma_start3A_575 = tpu.memref_slice %arg27[%dma_start3A_574] : memref<10000xf32, #tpu.memory_space<vmem_shared>> -> memref<10000xf32, #tpu.memory_space<vmem_shared>>
        tpu.enqueue_indirect_dma source(%dma_start3A_575 : memref<10000xf32, #tpu.memory_space<vmem_shared>>) target(%arg20 : memref<128xf32, #tpu.memory_space<vmem>>) offsets(%arg18 : memref<128xi32, #tpu.memory_space<vmem>>) semaphore(%run_scoped3A : memref<!tpu.dma_semaphore, #tpu.memory_space<semaphore_mem>>)
        %dma_wait3A_576 = arith.constant 0 : i32
        %dma_wait3A_577 = tpu.memref_slice %arg27[%dma_wait3A_576] : memref<10000xf32, #tpu.memory_space<vmem_shared>> -> memref<10000xf32, #tpu.memory_space<vmem_shared>>
        tpu.wait_indirect_dma semaphore(%run_scoped3A : memref<!tpu.dma_semaphore, #tpu.memory_space<semaphore_mem>>) src(%dma_wait3A_577 : memref<10000xf32, #tpu.memory_space<vmem_shared>>) dst(%arg20 : memref<128xf32, #tpu.memory_space<vmem>>)
        tpu.yield
      }) : () -> ()
      "tpu.region"() ({
        %run_scoped3A = tpu.sem_alloc : memref<!tpu.dma_semaphore, #tpu.memory_space<semaphore_mem>>
        %dma_start3A_574 = arith.constant 0 : i32
        %dma_start3A_575 = tpu.memref_slice %arg28[%dma_start3A_574] : memref<10000xf32, #tpu.memory_space<vmem_shared>> -> memref<10000xf32, #tpu.memory_space<vmem_shared>>
        tpu.enqueue_indirect_dma source(%dma_start3A_575 : memref<10000xf32, #tpu.memory_space<vmem_shared>>) target(%arg21 : memref<128xf32, #tpu.memory_space<vmem>>) offsets(%arg19 : memref<128xi32, #tpu.memory_space<vmem>>) semaphore(%run_scoped3A : memref<!tpu.dma_semaphore, #tpu.memory_space<semaphore_mem>>)
        %dma_wait3A_576 = arith.constant 0 : i32
        %dma_wait3A_577 = tpu.memref_slice %arg28[%dma_wait3A_576] : memref<10000xf32, #tpu.memory_space<vmem_shared>> -> memref<10000xf32, #tpu.memory_space<vmem_shared>>
        tpu.wait_indirect_dma semaphore(%run_scoped3A : memref<!tpu.dma_semaphore, #tpu.memory_space<semaphore_mem>>) src(%dma_wait3A_577 : memref<10000xf32, #tpu.memory_space<vmem_shared>>) dst(%arg21 : memref<128xf32, #tpu.memory_space<vmem>>)
        tpu.yield
      }) : () -> ()
      %get3A_280 = arith.constant 0 : index
      %get3A_281 = tpu.vector_load %arg20[%get3A_280] {strides = array<i32>} : memref<128xf32, #tpu.memory_space<vmem>>, vector<16xf32>,
      %get3A_282 = arith.constant 0 : index
      %get3A_283 = tpu.vector_load %arg21[%get3A_282] {strides = array<i32>} : memref<128xf32, #tpu.memory_space<vmem>>, vector<16xf32>,
      %add3A_284 = arith.addf %get3A_281, %get3A_283 : vector<16xf32>
      %ge3A_285 = arith.constant 0.000000e+00 : f32
      %ge3A_286 = vector.broadcast %ge3A_285 : f32 to vector<16xf32>
      %ge3A_287 = arith.cmpf oge, %add3A_284, %ge3A_286 : vector<16xf32>
      %mul3A_288 = arith.constant 2.000000e-01 : f32
      %mul3A_289 = vector.broadcast %mul3A_288 : f32 to vector<16xf32>
      %mul3A_290 = arith.mulf %add3A_284, %mul3A_289 : vector<16xf32>
      %select_n3A_291 = arith.select %ge3A_287, %add3A_284, %mul3A_290 : vector<16xi1>, vector<16xf32>
      %exp3A_292 = math.exp %select_n3A_291 : vector<16xf32>
      %mul3A_293 = arith.constant 128 : i32
      %mul3A_294 = arith.muli %add3A_277, %mul3A_293 : i32
      %add3A_295 = arith.constant 0 : i32
      %add3A_296 = arith.addi %mul3A_294, %add3A_295 : i32
      %add3A_297 = vector.broadcast %add3A_296 : i32 to vector<16xi32>
      %add3A_298 = arith.addi %add3A_297, %iota3A : vector<16xi32>
      %lt3A_299 = arith.constant 20625 : i32
      %lt3A_300 = vector.broadcast %lt3A_299 : i32 to vector<16xi32>
      %lt3A_301 = arith.cmpi slt, %add3A_298, %lt3A_300 : vector<16xi32>
      %jit3A_302 = arith.constant 0.000000e+00 : f32
      %broadcast_in_dim3A_303 = vector.broadcast %jit3A_302 : f32 to vector<16xf32>
      %select_n3A_304 = arith.select %lt3A_301, %exp3A_292, %broadcast_in_dim3A_303 : vector<16xi1>, vector<16xf32>
      %swap3A_305 = arith.constant 0 : index
      %swap3A_306 = tpu.vector_load %arg22[%swap3A_305] {strides = array<i32>} : memref<128xf32, #tpu.memory_space<vmem>>, vector<16xf32>,
      tpu.vector_store %arg22[%swap3A_305], %select_n3A_304 {strides = array<i32>} : memref<128xf32, #tpu.memory_space<vmem>>, vector<16xf32>,
      %get3A_307 = arith.constant 0 : index
      %get3A_308 = tpu.vector_load %arg18[%get3A_307] {strides = array<i32>} : memref<128xi32, #tpu.memory_space<vmem>>, vector<16xi32>,
      %add3A_309 = vector.broadcast %mul3A_0 : i32 to vector<16xi32>
      %add3A_310 = arith.addi %get3A_308, %add3A_309 : vector<16xi32>
      %swap3A_311 = arith.constant 0 : index
      %swap3A_312 = tpu.vector_load %arg18[%swap3A_311] {strides = array<i32>} : memref<128xi32, #tpu.memory_space<vmem>>, vector<16xi32>,
      tpu.vector_store %arg18[%swap3A_311], %add3A_310 {strides = array<i32>} : memref<128xi32, #tpu.memory_space<vmem>>, vector<16xi32>,
      %get3A_313 = arith.constant 16 : index
      %get3A_314 = tpu.vector_load %arg20[%get3A_313] {strides = array<i32>} : memref<128xf32, #tpu.memory_space<vmem>>, vector<16xf32>,
      %get3A_315 = arith.constant 16 : index
      %get3A_316 = tpu.vector_load %arg21[%get3A_315] {strides = array<i32>} : memref<128xf32, #tpu.memory_space<vmem>>, vector<16xf32>,
      %add3A_317 = arith.addf %get3A_314, %get3A_316 : vector<16xf32>
      %ge3A_318 = arith.constant 0.000000e+00 : f32
      %ge3A_319 = vector.broadcast %ge3A_318 : f32 to vector<16xf32>
      %ge3A_320 = arith.cmpf oge, %add3A_317, %ge3A_319 : vector<16xf32>
      %mul3A_321 = arith.constant 2.000000e-01 : f32
      %mul3A_322 = vector.broadcast %mul3A_321 : f32 to vector<16xf32>
      %mul3A_323 = arith.mulf %add3A_317, %mul3A_322 : vector<16xf32>
      %select_n3A_324 = arith.select %ge3A_320, %add3A_317, %mul3A_323 : vector<16xi1>, vector<16xf32>
      %exp3A_325 = math.exp %select_n3A_324 : vector<16xf32>
      %mul3A_326 = arith.constant 128 : i32
      %mul3A_327 = arith.muli %add3A_277, %mul3A_326 : i32
      %add3A_328 = arith.constant 16 : i32
      %add3A_329 = arith.addi %mul3A_327, %add3A_328 : i32
      %add3A_330 = vector.broadcast %add3A_329 : i32 to vector<16xi32>
      %add3A_331 = arith.addi %add3A_330, %iota3A : vector<16xi32>
      %lt3A_332 = arith.constant 20625 : i32
      %lt3A_333 = vector.broadcast %lt3A_332 : i32 to vector<16xi32>
      %lt3A_334 = arith.cmpi slt, %add3A_331, %lt3A_333 : vector<16xi32>
      %jit3A_335 = arith.constant 0.000000e+00 : f32
      %broadcast_in_dim3A_336 = vector.broadcast %jit3A_335 : f32 to vector<16xf32>
      %select_n3A_337 = arith.select %lt3A_334, %exp3A_325, %broadcast_in_dim3A_336 : vector<16xi1>, vector<16xf32>
      %swap3A_338 = arith.constant 16 : index
      %swap3A_339 = tpu.vector_load %arg22[%swap3A_338] {strides = array<i32>} : memref<128xf32, #tpu.memory_space<vmem>>, vector<16xf32>,
      tpu.vector_store %arg22[%swap3A_338], %select_n3A_337 {strides = array<i32>} : memref<128xf32, #tpu.memory_space<vmem>>, vector<16xf32>,
      %get3A_340 = arith.constant 16 : index
      %get3A_341 = tpu.vector_load %arg18[%get3A_340] {strides = array<i32>} : memref<128xi32, #tpu.memory_space<vmem>>, vector<16xi32>,
      %add3A_342 = vector.broadcast %mul3A_0 : i32 to vector<16xi32>
      %add3A_343 = arith.addi %get3A_341, %add3A_342 : vector<16xi32>
      %swap3A_344 = arith.constant 16 : index
      %swap3A_345 = tpu.vector_load %arg18[%swap3A_344] {strides = array<i32>} : memref<128xi32, #tpu.memory_space<vmem>>, vector<16xi32>,
      tpu.vector_store %arg18[%swap3A_344], %add3A_343 {strides = array<i32>} : memref<128xi32, #tpu.memory_space<vmem>>, vector<16xi32>,
      %get3A_346 = arith.constant 32 : index
      %get3A_347 = tpu.vector_load %arg20[%get3A_346] {strides = array<i32>} : memref<128xf32, #tpu.memory_space<vmem>>, vector<16xf32>,
      %get3A_348 = arith.constant 32 : index
      %get3A_349 = tpu.vector_load %arg21[%get3A_348] {strides = array<i32>} : memref<128xf32, #tpu.memory_space<vmem>>, vector<16xf32>,
      %add3A_350 = arith.addf %get3A_347, %get3A_349 : vector<16xf32>
      %ge3A_351 = arith.constant 0.000000e+00 : f32
      %ge3A_352 = vector.broadcast %ge3A_351 : f32 to vector<16xf32>
      %ge3A_353 = arith.cmpf oge, %add3A_350, %ge3A_352 : vector<16xf32>
      %mul3A_354 = arith.constant 2.000000e-01 : f32
      %mul3A_355 = vector.broadcast %mul3A_354 : f32 to vector<16xf32>
      %mul3A_356 = arith.mulf %add3A_350, %mul3A_355 : vector<16xf32>
      %select_n3A_357 = arith.select %ge3A_353, %add3A_350, %mul3A_356 : vector<16xi1>, vector<16xf32>
      %exp3A_358 = math.exp %select_n3A_357 : vector<16xf32>
      %mul3A_359 = arith.constant 128 : i32
      %mul3A_360 = arith.muli %add3A_277, %mul3A_359 : i32
      %add3A_361 = arith.constant 32 : i32
      %add3A_362 = arith.addi %mul3A_360, %add3A_361 : i32
      %add3A_363 = vector.broadcast %add3A_362 : i32 to vector<16xi32>
      %add3A_364 = arith.addi %add3A_363, %iota3A : vector<16xi32>
      %lt3A_365 = arith.constant 20625 : i32
      %lt3A_366 = vector.broadcast %lt3A_365 : i32 to vector<16xi32>
      %lt3A_367 = arith.cmpi slt, %add3A_364, %lt3A_366 : vector<16xi32>
      %jit3A_368 = arith.constant 0.000000e+00 : f32
      %broadcast_in_dim3A_369 = vector.broadcast %jit3A_368 : f32 to vector<16xf32>
      %select_n3A_370 = arith.select %lt3A_367, %exp3A_358, %broadcast_in_dim3A_369 : vector<16xi1>, vector<16xf32>
      %swap3A_371 = arith.constant 32 : index
      %swap3A_372 = tpu.vector_load %arg22[%swap3A_371] {strides = array<i32>} : memref<128xf32, #tpu.memory_space<vmem>>, vector<16xf32>,
      tpu.vector_store %arg22[%swap3A_371], %select_n3A_370 {strides = array<i32>} : memref<128xf32, #tpu.memory_space<vmem>>, vector<16xf32>,
      %get3A_373 = arith.constant 32 : index
      %get3A_374 = tpu.vector_load %arg18[%get3A_373] {strides = array<i32>} : memref<128xi32, #tpu.memory_space<vmem>>, vector<16xi32>,
      %add3A_375 = vector.broadcast %mul3A_0 : i32 to vector<16xi32>
      %add3A_376 = arith.addi %get3A_374, %add3A_375 : vector<16xi32>
      %swap3A_377 = arith.constant 32 : index
      %swap3A_378 = tpu.vector_load %arg18[%swap3A_377] {strides = array<i32>} : memref<128xi32, #tpu.memory_space<vmem>>, vector<16xi32>,
      tpu.vector_store %arg18[%swap3A_377], %add3A_376 {strides = array<i32>} : memref<128xi32, #tpu.memory_space<vmem>>, vector<16xi32>,
      %get3A_379 = arith.constant 48 : index
      %get3A_380 = tpu.vector_load %arg20[%get3A_379] {strides = array<i32>} : memref<128xf32, #tpu.memory_space<vmem>>, vector<16xf32>,
      %get3A_381 = arith.constant 48 : index
      %get3A_382 = tpu.vector_load %arg21[%get3A_381] {strides = array<i32>} : memref<128xf32, #tpu.memory_space<vmem>>, vector<16xf32>,
      %add3A_383 = arith.addf %get3A_380, %get3A_382 : vector<16xf32>
      %ge3A_384 = arith.constant 0.000000e+00 : f32
      %ge3A_385 = vector.broadcast %ge3A_384 : f32 to vector<16xf32>
      %ge3A_386 = arith.cmpf oge, %add3A_383, %ge3A_385 : vector<16xf32>
      %mul3A_387 = arith.constant 2.000000e-01 : f32
      %mul3A_388 = vector.broadcast %mul3A_387 : f32 to vector<16xf32>
      %mul3A_389 = arith.mulf %add3A_383, %mul3A_388 : vector<16xf32>
      %select_n3A_390 = arith.select %ge3A_386, %add3A_383, %mul3A_389 : vector<16xi1>, vector<16xf32>
      %exp3A_391 = math.exp %select_n3A_390 : vector<16xf32>
      %mul3A_392 = arith.constant 128 : i32
      %mul3A_393 = arith.muli %add3A_277, %mul3A_392 : i32
      %add3A_394 = arith.constant 48 : i32
      %add3A_395 = arith.addi %mul3A_393, %add3A_394 : i32
      %add3A_396 = vector.broadcast %add3A_395 : i32 to vector<16xi32>
      %add3A_397 = arith.addi %add3A_396, %iota3A : vector<16xi32>
      %lt3A_398 = arith.constant 20625 : i32
      %lt3A_399 = vector.broadcast %lt3A_398 : i32 to vector<16xi32>
      %lt3A_400 = arith.cmpi slt, %add3A_397, %lt3A_399 : vector<16xi32>
      %jit3A_401 = arith.constant 0.000000e+00 : f32
      %broadcast_in_dim3A_402 = vector.broadcast %jit3A_401 : f32 to vector<16xf32>
      %select_n3A_403 = arith.select %lt3A_400, %exp3A_391, %broadcast_in_dim3A_402 : vector<16xi1>, vector<16xf32>
      %swap3A_404 = arith.constant 48 : index
      %swap3A_405 = tpu.vector_load %arg22[%swap3A_404] {strides = array<i32>} : memref<128xf32, #tpu.memory_space<vmem>>, vector<16xf32>,
      tpu.vector_store %arg22[%swap3A_404], %select_n3A_403 {strides = array<i32>} : memref<128xf32, #tpu.memory_space<vmem>>, vector<16xf32>,
      %get3A_406 = arith.constant 48 : index
      %get3A_407 = tpu.vector_load %arg18[%get3A_406] {strides = array<i32>} : memref<128xi32, #tpu.memory_space<vmem>>, vector<16xi32>,
      %add3A_408 = vector.broadcast %mul3A_0 : i32 to vector<16xi32>
      %add3A_409 = arith.addi %get3A_407, %add3A_408 : vector<16xi32>
      %swap3A_410 = arith.constant 48 : index
      %swap3A_411 = tpu.vector_load %arg18[%swap3A_410] {strides = array<i32>} : memref<128xi32, #tpu.memory_space<vmem>>, vector<16xi32>,
      tpu.vector_store %arg18[%swap3A_410], %add3A_409 {strides = array<i32>} : memref<128xi32, #tpu.memory_space<vmem>>, vector<16xi32>,
      %get3A_412 = arith.constant 64 : index
      %get3A_413 = tpu.vector_load %arg20[%get3A_412] {strides = array<i32>} : memref<128xf32, #tpu.memory_space<vmem>>, vector<16xf32>,
      %get3A_414 = arith.constant 64 : index
      %get3A_415 = tpu.vector_load %arg21[%get3A_414] {strides = array<i32>} : memref<128xf32, #tpu.memory_space<vmem>>, vector<16xf32>,
      %add3A_416 = arith.addf %get3A_413, %get3A_415 : vector<16xf32>
      %ge3A_417 = arith.constant 0.000000e+00 : f32
      %ge3A_418 = vector.broadcast %ge3A_417 : f32 to vector<16xf32>
      %ge3A_419 = arith.cmpf oge, %add3A_416, %ge3A_418 : vector<16xf32>
      %mul3A_420 = arith.constant 2.000000e-01 : f32
      %mul3A_421 = vector.broadcast %mul3A_420 : f32 to vector<16xf32>
      %mul3A_422 = arith.mulf %add3A_416, %mul3A_421 : vector<16xf32>
      %select_n3A_423 = arith.select %ge3A_419, %add3A_416, %mul3A_422 : vector<16xi1>, vector<16xf32>
      %exp3A_424 = math.exp %select_n3A_423 : vector<16xf32>
      %mul3A_425 = arith.constant 128 : i32
      %mul3A_426 = arith.muli %add3A_277, %mul3A_425 : i32
      %add3A_427 = arith.constant 64 : i32
      %add3A_428 = arith.addi %mul3A_426, %add3A_427 : i32
      %add3A_429 = vector.broadcast %add3A_428 : i32 to vector<16xi32>
      %add3A_430 = arith.addi %add3A_429, %iota3A : vector<16xi32>
      %lt3A_431 = arith.constant 20625 : i32
      %lt3A_432 = vector.broadcast %lt3A_431 : i32 to vector<16xi32>
      %lt3A_433 = arith.cmpi slt, %add3A_430, %lt3A_432 : vector<16xi32>
      %jit3A_434 = arith.constant 0.000000e+00 : f32
      %broadcast_in_dim3A_435 = vector.broadcast %jit3A_434 : f32 to vector<16xf32>
      %select_n3A_436 = arith.select %lt3A_433, %exp3A_424, %broadcast_in_dim3A_435 : vector<16xi1>, vector<16xf32>
      %swap3A_437 = arith.constant 64 : index
      %swap3A_438 = tpu.vector_load %arg22[%swap3A_437] {strides = array<i32>} : memref<128xf32, #tpu.memory_space<vmem>>, vector<16xf32>,
      tpu.vector_store %arg22[%swap3A_437], %select_n3A_436 {strides = array<i32>} : memref<128xf32, #tpu.memory_space<vmem>>, vector<16xf32>,
      %get3A_439 = arith.constant 64 : index
      %get3A_440 = tpu.vector_load %arg18[%get3A_439] {strides = array<i32>} : memref<128xi32, #tpu.memory_space<vmem>>, vector<16xi32>,
      %add3A_441 = vector.broadcast %mul3A_0 : i32 to vector<16xi32>
      %add3A_442 = arith.addi %get3A_440, %add3A_441 : vector<16xi32>
      %swap3A_443 = arith.constant 64 : index
      %swap3A_444 = tpu.vector_load %arg18[%swap3A_443] {strides = array<i32>} : memref<128xi32, #tpu.memory_space<vmem>>, vector<16xi32>,
      tpu.vector_store %arg18[%swap3A_443], %add3A_442 {strides = array<i32>} : memref<128xi32, #tpu.memory_space<vmem>>, vector<16xi32>,
      %get3A_445 = arith.constant 80 : index
      %get3A_446 = tpu.vector_load %arg20[%get3A_445] {strides = array<i32>} : memref<128xf32, #tpu.memory_space<vmem>>, vector<16xf32>,
      %get3A_447 = arith.constant 80 : index
      %get3A_448 = tpu.vector_load %arg21[%get3A_447] {strides = array<i32>} : memref<128xf32, #tpu.memory_space<vmem>>, vector<16xf32>,
      %add3A_449 = arith.addf %get3A_446, %get3A_448 : vector<16xf32>
      %ge3A_450 = arith.constant 0.000000e+00 : f32
      %ge3A_451 = vector.broadcast %ge3A_450 : f32 to vector<16xf32>
      %ge3A_452 = arith.cmpf oge, %add3A_449, %ge3A_451 : vector<16xf32>
      %mul3A_453 = arith.constant 2.000000e-01 : f32
      %mul3A_454 = vector.broadcast %mul3A_453 : f32 to vector<16xf32>
      %mul3A_455 = arith.mulf %add3A_449, %mul3A_454 : vector<16xf32>
      %select_n3A_456 = arith.select %ge3A_452, %add3A_449, %mul3A_455 : vector<16xi1>, vector<16xf32>
      %exp3A_457 = math.exp %select_n3A_456 : vector<16xf32>
      %mul3A_458 = arith.constant 128 : i32
      %mul3A_459 = arith.muli %add3A_277, %mul3A_458 : i32
      %add3A_460 = arith.constant 80 : i32
      %add3A_461 = arith.addi %mul3A_459, %add3A_460 : i32
      %add3A_462 = vector.broadcast %add3A_461 : i32 to vector<16xi32>
      %add3A_463 = arith.addi %add3A_462, %iota3A : vector<16xi32>
      %lt3A_464 = arith.constant 20625 : i32
      %lt3A_465 = vector.broadcast %lt3A_464 : i32 to vector<16xi32>
      %lt3A_466 = arith.cmpi slt, %add3A_463, %lt3A_465 : vector<16xi32>
      %jit3A_467 = arith.constant 0.000000e+00 : f32
      %broadcast_in_dim3A_468 = vector.broadcast %jit3A_467 : f32 to vector<16xf32>
      %select_n3A_469 = arith.select %lt3A_466, %exp3A_457, %broadcast_in_dim3A_468 : vector<16xi1>, vector<16xf32>
      %swap3A_470 = arith.constant 80 : index
      %swap3A_471 = tpu.vector_load %arg22[%swap3A_470] {strides = array<i32>} : memref<128xf32, #tpu.memory_space<vmem>>, vector<16xf32>,
      tpu.vector_store %arg22[%swap3A_470], %select_n3A_469 {strides = array<i32>} : memref<128xf32, #tpu.memory_space<vmem>>, vector<16xf32>,
      %get3A_472 = arith.constant 80 : index
      %get3A_473 = tpu.vector_load %arg18[%get3A_472] {strides = array<i32>} : memref<128xi32, #tpu.memory_space<vmem>>, vector<16xi32>,
      %add3A_474 = vector.broadcast %mul3A_0 : i32 to vector<16xi32>
      %add3A_475 = arith.addi %get3A_473, %add3A_474 : vector<16xi32>
      %swap3A_476 = arith.constant 80 : index
      %swap3A_477 = tpu.vector_load %arg18[%swap3A_476] {strides = array<i32>} : memref<128xi32, #tpu.memory_space<vmem>>, vector<16xi32>,
      tpu.vector_store %arg18[%swap3A_476], %add3A_475 {strides = array<i32>} : memref<128xi32, #tpu.memory_space<vmem>>, vector<16xi32>,
      %get3A_478 = arith.constant 96 : index
      %get3A_479 = tpu.vector_load %arg20[%get3A_478] {strides = array<i32>} : memref<128xf32, #tpu.memory_space<vmem>>, vector<16xf32>,
      %get3A_480 = arith.constant 96 : index
      %get3A_481 = tpu.vector_load %arg21[%get3A_480] {strides = array<i32>} : memref<128xf32, #tpu.memory_space<vmem>>, vector<16xf32>,
      %add3A_482 = arith.addf %get3A_479, %get3A_481 : vector<16xf32>
      %ge3A_483 = arith.constant 0.000000e+00 : f32
      %ge3A_484 = vector.broadcast %ge3A_483 : f32 to vector<16xf32>
      %ge3A_485 = arith.cmpf oge, %add3A_482, %ge3A_484 : vector<16xf32>
      %mul3A_486 = arith.constant 2.000000e-01 : f32
      %mul3A_487 = vector.broadcast %mul3A_486 : f32 to vector<16xf32>
      %mul3A_488 = arith.mulf %add3A_482, %mul3A_487 : vector<16xf32>
      %select_n3A_489 = arith.select %ge3A_485, %add3A_482, %mul3A_488 : vector<16xi1>, vector<16xf32>
      %exp3A_490 = math.exp %select_n3A_489 : vector<16xf32>
      %mul3A_491 = arith.constant 128 : i32
      %mul3A_492 = arith.muli %add3A_277, %mul3A_491 : i32
      %add3A_493 = arith.constant 96 : i32
      %add3A_494 = arith.addi %mul3A_492, %add3A_493 : i32
      %add3A_495 = vector.broadcast %add3A_494 : i32 to vector<16xi32>
      %add3A_496 = arith.addi %add3A_495, %iota3A : vector<16xi32>
      %lt3A_497 = arith.constant 20625 : i32
      %lt3A_498 = vector.broadcast %lt3A_497 : i32 to vector<16xi32>
      %lt3A_499 = arith.cmpi slt, %add3A_496, %lt3A_498 : vector<16xi32>
      %jit3A_500 = arith.constant 0.000000e+00 : f32
      %broadcast_in_dim3A_501 = vector.broadcast %jit3A_500 : f32 to vector<16xf32>
      %select_n3A_502 = arith.select %lt3A_499, %exp3A_490, %broadcast_in_dim3A_501 : vector<16xi1>, vector<16xf32>
      %swap3A_503 = arith.constant 96 : index
      %swap3A_504 = tpu.vector_load %arg22[%swap3A_503] {strides = array<i32>} : memref<128xf32, #tpu.memory_space<vmem>>, vector<16xf32>,
      tpu.vector_store %arg22[%swap3A_503], %select_n3A_502 {strides = array<i32>} : memref<128xf32, #tpu.memory_space<vmem>>, vector<16xf32>,
      %get3A_505 = arith.constant 96 : index
      %get3A_506 = tpu.vector_load %arg18[%get3A_505] {strides = array<i32>} : memref<128xi32, #tpu.memory_space<vmem>>, vector<16xi32>,
      %add3A_507 = vector.broadcast %mul3A_0 : i32 to vector<16xi32>
      %add3A_508 = arith.addi %get3A_506, %add3A_507 : vector<16xi32>
      %swap3A_509 = arith.constant 96 : index
      %swap3A_510 = tpu.vector_load %arg18[%swap3A_509] {strides = array<i32>} : memref<128xi32, #tpu.memory_space<vmem>>, vector<16xi32>,
      tpu.vector_store %arg18[%swap3A_509], %add3A_508 {strides = array<i32>} : memref<128xi32, #tpu.memory_space<vmem>>, vector<16xi32>,
      %get3A_511 = arith.constant 112 : index
      %get3A_512 = tpu.vector_load %arg20[%get3A_511] {strides = array<i32>} : memref<128xf32, #tpu.memory_space<vmem>>, vector<16xf32>,
      %get3A_513 = arith.constant 112 : index
      %get3A_514 = tpu.vector_load %arg21[%get3A_513] {strides = array<i32>} : memref<128xf32, #tpu.memory_space<vmem>>, vector<16xf32>,
      %add3A_515 = arith.addf %get3A_512, %get3A_514 : vector<16xf32>
      %ge3A_516 = arith.constant 0.000000e+00 : f32
      %ge3A_517 = vector.broadcast %ge3A_516 : f32 to vector<16xf32>
      %ge3A_518 = arith.cmpf oge, %add3A_515, %ge3A_517 : vector<16xf32>
      %mul3A_519 = arith.constant 2.000000e-01 : f32
      %mul3A_520 = vector.broadcast %mul3A_519 : f32 to vector<16xf32>
      %mul3A_521 = arith.mulf %add3A_515, %mul3A_520 : vector<16xf32>
      %select_n3A_522 = arith.select %ge3A_518, %add3A_515, %mul3A_521 : vector<16xi1>, vector<16xf32>
      %exp3A_523 = math.exp %select_n3A_522 : vector<16xf32>
      %mul3A_524 = arith.constant 128 : i32
      %mul3A_525 = arith.muli %add3A_277, %mul3A_524 : i32
      %add3A_526 = arith.constant 112 : i32
      %add3A_527 = arith.addi %mul3A_525, %add3A_526 : i32
      %add3A_528 = vector.broadcast %add3A_527 : i32 to vector<16xi32>
      %add3A_529 = arith.addi %add3A_528, %iota3A : vector<16xi32>
      %lt3A_530 = arith.constant 20625 : i32
      %lt3A_531 = vector.broadcast %lt3A_530 : i32 to vector<16xi32>
      %lt3A_532 = arith.cmpi slt, %add3A_529, %lt3A_531 : vector<16xi32>
      %jit3A_533 = arith.constant 0.000000e+00 : f32
      %broadcast_in_dim3A_534 = vector.broadcast %jit3A_533 : f32 to vector<16xf32>
      %select_n3A_535 = arith.select %lt3A_532, %exp3A_523, %broadcast_in_dim3A_534 : vector<16xi1>, vector<16xf32>
      %swap3A_536 = arith.constant 112 : index
      %swap3A_537 = tpu.vector_load %arg22[%swap3A_536] {strides = array<i32>} : memref<128xf32, #tpu.memory_space<vmem>>, vector<16xf32>,
      tpu.vector_store %arg22[%swap3A_536], %select_n3A_535 {strides = array<i32>} : memref<128xf32, #tpu.memory_space<vmem>>, vector<16xf32>,
      %get3A_538 = arith.constant 112 : index
      %get3A_539 = tpu.vector_load %arg18[%get3A_538] {strides = array<i32>} : memref<128xi32, #tpu.memory_space<vmem>>, vector<16xi32>,
      %add3A_540 = vector.broadcast %mul3A_0 : i32 to vector<16xi32>
      %add3A_541 = arith.addi %get3A_539, %add3A_540 : vector<16xi32>
      %swap3A_542 = arith.constant 112 : index
      %swap3A_543 = tpu.vector_load %arg18[%swap3A_542] {strides = array<i32>} : memref<128xi32, #tpu.memory_space<vmem>>, vector<16xi32>,
      tpu.vector_store %arg18[%swap3A_542], %add3A_541 {strides = array<i32>} : memref<128xi32, #tpu.memory_space<vmem>>, vector<16xi32>,
      %dma_start3A_544 = arith.constant 0 : i32
      %dma_start3A_545 = arith.constant 0 : i32
      %dma_start3A_546 = tpu.memref_slice %arg2[%dma_start3A_544, %dma_start3A_545] : memref<20000x128xf32, #tpu.memory_space<hbm>> -> memref<20000x128xf32, #tpu.memory_space<hbm>>
      tpu.enqueue_indirect_dma source(%dma_start3A_546 : memref<20000x128xf32, #tpu.memory_space<hbm>>) target(%arg23 : memref<128x128xf32, #tpu.memory_space<vmem>>) offsets(%arg18 : memref<128xi32, #tpu.memory_space<vmem>>) semaphore(%arg30 : memref<!tpu.dma_semaphore, #tpu.memory_space<semaphore_mem>>)
      %dma_wait3A = arith.constant 0 : i32
      %dma_wait3A_547 = arith.constant 0 : i32
      %dma_wait3A_548 = tpu.memref_slice %arg2[%dma_wait3A, %dma_wait3A_547] : memref<20000x128xf32, #tpu.memory_space<hbm>> -> memref<20000x128xf32, #tpu.memory_space<hbm>>
      tpu.wait_indirect_dma semaphore(%arg29 : memref<!tpu.dma_semaphore, #tpu.memory_space<semaphore_mem>>) src(%dma_wait3A_548 : memref<20000x128xf32, #tpu.memory_space<hbm>>) dst(%arg17 : memref<128x128xf32, #tpu.memory_space<vmem>>)
      %scan3A_549 = arith.constant 0 : i32
      %scan3A_550 = arith.constant 0 : i32
      %scan3A_551 = arith.constant 128 : i32
      %scan3A_552 = arith.addi %scan3A_550, %scan3A_551 : i32
      %scan3A_553 = arith.constant 4 : i32
      %scan3A_554 = scf.for %scan3A_574 = %scan3A_550 to %scan3A_552 step %scan3A_553 iter_args(%scan3A_575 = %scan3A_549) -> (i32)  : i32 {
        %jit3A_576 = arith.constant 16 : i32
        %div3A = arith.divsi %scan3A_574, %jit3A_576 : i32
        %sign3A = arith.constant 0 : i32
        %sign3A_577 = arith.cmpi sgt, %scan3A_574, %sign3A : i32
        %sign3A_578 = arith.extui %sign3A_577 : i1 to i32
        %sign3A_579 = arith.constant 0 : i32
        %sign3A_580 = arith.cmpi slt, %scan3A_574, %sign3A_579 : i32
        %sign3A_581 = arith.extui %sign3A_580 : i1 to i32
        %sign3A_582 = arith.subi %sign3A_578, %sign3A_581 : i32
        %sign3A_583 = arith.constant 0 : i32
        %sign3A_584 = arith.cmpi sgt, %jit3A_576, %sign3A_583 : i32
        %sign3A_585 = arith.extui %sign3A_584 : i1 to i32
        %sign3A_586 = arith.constant 0 : i32
        %sign3A_587 = arith.cmpi slt, %jit3A_576, %sign3A_586 : i32
        %sign3A_588 = arith.extui %sign3A_587 : i1 to i32
        %sign3A_589 = arith.subi %sign3A_585, %sign3A_588 : i32
        %ne3A = arith.cmpi ne, %sign3A_582, %sign3A_589 : i32
        %rem3A = arith.remsi %scan3A_574, %jit3A_576 : i32
        %ne3A_590 = arith.constant 0 : i32
        %ne3A_591 = arith.cmpi ne, %rem3A, %ne3A_590 : i32
        %and3A_592 = arith.andi %ne3A, %ne3A_591 : i1
        %sub3A = arith.constant 1 : i32
        %sub3A_593 = arith.subi %div3A, %sub3A : i32
        %select_n3A_594 = arith.select %and3A_592, %sub3A_593, %div3A : i32
        %mul3A_595 = arith.constant 16 : i32
        %mul3A_596 = arith.muli %select_n3A_594, %mul3A_595 : i32
        %get3A_597 = arith.index_cast %mul3A_596 : i32 to index
        %get3A_598 = tpu.vector_load %arg16[%get3A_597] {strides = array<i32>} : memref<128xf32, #tpu.memory_space<vmem>>, vector<16xf32>,
        %sub3A_599 = arith.subi %scan3A_574, %mul3A_596 : i32
        %eq3A_600 = vector.broadcast %sub3A_599 : i32 to vector<16xi32>
        %eq3A_601 = arith.cmpi eq, %iota3A, %eq3A_600 : vector<16xi32>
        %jit3A_602 = arith.constant 0.000000e+00 : f32
        %broadcast_in_dim3A_603 = vector.broadcast %jit3A_602 : f32 to vector<16xf32>
        %select_n3A_604 = arith.select %eq3A_601, %get3A_598, %broadcast_in_dim3A_603 : vector<16xi1>, vector<16xf32>
        %reduce_sum3A = arith.constant true
        %reduce_sum3A_605 = vector.broadcast %reduce_sum3A : i1 to vector<16xi1>
        %reduce_sum3A_606 = tpu.scan <sum>, %select_n3A_604 masked %reduce_sum3A_605 : vector<16xf32>, vector<16xi1> -> vector<16xf32>
        %reduce_sum3A_607 = vector.extract %reduce_sum3A_606[15] : f32 from vector<16xf32>
        %get3A_608 = arith.index_cast %scan3A_574 : i32 to index
        %get3A_609 = arith.constant 0 : index
        %get3A_610 = tpu.vector_load %arg17[%get3A_608, %get3A_609] {strides = array<i32>} : memref<128x128xf32, #tpu.memory_space<vmem>>, vector<16xf32>,
        %mul3A_611 = vector.broadcast %reduce_sum3A_607 : f32 to vector<16xf32>
        %mul3A_612 = arith.mulf %get3A_610, %mul3A_611 : vector<16xf32>
        %swap3A_613 = arith.index_cast %scan3A_574 : i32 to index
        %swap3A_614 = arith.constant 0 : index
        %swap3A_615 = tpu.vector_load %arg17[%swap3A_613, %swap3A_614] {strides = array<i32>} : memref<128x128xf32, #tpu.memory_space<vmem>>, vector<16xf32>,
        tpu.vector_store %arg17[%swap3A_613, %swap3A_614], %mul3A_612 {strides = array<i32>} : memref<128x128xf32, #tpu.memory_space<vmem>>, vector<16xf32>,
        %get3A_616 = arith.index_cast %scan3A_574 : i32 to index
        %get3A_617 = arith.constant 16 : index
        %get3A_618 = tpu.vector_load %arg17[%get3A_616, %get3A_617] {strides = array<i32>} : memref<128x128xf32, #tpu.memory_space<vmem>>, vector<16xf32>,
        %mul3A_619 = vector.broadcast %reduce_sum3A_607 : f32 to vector<16xf32>
        %mul3A_620 = arith.mulf %get3A_618, %mul3A_619 : vector<16xf32>
        %swap3A_621 = arith.index_cast %scan3A_574 : i32 to index
        %swap3A_622 = arith.constant 16 : index
        %swap3A_623 = tpu.vector_load %arg17[%swap3A_621, %swap3A_622] {strides = array<i32>} : memref<128x128xf32, #tpu.memory_space<vmem>>, vector<16xf32>,
        tpu.vector_store %arg17[%swap3A_621, %swap3A_622], %mul3A_620 {strides = array<i32>} : memref<128x128xf32, #tpu.memory_space<vmem>>, vector<16xf32>,
        %get3A_624 = arith.index_cast %scan3A_574 : i32 to index
        %get3A_625 = arith.constant 32 : index
        %get3A_626 = tpu.vector_load %arg17[%get3A_624, %get3A_625] {strides = array<i32>} : memref<128x128xf32, #tpu.memory_space<vmem>>, vector<16xf32>,
        %mul3A_627 = vector.broadcast %reduce_sum3A_607 : f32 to vector<16xf32>
        %mul3A_628 = arith.mulf %get3A_626, %mul3A_627 : vector<16xf32>
        %swap3A_629 = arith.index_cast %scan3A_574 : i32 to index
        %swap3A_630 = arith.constant 32 : index
        %swap3A_631 = tpu.vector_load %arg17[%swap3A_629, %swap3A_630] {strides = array<i32>} : memref<128x128xf32, #tpu.memory_space<vmem>>, vector<16xf32>,
        tpu.vector_store %arg17[%swap3A_629, %swap3A_630], %mul3A_628 {strides = array<i32>} : memref<128x128xf32, #tpu.memory_space<vmem>>, vector<16xf32>,
        %get3A_632 = arith.index_cast %scan3A_574 : i32 to index
        %get3A_633 = arith.constant 48 : index
        %get3A_634 = tpu.vector_load %arg17[%get3A_632, %get3A_633] {strides = array<i32>} : memref<128x128xf32, #tpu.memory_space<vmem>>, vector<16xf32>,
        %mul3A_635 = vector.broadcast %reduce_sum3A_607 : f32 to vector<16xf32>
        %mul3A_636 = arith.mulf %get3A_634, %mul3A_635 : vector<16xf32>
        %swap3A_637 = arith.index_cast %scan3A_574 : i32 to index
        %swap3A_638 = arith.constant 48 : index
        %swap3A_639 = tpu.vector_load %arg17[%swap3A_637, %swap3A_638] {strides = array<i32>} : memref<128x128xf32, #tpu.memory_space<vmem>>, vector<16xf32>,
        tpu.vector_store %arg17[%swap3A_637, %swap3A_638], %mul3A_636 {strides = array<i32>} : memref<128x128xf32, #tpu.memory_space<vmem>>, vector<16xf32>,
        %get3A_640 = arith.index_cast %scan3A_574 : i32 to index
        %get3A_641 = arith.constant 64 : index
        %get3A_642 = tpu.vector_load %arg17[%get3A_640, %get3A_641] {strides = array<i32>} : memref<128x128xf32, #tpu.memory_space<vmem>>, vector<16xf32>,
        %mul3A_643 = vector.broadcast %reduce_sum3A_607 : f32 to vector<16xf32>
        %mul3A_644 = arith.mulf %get3A_642, %mul3A_643 : vector<16xf32>
        %swap3A_645 = arith.index_cast %scan3A_574 : i32 to index
        %swap3A_646 = arith.constant 64 : index
        %swap3A_647 = tpu.vector_load %arg17[%swap3A_645, %swap3A_646] {strides = array<i32>} : memref<128x128xf32, #tpu.memory_space<vmem>>, vector<16xf32>,
        tpu.vector_store %arg17[%swap3A_645, %swap3A_646], %mul3A_644 {strides = array<i32>} : memref<128x128xf32, #tpu.memory_space<vmem>>, vector<16xf32>,
        %get3A_648 = arith.index_cast %scan3A_574 : i32 to index
        %get3A_649 = arith.constant 80 : index
        %get3A_650 = tpu.vector_load %arg17[%get3A_648, %get3A_649] {strides = array<i32>} : memref<128x128xf32, #tpu.memory_space<vmem>>, vector<16xf32>,
        %mul3A_651 = vector.broadcast %reduce_sum3A_607 : f32 to vector<16xf32>
        %mul3A_652 = arith.mulf %get3A_650, %mul3A_651 : vector<16xf32>
        %swap3A_653 = arith.index_cast %scan3A_574 : i32 to index
        %swap3A_654 = arith.constant 80 : index
        %swap3A_655 = tpu.vector_load %arg17[%swap3A_653, %swap3A_654] {strides = array<i32>} : memref<128x128xf32, #tpu.memory_space<vmem>>, vector<16xf32>,
        tpu.vector_store %arg17[%swap3A_653, %swap3A_654], %mul3A_652 {strides = array<i32>} : memref<128x128xf32, #tpu.memory_space<vmem>>, vector<16xf32>,
        %get3A_656 = arith.index_cast %scan3A_574 : i32 to index
        %get3A_657 = arith.constant 96 : index
        %get3A_658 = tpu.vector_load %arg17[%get3A_656, %get3A_657] {strides = array<i32>} : memref<128x128xf32, #tpu.memory_space<vmem>>, vector<16xf32>,
        %mul3A_659 = vector.broadcast %reduce_sum3A_607 : f32 to vector<16xf32>
        %mul3A_660 = arith.mulf %get3A_658, %mul3A_659 : vector<16xf32>
        %swap3A_661 = arith.index_cast %scan3A_574 : i32 to index
        %swap3A_662 = arith.constant 96 : index
        %swap3A_663 = tpu.vector_load %arg17[%swap3A_661, %swap3A_662] {strides = array<i32>} : memref<128x128xf32, #tpu.memory_space<vmem>>, vector<16xf32>,
        tpu.vector_store %arg17[%swap3A_661, %swap3A_662], %mul3A_660 {strides = array<i32>} : memref<128x128xf32, #tpu.memory_space<vmem>>, vector<16xf32>,
        %get3A_664 = arith.index_cast %scan3A_574 : i32 to index
        %get3A_665 = arith.constant 112 : index
        %get3A_666 = tpu.vector_load %arg17[%get3A_664, %get3A_665] {strides = array<i32>} : memref<128x128xf32, #tpu.memory_space<vmem>>, vector<16xf32>,
        %mul3A_667 = vector.broadcast %reduce_sum3A_607 : f32 to vector<16xf32>
        %mul3A_668 = arith.mulf %get3A_666, %mul3A_667 : vector<16xf32>
        %swap3A_669 = arith.index_cast %scan3A_574 : i32 to index
        %swap3A_670 = arith.constant 112 : index
        %swap3A_671 = tpu.vector_load %arg17[%swap3A_669, %swap3A_670] {strides = array<i32>} : memref<128x128xf32, #tpu.memory_space<vmem>>, vector<16xf32>,
        tpu.vector_store %arg17[%swap3A_669, %swap3A_670], %mul3A_668 {strides = array<i32>} : memref<128x128xf32, #tpu.memory_space<vmem>>, vector<16xf32>,
        %scan3A_672 = arith.constant 0 : i32
        %scan3A_673 = arith.constant 1 : i32
        %scan3A_674 = arith.addi %scan3A_574, %scan3A_673 : i32
        %jit3A_675 = arith.constant 16 : i32
        %div3A_676 = arith.divsi %scan3A_674, %jit3A_675 : i32
        %sign3A_677 = arith.constant 0 : i32
        %sign3A_678 = arith.cmpi sgt, %scan3A_674, %sign3A_677 : i32
        %sign3A_679 = arith.extui %sign3A_678 : i1 to i32
        %sign3A_680 = arith.constant 0 : i32
        %sign3A_681 = arith.cmpi slt, %scan3A_674, %sign3A_680 : i32
        %sign3A_682 = arith.extui %sign3A_681 : i1 to i32
        %sign3A_683 = arith.subi %sign3A_679, %sign3A_682 : i32
        %sign3A_684 = arith.constant 0 : i32
        %sign3A_685 = arith.cmpi sgt, %jit3A_675, %sign3A_684 : i32
        %sign3A_686 = arith.extui %sign3A_685 : i1 to i32
        %sign3A_687 = arith.constant 0 : i32
        %sign3A_688 = arith.cmpi slt, %jit3A_675, %sign3A_687 : i32
        %sign3A_689 = arith.extui %sign3A_688 : i1 to i32
        %sign3A_690 = arith.subi %sign3A_686, %sign3A_689 : i32
        %ne3A_691 = arith.cmpi ne, %sign3A_683, %sign3A_690 : i32
        %rem3A_692 = arith.remsi %scan3A_674, %jit3A_675 : i32
        %ne3A_693 = arith.constant 0 : i32
        %ne3A_694 = arith.cmpi ne, %rem3A_692, %ne3A_693 : i32
        %and3A_695 = arith.andi %ne3A_691, %ne3A_694 : i1
        %sub3A_696 = arith.constant 1 : i32
        %sub3A_697 = arith.subi %div3A_676, %sub3A_696 : i32
        %select_n3A_698 = arith.select %and3A_695, %sub3A_697, %div3A_676 : i32
        %mul3A_699 = arith.constant 16 : i32
        %mul3A_700 = arith.muli %select_n3A_698, %mul3A_699 : i32
        %get3A_701 = arith.index_cast %mul3A_700 : i32 to index
        %get3A_702 = tpu.vector_load %arg16[%get3A_701] {strides = array<i32>} : memref<128xf32, #tpu.memory_space<vmem>>, vector<16xf32>,
        %sub3A_703 = arith.subi %scan3A_674, %mul3A_700 : i32
        %eq3A_704 = vector.broadcast %sub3A_703 : i32 to vector<16xi32>
        %eq3A_705 = arith.cmpi eq, %iota3A, %eq3A_704 : vector<16xi32>
        %jit3A_706 = arith.constant 0.000000e+00 : f32
        %broadcast_in_dim3A_707 = vector.broadcast %jit3A_706 : f32 to vector<16xf32>
        %select_n3A_708 = arith.select %eq3A_705, %get3A_702, %broadcast_in_dim3A_707 : vector<16xi1>, vector<16xf32>
        %reduce_sum3A_709 = arith.constant true
        %reduce_sum3A_710 = vector.broadcast %reduce_sum3A_709 : i1 to vector<16xi1>
        %reduce_sum3A_711 = tpu.scan <sum>, %select_n3A_708 masked %reduce_sum3A_710 : vector<16xf32>, vector<16xi1> -> vector<16xf32>
        %reduce_sum3A_712 = vector.extract %reduce_sum3A_711[15] : f32 from vector<16xf32>
        %get3A_713 = arith.index_cast %scan3A_674 : i32 to index
        %get3A_714 = arith.constant 0 : index
        %get3A_715 = tpu.vector_load %arg17[%get3A_713, %get3A_714] {strides = array<i32>} : memref<128x128xf32, #tpu.memory_space<vmem>>, vector<16xf32>,
        %mul3A_716 = vector.broadcast %reduce_sum3A_712 : f32 to vector<16xf32>
        %mul3A_717 = arith.mulf %get3A_715, %mul3A_716 : vector<16xf32>
        %swap3A_718 = arith.index_cast %scan3A_674 : i32 to index
        %swap3A_719 = arith.constant 0 : index
        %swap3A_720 = tpu.vector_load %arg17[%swap3A_718, %swap3A_719] {strides = array<i32>} : memref<128x128xf32, #tpu.memory_space<vmem>>, vector<16xf32>,
        tpu.vector_store %arg17[%swap3A_718, %swap3A_719], %mul3A_717 {strides = array<i32>} : memref<128x128xf32, #tpu.memory_space<vmem>>, vector<16xf32>,
        %get3A_721 = arith.index_cast %scan3A_674 : i32 to index
        %get3A_722 = arith.constant 16 : index
        %get3A_723 = tpu.vector_load %arg17[%get3A_721, %get3A_722] {strides = array<i32>} : memref<128x128xf32, #tpu.memory_space<vmem>>, vector<16xf32>,
        %mul3A_724 = vector.broadcast %reduce_sum3A_712 : f32 to vector<16xf32>
        %mul3A_725 = arith.mulf %get3A_723, %mul3A_724 : vector<16xf32>
        %swap3A_726 = arith.index_cast %scan3A_674 : i32 to index
        %swap3A_727 = arith.constant 16 : index
        %swap3A_728 = tpu.vector_load %arg17[%swap3A_726, %swap3A_727] {strides = array<i32>} : memref<128x128xf32, #tpu.memory_space<vmem>>, vector<16xf32>,
        tpu.vector_store %arg17[%swap3A_726, %swap3A_727], %mul3A_725 {strides = array<i32>} : memref<128x128xf32, #tpu.memory_space<vmem>>, vector<16xf32>,
        %get3A_729 = arith.index_cast %scan3A_674 : i32 to index
        %get3A_730 = arith.constant 32 : index
        %get3A_731 = tpu.vector_load %arg17[%get3A_729, %get3A_730] {strides = array<i32>} : memref<128x128xf32, #tpu.memory_space<vmem>>, vector<16xf32>,
        %mul3A_732 = vector.broadcast %reduce_sum3A_712 : f32 to vector<16xf32>
        %mul3A_733 = arith.mulf %get3A_731, %mul3A_732 : vector<16xf32>
        %swap3A_734 = arith.index_cast %scan3A_674 : i32 to index
        %swap3A_735 = arith.constant 32 : index
        %swap3A_736 = tpu.vector_load %arg17[%swap3A_734, %swap3A_735] {strides = array<i32>} : memref<128x128xf32, #tpu.memory_space<vmem>>, vector<16xf32>,
        tpu.vector_store %arg17[%swap3A_734, %swap3A_735], %mul3A_733 {strides = array<i32>} : memref<128x128xf32, #tpu.memory_space<vmem>>, vector<16xf32>,
        %get3A_737 = arith.index_cast %scan3A_674 : i32 to index
        %get3A_738 = arith.constant 48 : index
        %get3A_739 = tpu.vector_load %arg17[%get3A_737, %get3A_738] {strides = array<i32>} : memref<128x128xf32, #tpu.memory_space<vmem>>, vector<16xf32>,
        %mul3A_740 = vector.broadcast %reduce_sum3A_712 : f32 to vector<16xf32>
        %mul3A_741 = arith.mulf %get3A_739, %mul3A_740 : vector<16xf32>
        %swap3A_742 = arith.index_cast %scan3A_674 : i32 to index
        %swap3A_743 = arith.constant 48 : index
        %swap3A_744 = tpu.vector_load %arg17[%swap3A_742, %swap3A_743] {strides = array<i32>} : memref<128x128xf32, #tpu.memory_space<vmem>>, vector<16xf32>,
        tpu.vector_store %arg17[%swap3A_742, %swap3A_743], %mul3A_741 {strides = array<i32>} : memref<128x128xf32, #tpu.memory_space<vmem>>, vector<16xf32>,
        %get3A_745 = arith.index_cast %scan3A_674 : i32 to index
        %get3A_746 = arith.constant 64 : index
        %get3A_747 = tpu.vector_load %arg17[%get3A_745, %get3A_746] {strides = array<i32>} : memref<128x128xf32, #tpu.memory_space<vmem>>, vector<16xf32>,
        %mul3A_748 = vector.broadcast %reduce_sum3A_712 : f32 to vector<16xf32>
        %mul3A_749 = arith.mulf %get3A_747, %mul3A_748 : vector<16xf32>
        %swap3A_750 = arith.index_cast %scan3A_674 : i32 to index
        %swap3A_751 = arith.constant 64 : index
        %swap3A_752 = tpu.vector_load %arg17[%swap3A_750, %swap3A_751] {strides = array<i32>} : memref<128x128xf32, #tpu.memory_space<vmem>>, vector<16xf32>,
        tpu.vector_store %arg17[%swap3A_750, %swap3A_751], %mul3A_749 {strides = array<i32>} : memref<128x128xf32, #tpu.memory_space<vmem>>, vector<16xf32>,
        %get3A_753 = arith.index_cast %scan3A_674 : i32 to index
        %get3A_754 = arith.constant 80 : index
        %get3A_755 = tpu.vector_load %arg17[%get3A_753, %get3A_754] {strides = array<i32>} : memref<128x128xf32, #tpu.memory_space<vmem>>, vector<16xf32>,
        %mul3A_756 = vector.broadcast %reduce_sum3A_712 : f32 to vector<16xf32>
        %mul3A_757 = arith.mulf %get3A_755, %mul3A_756 : vector<16xf32>
        %swap3A_758 = arith.index_cast %scan3A_674 : i32 to index
        %swap3A_759 = arith.constant 80 : index
        %swap3A_760 = tpu.vector_load %arg17[%swap3A_758, %swap3A_759] {strides = array<i32>} : memref<128x128xf32, #tpu.memory_space<vmem>>, vector<16xf32>,
        tpu.vector_store %arg17[%swap3A_758, %swap3A_759], %mul3A_757 {strides = array<i32>} : memref<128x128xf32, #tpu.memory_space<vmem>>, vector<16xf32>,
        %get3A_761 = arith.index_cast %scan3A_674 : i32 to index
        %get3A_762 = arith.constant 96 : index
        %get3A_763 = tpu.vector_load %arg17[%get3A_761, %get3A_762] {strides = array<i32>} : memref<128x128xf32, #tpu.memory_space<vmem>>, vector<16xf32>,
        %mul3A_764 = vector.broadcast %reduce_sum3A_712 : f32 to vector<16xf32>
        %mul3A_765 = arith.mulf %get3A_763, %mul3A_764 : vector<16xf32>
        %swap3A_766 = arith.index_cast %scan3A_674 : i32 to index
        %swap3A_767 = arith.constant 96 : index
        %swap3A_768 = tpu.vector_load %arg17[%swap3A_766, %swap3A_767] {strides = array<i32>} : memref<128x128xf32, #tpu.memory_space<vmem>>, vector<16xf32>,
        tpu.vector_store %arg17[%swap3A_766, %swap3A_767], %mul3A_765 {strides = array<i32>} : memref<128x128xf32, #tpu.memory_space<vmem>>, vector<16xf32>,
        %get3A_769 = arith.index_cast %scan3A_674 : i32 to index
        %get3A_770 = arith.constant 112 : index
        %get3A_771 = tpu.vector_load %arg17[%get3A_769, %get3A_770] {strides = array<i32>} : memref<128x128xf32, #tpu.memory_space<vmem>>, vector<16xf32>,
        %mul3A_772 = vector.broadcast %reduce_sum3A_712 : f32 to vector<16xf32>
        %mul3A_773 = arith.mulf %get3A_771, %mul3A_772 : vector<16xf32>
        %swap3A_774 = arith.index_cast %scan3A_674 : i32 to index
        %swap3A_775 = arith.constant 112 : index
        %swap3A_776 = tpu.vector_load %arg17[%swap3A_774, %swap3A_775] {strides = array<i32>} : memref<128x128xf32, #tpu.memory_space<vmem>>, vector<16xf32>,
        tpu.vector_store %arg17[%swap3A_774, %swap3A_775], %mul3A_773 {strides = array<i32>} : memref<128x128xf32, #tpu.memory_space<vmem>>, vector<16xf32>,
        %scan3A_777 = arith.constant 0 : i32
        %scan3A_778 = arith.constant 2 : i32
        %scan3A_779 = arith.addi %scan3A_574, %scan3A_778 : i32
        %jit3A_780 = arith.constant 16 : i32
        %div3A_781 = arith.divsi %scan3A_779, %jit3A_780 : i32
        %sign3A_782 = arith.constant 0 : i32
        %sign3A_783 = arith.cmpi sgt, %scan3A_779, %sign3A_782 : i32
        %sign3A_784 = arith.extui %sign3A_783 : i1 to i32
        %sign3A_785 = arith.constant 0 : i32
        %sign3A_786 = arith.cmpi slt, %scan3A_779, %sign3A_785 : i32
        %sign3A_787 = arith.extui %sign3A_786 : i1 to i32
        %sign3A_788 = arith.subi %sign3A_784, %sign3A_787 : i32
        %sign3A_789 = arith.constant 0 : i32
        %sign3A_790 = arith.cmpi sgt, %jit3A_780, %sign3A_789 : i32
        %sign3A_791 = arith.extui %sign3A_790 : i1 to i32
        %sign3A_792 = arith.constant 0 : i32
        %sign3A_793 = arith.cmpi slt, %jit3A_780, %sign3A_792 : i32
        %sign3A_794 = arith.extui %sign3A_793 : i1 to i32
        %sign3A_795 = arith.subi %sign3A_791, %sign3A_794 : i32
        %ne3A_796 = arith.cmpi ne, %sign3A_788, %sign3A_795 : i32
        %rem3A_797 = arith.remsi %scan3A_779, %jit3A_780 : i32
        %ne3A_798 = arith.constant 0 : i32
        %ne3A_799 = arith.cmpi ne, %rem3A_797, %ne3A_798 : i32
        %and3A_800 = arith.andi %ne3A_796, %ne3A_799 : i1
        %sub3A_801 = arith.constant 1 : i32
        %sub3A_802 = arith.subi %div3A_781, %sub3A_801 : i32
        %select_n3A_803 = arith.select %and3A_800, %sub3A_802, %div3A_781 : i32
        %mul3A_804 = arith.constant 16 : i32
        %mul3A_805 = arith.muli %select_n3A_803, %mul3A_804 : i32
        %get3A_806 = arith.index_cast %mul3A_805 : i32 to index
        %get3A_807 = tpu.vector_load %arg16[%get3A_806] {strides = array<i32>} : memref<128xf32, #tpu.memory_space<vmem>>, vector<16xf32>,
        %sub3A_808 = arith.subi %scan3A_779, %mul3A_805 : i32
        %eq3A_809 = vector.broadcast %sub3A_808 : i32 to vector<16xi32>
        %eq3A_810 = arith.cmpi eq, %iota3A, %eq3A_809 : vector<16xi32>
        %jit3A_811 = arith.constant 0.000000e+00 : f32
        %broadcast_in_dim3A_812 = vector.broadcast %jit3A_811 : f32 to vector<16xf32>
        %select_n3A_813 = arith.select %eq3A_810, %get3A_807, %broadcast_in_dim3A_812 : vector<16xi1>, vector<16xf32>
        %reduce_sum3A_814 = arith.constant true
        %reduce_sum3A_815 = vector.broadcast %reduce_sum3A_814 : i1 to vector<16xi1>
        %reduce_sum3A_816 = tpu.scan <sum>, %select_n3A_813 masked %reduce_sum3A_815 : vector<16xf32>, vector<16xi1> -> vector<16xf32>
        %reduce_sum3A_817 = vector.extract %reduce_sum3A_816[15] : f32 from vector<16xf32>
        %get3A_818 = arith.index_cast %scan3A_779 : i32 to index
        %get3A_819 = arith.constant 0 : index
        %get3A_820 = tpu.vector_load %arg17[%get3A_818, %get3A_819] {strides = array<i32>} : memref<128x128xf32, #tpu.memory_space<vmem>>, vector<16xf32>,
        %mul3A_821 = vector.broadcast %reduce_sum3A_817 : f32 to vector<16xf32>
        %mul3A_822 = arith.mulf %get3A_820, %mul3A_821 : vector<16xf32>
        %swap3A_823 = arith.index_cast %scan3A_779 : i32 to index
        %swap3A_824 = arith.constant 0 : index
        %swap3A_825 = tpu.vector_load %arg17[%swap3A_823, %swap3A_824] {strides = array<i32>} : memref<128x128xf32, #tpu.memory_space<vmem>>, vector<16xf32>,
        tpu.vector_store %arg17[%swap3A_823, %swap3A_824], %mul3A_822 {strides = array<i32>} : memref<128x128xf32, #tpu.memory_space<vmem>>, vector<16xf32>,
        %get3A_826 = arith.index_cast %scan3A_779 : i32 to index
        %get3A_827 = arith.constant 16 : index
        %get3A_828 = tpu.vector_load %arg17[%get3A_826, %get3A_827] {strides = array<i32>} : memref<128x128xf32, #tpu.memory_space<vmem>>, vector<16xf32>,
        %mul3A_829 = vector.broadcast %reduce_sum3A_817 : f32 to vector<16xf32>
        %mul3A_830 = arith.mulf %get3A_828, %mul3A_829 : vector<16xf32>
        %swap3A_831 = arith.index_cast %scan3A_779 : i32 to index
        %swap3A_832 = arith.constant 16 : index
        %swap3A_833 = tpu.vector_load %arg17[%swap3A_831, %swap3A_832] {strides = array<i32>} : memref<128x128xf32, #tpu.memory_space<vmem>>, vector<16xf32>,
        tpu.vector_store %arg17[%swap3A_831, %swap3A_832], %mul3A_830 {strides = array<i32>} : memref<128x128xf32, #tpu.memory_space<vmem>>, vector<16xf32>,
        %get3A_834 = arith.index_cast %scan3A_779 : i32 to index
        %get3A_835 = arith.constant 32 : index
        %get3A_836 = tpu.vector_load %arg17[%get3A_834, %get3A_835] {strides = array<i32>} : memref<128x128xf32, #tpu.memory_space<vmem>>, vector<16xf32>,
        %mul3A_837 = vector.broadcast %reduce_sum3A_817 : f32 to vector<16xf32>
        %mul3A_838 = arith.mulf %get3A_836, %mul3A_837 : vector<16xf32>
        %swap3A_839 = arith.index_cast %scan3A_779 : i32 to index
        %swap3A_840 = arith.constant 32 : index
        %swap3A_841 = tpu.vector_load %arg17[%swap3A_839, %swap3A_840] {strides = array<i32>} : memref<128x128xf32, #tpu.memory_space<vmem>>, vector<16xf32>,
        tpu.vector_store %arg17[%swap3A_839, %swap3A_840], %mul3A_838 {strides = array<i32>} : memref<128x128xf32, #tpu.memory_space<vmem>>, vector<16xf32>,
        %get3A_842 = arith.index_cast %scan3A_779 : i32 to index
        %get3A_843 = arith.constant 48 : index
        %get3A_844 = tpu.vector_load %arg17[%get3A_842, %get3A_843] {strides = array<i32>} : memref<128x128xf32, #tpu.memory_space<vmem>>, vector<16xf32>,
        %mul3A_845 = vector.broadcast %reduce_sum3A_817 : f32 to vector<16xf32>
        %mul3A_846 = arith.mulf %get3A_844, %mul3A_845 : vector<16xf32>
        %swap3A_847 = arith.index_cast %scan3A_779 : i32 to index
        %swap3A_848 = arith.constant 48 : index
        %swap3A_849 = tpu.vector_load %arg17[%swap3A_847, %swap3A_848] {strides = array<i32>} : memref<128x128xf32, #tpu.memory_space<vmem>>, vector<16xf32>,
        tpu.vector_store %arg17[%swap3A_847, %swap3A_848], %mul3A_846 {strides = array<i32>} : memref<128x128xf32, #tpu.memory_space<vmem>>, vector<16xf32>,
        %get3A_850 = arith.index_cast %scan3A_779 : i32 to index
        %get3A_851 = arith.constant 64 : index
        %get3A_852 = tpu.vector_load %arg17[%get3A_850, %get3A_851] {strides = array<i32>} : memref<128x128xf32, #tpu.memory_space<vmem>>, vector<16xf32>,
        %mul3A_853 = vector.broadcast %reduce_sum3A_817 : f32 to vector<16xf32>
        %mul3A_854 = arith.mulf %get3A_852, %mul3A_853 : vector<16xf32>
        %swap3A_855 = arith.index_cast %scan3A_779 : i32 to index
        %swap3A_856 = arith.constant 64 : index
        %swap3A_857 = tpu.vector_load %arg17[%swap3A_855, %swap3A_856] {strides = array<i32>} : memref<128x128xf32, #tpu.memory_space<vmem>>, vector<16xf32>,
        tpu.vector_store %arg17[%swap3A_855, %swap3A_856], %mul3A_854 {strides = array<i32>} : memref<128x128xf32, #tpu.memory_space<vmem>>, vector<16xf32>,
        %get3A_858 = arith.index_cast %scan3A_779 : i32 to index
        %get3A_859 = arith.constant 80 : index
        %get3A_860 = tpu.vector_load %arg17[%get3A_858, %get3A_859] {strides = array<i32>} : memref<128x128xf32, #tpu.memory_space<vmem>>, vector<16xf32>,
        %mul3A_861 = vector.broadcast %reduce_sum3A_817 : f32 to vector<16xf32>
        %mul3A_862 = arith.mulf %get3A_860, %mul3A_861 : vector<16xf32>
        %swap3A_863 = arith.index_cast %scan3A_779 : i32 to index
        %swap3A_864 = arith.constant 80 : index
        %swap3A_865 = tpu.vector_load %arg17[%swap3A_863, %swap3A_864] {strides = array<i32>} : memref<128x128xf32, #tpu.memory_space<vmem>>, vector<16xf32>,
        tpu.vector_store %arg17[%swap3A_863, %swap3A_864], %mul3A_862 {strides = array<i32>} : memref<128x128xf32, #tpu.memory_space<vmem>>, vector<16xf32>,
        %get3A_866 = arith.index_cast %scan3A_779 : i32 to index
        %get3A_867 = arith.constant 96 : index
        %get3A_868 = tpu.vector_load %arg17[%get3A_866, %get3A_867] {strides = array<i32>} : memref<128x128xf32, #tpu.memory_space<vmem>>, vector<16xf32>,
        %mul3A_869 = vector.broadcast %reduce_sum3A_817 : f32 to vector<16xf32>
        %mul3A_870 = arith.mulf %get3A_868, %mul3A_869 : vector<16xf32>
        %swap3A_871 = arith.index_cast %scan3A_779 : i32 to index
        %swap3A_872 = arith.constant 96 : index
        %swap3A_873 = tpu.vector_load %arg17[%swap3A_871, %swap3A_872] {strides = array<i32>} : memref<128x128xf32, #tpu.memory_space<vmem>>, vector<16xf32>,
        tpu.vector_store %arg17[%swap3A_871, %swap3A_872], %mul3A_870 {strides = array<i32>} : memref<128x128xf32, #tpu.memory_space<vmem>>, vector<16xf32>,
        %get3A_874 = arith.index_cast %scan3A_779 : i32 to index
        %get3A_875 = arith.constant 112 : index
        %get3A_876 = tpu.vector_load %arg17[%get3A_874, %get3A_875] {strides = array<i32>} : memref<128x128xf32, #tpu.memory_space<vmem>>, vector<16xf32>,
        %mul3A_877 = vector.broadcast %reduce_sum3A_817 : f32 to vector<16xf32>
        %mul3A_878 = arith.mulf %get3A_876, %mul3A_877 : vector<16xf32>
        %swap3A_879 = arith.index_cast %scan3A_779 : i32 to index
        %swap3A_880 = arith.constant 112 : index
        %swap3A_881 = tpu.vector_load %arg17[%swap3A_879, %swap3A_880] {strides = array<i32>} : memref<128x128xf32, #tpu.memory_space<vmem>>, vector<16xf32>,
        tpu.vector_store %arg17[%swap3A_879, %swap3A_880], %mul3A_878 {strides = array<i32>} : memref<128x128xf32, #tpu.memory_space<vmem>>, vector<16xf32>,
        %scan3A_882 = arith.constant 0 : i32
        %scan3A_883 = arith.constant 3 : i32
        %scan3A_884 = arith.addi %scan3A_574, %scan3A_883 : i32
        %jit3A_885 = arith.constant 16 : i32
        %div3A_886 = arith.divsi %scan3A_884, %jit3A_885 : i32
        %sign3A_887 = arith.constant 0 : i32
        %sign3A_888 = arith.cmpi sgt, %scan3A_884, %sign3A_887 : i32
        %sign3A_889 = arith.extui %sign3A_888 : i1 to i32
        %sign3A_890 = arith.constant 0 : i32
        %sign3A_891 = arith.cmpi slt, %scan3A_884, %sign3A_890 : i32
        %sign3A_892 = arith.extui %sign3A_891 : i1 to i32
        %sign3A_893 = arith.subi %sign3A_889, %sign3A_892 : i32
        %sign3A_894 = arith.constant 0 : i32
        %sign3A_895 = arith.cmpi sgt, %jit3A_885, %sign3A_894 : i32
        %sign3A_896 = arith.extui %sign3A_895 : i1 to i32
        %sign3A_897 = arith.constant 0 : i32
        %sign3A_898 = arith.cmpi slt, %jit3A_885, %sign3A_897 : i32
        %sign3A_899 = arith.extui %sign3A_898 : i1 to i32
        %sign3A_900 = arith.subi %sign3A_896, %sign3A_899 : i32
        %ne3A_901 = arith.cmpi ne, %sign3A_893, %sign3A_900 : i32
        %rem3A_902 = arith.remsi %scan3A_884, %jit3A_885 : i32
        %ne3A_903 = arith.constant 0 : i32
        %ne3A_904 = arith.cmpi ne, %rem3A_902, %ne3A_903 : i32
        %and3A_905 = arith.andi %ne3A_901, %ne3A_904 : i1
        %sub3A_906 = arith.constant 1 : i32
        %sub3A_907 = arith.subi %div3A_886, %sub3A_906 : i32
        %select_n3A_908 = arith.select %and3A_905, %sub3A_907, %div3A_886 : i32
        %mul3A_909 = arith.constant 16 : i32
        %mul3A_910 = arith.muli %select_n3A_908, %mul3A_909 : i32
        %get3A_911 = arith.index_cast %mul3A_910 : i32 to index
        %get3A_912 = tpu.vector_load %arg16[%get3A_911] {strides = array<i32>} : memref<128xf32, #tpu.memory_space<vmem>>, vector<16xf32>,
        %sub3A_913 = arith.subi %scan3A_884, %mul3A_910 : i32
        %eq3A_914 = vector.broadcast %sub3A_913 : i32 to vector<16xi32>
        %eq3A_915 = arith.cmpi eq, %iota3A, %eq3A_914 : vector<16xi32>
        %jit3A_916 = arith.constant 0.000000e+00 : f32
        %broadcast_in_dim3A_917 = vector.broadcast %jit3A_916 : f32 to vector<16xf32>
        %select_n3A_918 = arith.select %eq3A_915, %get3A_912, %broadcast_in_dim3A_917 : vector<16xi1>, vector<16xf32>
        %reduce_sum3A_919 = arith.constant true
        %reduce_sum3A_920 = vector.broadcast %reduce_sum3A_919 : i1 to vector<16xi1>
        %reduce_sum3A_921 = tpu.scan <sum>, %select_n3A_918 masked %reduce_sum3A_920 : vector<16xf32>, vector<16xi1> -> vector<16xf32>
        %reduce_sum3A_922 = vector.extract %reduce_sum3A_921[15] : f32 from vector<16xf32>
        %get3A_923 = arith.index_cast %scan3A_884 : i32 to index
        %get3A_924 = arith.constant 0 : index
        %get3A_925 = tpu.vector_load %arg17[%get3A_923, %get3A_924] {strides = array<i32>} : memref<128x128xf32, #tpu.memory_space<vmem>>, vector<16xf32>,
        %mul3A_926 = vector.broadcast %reduce_sum3A_922 : f32 to vector<16xf32>
        %mul3A_927 = arith.mulf %get3A_925, %mul3A_926 : vector<16xf32>
        %swap3A_928 = arith.index_cast %scan3A_884 : i32 to index
        %swap3A_929 = arith.constant 0 : index
        %swap3A_930 = tpu.vector_load %arg17[%swap3A_928, %swap3A_929] {strides = array<i32>} : memref<128x128xf32, #tpu.memory_space<vmem>>, vector<16xf32>,
        tpu.vector_store %arg17[%swap3A_928, %swap3A_929], %mul3A_927 {strides = array<i32>} : memref<128x128xf32, #tpu.memory_space<vmem>>, vector<16xf32>,
        %get3A_931 = arith.index_cast %scan3A_884 : i32 to index
        %get3A_932 = arith.constant 16 : index
        %get3A_933 = tpu.vector_load %arg17[%get3A_931, %get3A_932] {strides = array<i32>} : memref<128x128xf32, #tpu.memory_space<vmem>>, vector<16xf32>,
        %mul3A_934 = vector.broadcast %reduce_sum3A_922 : f32 to vector<16xf32>
        %mul3A_935 = arith.mulf %get3A_933, %mul3A_934 : vector<16xf32>
        %swap3A_936 = arith.index_cast %scan3A_884 : i32 to index
        %swap3A_937 = arith.constant 16 : index
        %swap3A_938 = tpu.vector_load %arg17[%swap3A_936, %swap3A_937] {strides = array<i32>} : memref<128x128xf32, #tpu.memory_space<vmem>>, vector<16xf32>,
        tpu.vector_store %arg17[%swap3A_936, %swap3A_937], %mul3A_935 {strides = array<i32>} : memref<128x128xf32, #tpu.memory_space<vmem>>, vector<16xf32>,
        %get3A_939 = arith.index_cast %scan3A_884 : i32 to index
        %get3A_940 = arith.constant 32 : index
        %get3A_941 = tpu.vector_load %arg17[%get3A_939, %get3A_940] {strides = array<i32>} : memref<128x128xf32, #tpu.memory_space<vmem>>, vector<16xf32>,
        %mul3A_942 = vector.broadcast %reduce_sum3A_922 : f32 to vector<16xf32>
        %mul3A_943 = arith.mulf %get3A_941, %mul3A_942 : vector<16xf32>
        %swap3A_944 = arith.index_cast %scan3A_884 : i32 to index
        %swap3A_945 = arith.constant 32 : index
        %swap3A_946 = tpu.vector_load %arg17[%swap3A_944, %swap3A_945] {strides = array<i32>} : memref<128x128xf32, #tpu.memory_space<vmem>>, vector<16xf32>,
        tpu.vector_store %arg17[%swap3A_944, %swap3A_945], %mul3A_943 {strides = array<i32>} : memref<128x128xf32, #tpu.memory_space<vmem>>, vector<16xf32>,
        %get3A_947 = arith.index_cast %scan3A_884 : i32 to index
        %get3A_948 = arith.constant 48 : index
        %get3A_949 = tpu.vector_load %arg17[%get3A_947, %get3A_948] {strides = array<i32>} : memref<128x128xf32, #tpu.memory_space<vmem>>, vector<16xf32>,
        %mul3A_950 = vector.broadcast %reduce_sum3A_922 : f32 to vector<16xf32>
        %mul3A_951 = arith.mulf %get3A_949, %mul3A_950 : vector<16xf32>
        %swap3A_952 = arith.index_cast %scan3A_884 : i32 to index
        %swap3A_953 = arith.constant 48 : index
        %swap3A_954 = tpu.vector_load %arg17[%swap3A_952, %swap3A_953] {strides = array<i32>} : memref<128x128xf32, #tpu.memory_space<vmem>>, vector<16xf32>,
        tpu.vector_store %arg17[%swap3A_952, %swap3A_953], %mul3A_951 {strides = array<i32>} : memref<128x128xf32, #tpu.memory_space<vmem>>, vector<16xf32>,
        %get3A_955 = arith.index_cast %scan3A_884 : i32 to index
        %get3A_956 = arith.constant 64 : index
        %get3A_957 = tpu.vector_load %arg17[%get3A_955, %get3A_956] {strides = array<i32>} : memref<128x128xf32, #tpu.memory_space<vmem>>, vector<16xf32>,
        %mul3A_958 = vector.broadcast %reduce_sum3A_922 : f32 to vector<16xf32>
        %mul3A_959 = arith.mulf %get3A_957, %mul3A_958 : vector<16xf32>
        %swap3A_960 = arith.index_cast %scan3A_884 : i32 to index
        %swap3A_961 = arith.constant 64 : index
        %swap3A_962 = tpu.vector_load %arg17[%swap3A_960, %swap3A_961] {strides = array<i32>} : memref<128x128xf32, #tpu.memory_space<vmem>>, vector<16xf32>,
        tpu.vector_store %arg17[%swap3A_960, %swap3A_961], %mul3A_959 {strides = array<i32>} : memref<128x128xf32, #tpu.memory_space<vmem>>, vector<16xf32>,
        %get3A_963 = arith.index_cast %scan3A_884 : i32 to index
        %get3A_964 = arith.constant 80 : index
        %get3A_965 = tpu.vector_load %arg17[%get3A_963, %get3A_964] {strides = array<i32>} : memref<128x128xf32, #tpu.memory_space<vmem>>, vector<16xf32>,
        %mul3A_966 = vector.broadcast %reduce_sum3A_922 : f32 to vector<16xf32>
        %mul3A_967 = arith.mulf %get3A_965, %mul3A_966 : vector<16xf32>
        %swap3A_968 = arith.index_cast %scan3A_884 : i32 to index
        %swap3A_969 = arith.constant 80 : index
        %swap3A_970 = tpu.vector_load %arg17[%swap3A_968, %swap3A_969] {strides = array<i32>} : memref<128x128xf32, #tpu.memory_space<vmem>>, vector<16xf32>,
        tpu.vector_store %arg17[%swap3A_968, %swap3A_969], %mul3A_967 {strides = array<i32>} : memref<128x128xf32, #tpu.memory_space<vmem>>, vector<16xf32>,
        %get3A_971 = arith.index_cast %scan3A_884 : i32 to index
        %get3A_972 = arith.constant 96 : index
        %get3A_973 = tpu.vector_load %arg17[%get3A_971, %get3A_972] {strides = array<i32>} : memref<128x128xf32, #tpu.memory_space<vmem>>, vector<16xf32>,
        %mul3A_974 = vector.broadcast %reduce_sum3A_922 : f32 to vector<16xf32>
        %mul3A_975 = arith.mulf %get3A_973, %mul3A_974 : vector<16xf32>
        %swap3A_976 = arith.index_cast %scan3A_884 : i32 to index
        %swap3A_977 = arith.constant 96 : index
        %swap3A_978 = tpu.vector_load %arg17[%swap3A_976, %swap3A_977] {strides = array<i32>} : memref<128x128xf32, #tpu.memory_space<vmem>>, vector<16xf32>,
        tpu.vector_store %arg17[%swap3A_976, %swap3A_977], %mul3A_975 {strides = array<i32>} : memref<128x128xf32, #tpu.memory_space<vmem>>, vector<16xf32>,
        %get3A_979 = arith.index_cast %scan3A_884 : i32 to index
        %get3A_980 = arith.constant 112 : index
        %get3A_981 = tpu.vector_load %arg17[%get3A_979, %get3A_980] {strides = array<i32>} : memref<128x128xf32, #tpu.memory_space<vmem>>, vector<16xf32>,
        %mul3A_982 = vector.broadcast %reduce_sum3A_922 : f32 to vector<16xf32>
        %mul3A_983 = arith.mulf %get3A_981, %mul3A_982 : vector<16xf32>
        %swap3A_984 = arith.index_cast %scan3A_884 : i32 to index
        %swap3A_985 = arith.constant 112 : index
        %swap3A_986 = tpu.vector_load %arg17[%swap3A_984, %swap3A_985] {strides = array<i32>} : memref<128x128xf32, #tpu.memory_space<vmem>>, vector<16xf32>,
        tpu.vector_store %arg17[%swap3A_984, %swap3A_985], %mul3A_983 {strides = array<i32>} : memref<128x128xf32, #tpu.memory_space<vmem>>, vector<16xf32>,
        %scan3A_987 = arith.constant 0 : i32
        scf.yield %scan3A_987 : i32
      }
      %scan3A_555 = arith.constant 128 : i32
      "tpu.region"() ({
        %run_scoped3A = tpu.sem_alloc : memref<!tpu.dma_semaphore, #tpu.memory_space<semaphore_mem>>
        %dma_start3A_574 = arith.constant 0 : i32
        %dma_start3A_575 = arith.constant 0 : i32
        %dma_start3A_576 = tpu.memref_slice %arg25[%dma_start3A_574, %dma_start3A_575] : memref<10000x128xf32, #tpu.memory_space<vmem_shared>> -> memref<10000x128xf32, #tpu.memory_space<vmem_shared>>
        tpu.enqueue_indirect_dma source(%arg17 : memref<128x128xf32, #tpu.memory_space<vmem>>) target(%dma_start3A_576 : memref<10000x128xf32, #tpu.memory_space<vmem_shared>>) offsets(%arg13 : memref<128xi32, #tpu.memory_space<vmem>>) semaphore(%run_scoped3A : memref<!tpu.dma_semaphore, #tpu.memory_space<semaphore_mem>>) {add = true}
        %dma_wait3A_577 = arith.constant 0 : i32
        %dma_wait3A_578 = arith.constant 0 : i32
        %dma_wait3A_579 = tpu.memref_slice %arg25[%dma_wait3A_577, %dma_wait3A_578] : memref<10000x128xf32, #tpu.memory_space<vmem_shared>> -> memref<10000x128xf32, #tpu.memory_space<vmem_shared>>
        tpu.wait_indirect_dma semaphore(%run_scoped3A : memref<!tpu.dma_semaphore, #tpu.memory_space<semaphore_mem>>) src(%arg17 : memref<128x128xf32, #tpu.memory_space<vmem>>) dst(%dma_wait3A_579 : memref<10000x128xf32, #tpu.memory_space<vmem_shared>>)
        tpu.yield
      }) : () -> ()
      "tpu.region"() ({
        %run_scoped3A = tpu.sem_alloc : memref<!tpu.dma_semaphore, #tpu.memory_space<semaphore_mem>>
        %dma_start3A_574 = arith.constant 0 : i32
        %dma_start3A_575 = tpu.memref_slice %arg26[%dma_start3A_574] : memref<10000xf32, #tpu.memory_space<vmem_shared>> -> memref<10000xf32, #tpu.memory_space<vmem_shared>>
        tpu.enqueue_indirect_dma source(%arg16 : memref<128xf32, #tpu.memory_space<vmem>>) target(%dma_start3A_575 : memref<10000xf32, #tpu.memory_space<vmem_shared>>) offsets(%arg13 : memref<128xi32, #tpu.memory_space<vmem>>) semaphore(%run_scoped3A : memref<!tpu.dma_semaphore, #tpu.memory_space<semaphore_mem>>) {add = true}
        %dma_wait3A_576 = arith.constant 0 : i32
        %dma_wait3A_577 = tpu.memref_slice %arg26[%dma_wait3A_576] : memref<10000xf32, #tpu.memory_space<vmem_shared>> -> memref<10000xf32, #tpu.memory_space<vmem_shared>>
        tpu.wait_indirect_dma semaphore(%run_scoped3A : memref<!tpu.dma_semaphore, #tpu.memory_space<semaphore_mem>>) src(%arg16 : memref<128xf32, #tpu.memory_space<vmem>>) dst(%dma_wait3A_577 : memref<10000xf32, #tpu.memory_space<vmem_shared>>)
        tpu.yield
      }) : () -> ()
      %add3A_556 = arith.constant 1 : i32
      %add3A_557 = arith.addi %scan3A_272, %add3A_556 : i32
      %lt3A_558 = arith.constant 81 : i32
      %lt3A_559 = arith.cmpi slt, %add3A_557, %lt3A_558 : i32
      %convert_element_type3A_560 = arith.extui %lt3A_559 : i1 to i32
      %cond3A_561 = arith.constant 0 : i32
      %cond3A_562 = arith.cmpi ne, %convert_element_type3A_560, %cond3A_561 : i32
      scf.if %cond3A_562 {
        %add3A_574 = arith.constant 2 : i32
        %add3A_575 = arith.addi %mul3A_275, %add3A_574 : i32
        %add3A_576 = arith.addi %mul3A_6, %add3A_575 : i32
        "tpu.region"() ({
          %run_scoped3A = tpu.sem_alloc : memref<!tpu.dma_semaphore, #tpu.memory_space<semaphore_mem>>
          %dma_start3A_845 = arith.constant 0 : i32
          %dma_start3A_846 = tpu.memref_slice %arg5[%add3A_576, %dma_start3A_845] : memref<5184x128xi32, #tpu.memory_space<hbm>> -> memref<1x128xi32, #tpu.memory_space<hbm>>
          %dma_start3A_847 = tpu.memref_squeeze %dma_start3A_846 : memref<1x128xi32, #tpu.memory_space<hbm>> -> memref<128xi32, #tpu.memory_space<hbm>>
          %dma_start3A_848 = arith.constant 0 : i32
          %dma_start3A_849 = tpu.memref_slice %arg5[%add3A_576, %dma_start3A_848] : memref<5184x128xi32, #tpu.memory_space<hbm>> -> memref<1x128xi32, #tpu.memory_space<hbm>>
          %dma_start3A_850 = tpu.memref_squeeze %dma_start3A_849 : memref<1x128xi32, #tpu.memory_space<hbm>> -> memref<128xi32, #tpu.memory_space<hbm>>
          tpu.enqueue_dma source(%dma_start3A_850 : memref<128xi32, #tpu.memory_space<hbm>>) target(%arg12 : memref<128xi32, #tpu.memory_space<vmem>>) target_semaphore(%run_scoped3A : memref<!tpu.dma_semaphore, #tpu.memory_space<semaphore_mem>>)
          %dma_wait3A_851 = arith.constant 0 : i32
          %dma_wait3A_852 = tpu.memref_slice %arg5[%add3A_576, %dma_wait3A_851] : memref<5184x128xi32, #tpu.memory_space<hbm>> -> memref<1x128xi32, #tpu.memory_space<hbm>>
          %dma_wait3A_853 = tpu.memref_squeeze %dma_wait3A_852 : memref<1x128xi32, #tpu.memory_space<hbm>> -> memref<128xi32, #tpu.memory_space<hbm>>
          %dma_wait3A_854 = arith.constant 0 : i32
          %dma_wait3A_855 = tpu.memref_slice %arg5[%add3A_576, %dma_wait3A_854] : memref<5184x128xi32, #tpu.memory_space<hbm>> -> memref<1x128xi32, #tpu.memory_space<hbm>>
          %dma_wait3A_856 = tpu.memref_squeeze %dma_wait3A_855 : memref<1x128xi32, #tpu.memory_space<hbm>> -> memref<128xi32, #tpu.memory_space<hbm>>
          tpu.wait_dma2 semaphore(%run_scoped3A : memref<!tpu.dma_semaphore, #tpu.memory_space<semaphore_mem>>) src(%dma_wait3A_856 : memref<128xi32, #tpu.memory_space<hbm>>) dst(%arg12 : memref<128xi32, #tpu.memory_space<vmem>>)
          tpu.yield
        }) : () -> ()
        %add3A_577 = arith.addi %mul3A_6, %add3A_575 : i32
        "tpu.region"() ({
          %run_scoped3A = tpu.sem_alloc : memref<!tpu.dma_semaphore, #tpu.memory_space<semaphore_mem>>
          %dma_start3A_845 = arith.constant 0 : i32
          %dma_start3A_846 = tpu.memref_slice %arg6[%add3A_577, %dma_start3A_845] : memref<5184x128xi32, #tpu.memory_space<hbm>> -> memref<1x128xi32, #tpu.memory_space<hbm>>
          %dma_start3A_847 = tpu.memref_squeeze %dma_start3A_846 : memref<1x128xi32, #tpu.memory_space<hbm>> -> memref<128xi32, #tpu.memory_space<hbm>>
          %dma_start3A_848 = arith.constant 0 : i32
          %dma_start3A_849 = tpu.memref_slice %arg6[%add3A_577, %dma_start3A_848] : memref<5184x128xi32, #tpu.memory_space<hbm>> -> memref<1x128xi32, #tpu.memory_space<hbm>>
          %dma_start3A_850 = tpu.memref_squeeze %dma_start3A_849 : memref<1x128xi32, #tpu.memory_space<hbm>> -> memref<128xi32, #tpu.memory_space<hbm>>
          tpu.enqueue_dma source(%dma_start3A_850 : memref<128xi32, #tpu.memory_space<hbm>>) target(%arg13 : memref<128xi32, #tpu.memory_space<vmem>>) target_semaphore(%run_scoped3A : memref<!tpu.dma_semaphore, #tpu.memory_space<semaphore_mem>>)
          %dma_wait3A_851 = arith.constant 0 : i32
          %dma_wait3A_852 = tpu.memref_slice %arg6[%add3A_577, %dma_wait3A_851] : memref<5184x128xi32, #tpu.memory_space<hbm>> -> memref<1x128xi32, #tpu.memory_space<hbm>>
          %dma_wait3A_853 = tpu.memref_squeeze %dma_wait3A_852 : memref<1x128xi32, #tpu.memory_space<hbm>> -> memref<128xi32, #tpu.memory_space<hbm>>
          %dma_wait3A_854 = arith.constant 0 : i32
          %dma_wait3A_855 = tpu.memref_slice %arg6[%add3A_577, %dma_wait3A_854] : memref<5184x128xi32, #tpu.memory_space<hbm>> -> memref<1x128xi32, #tpu.memory_space<hbm>>
          %dma_wait3A_856 = tpu.memref_squeeze %dma_wait3A_855 : memref<1x128xi32, #tpu.memory_space<hbm>> -> memref<128xi32, #tpu.memory_space<hbm>>
          tpu.wait_dma2 semaphore(%run_scoped3A : memref<!tpu.dma_semaphore, #tpu.memory_space<semaphore_mem>>) src(%dma_wait3A_856 : memref<128xi32, #tpu.memory_space<hbm>>) dst(%arg13 : memref<128xi32, #tpu.memory_space<vmem>>)
          tpu.yield
        }) : () -> ()
        "tpu.region"() ({
          %run_scoped3A = tpu.sem_alloc : memref<!tpu.dma_semaphore, #tpu.memory_space<semaphore_mem>>
          %dma_start3A_845 = arith.constant 0 : i32
          %dma_start3A_846 = tpu.memref_slice %arg27[%dma_start3A_845] : memref<10000xf32, #tpu.memory_space<vmem_shared>> -> memref<10000xf32, #tpu.memory_space<vmem_shared>>
          tpu.enqueue_indirect_dma source(%dma_start3A_846 : memref<10000xf32, #tpu.memory_space<vmem_shared>>) target(%arg14 : memref<128xf32, #tpu.memory_space<vmem>>) offsets(%arg12 : memref<128xi32, #tpu.memory_space<vmem>>) semaphore(%run_scoped3A : memref<!tpu.dma_semaphore, #tpu.memory_space<semaphore_mem>>)
          %dma_wait3A_847 = arith.constant 0 : i32
          %dma_wait3A_848 = tpu.memref_slice %arg27[%dma_wait3A_847] : memref<10000xf32, #tpu.memory_space<vmem_shared>> -> memref<10000xf32, #tpu.memory_space<vmem_shared>>
          tpu.wait_indirect_dma semaphore(%run_scoped3A : memref<!tpu.dma_semaphore, #tpu.memory_space<semaphore_mem>>) src(%dma_wait3A_848 : memref<10000xf32, #tpu.memory_space<vmem_shared>>) dst(%arg14 : memref<128xf32, #tpu.memory_space<vmem>>)
          tpu.yield
        }) : () -> ()
        "tpu.region"() ({
          %run_scoped3A = tpu.sem_alloc : memref<!tpu.dma_semaphore, #tpu.memory_space<semaphore_mem>>
          %dma_start3A_845 = arith.constant 0 : i32
          %dma_start3A_846 = tpu.memref_slice %arg28[%dma_start3A_845] : memref<10000xf32, #tpu.memory_space<vmem_shared>> -> memref<10000xf32, #tpu.memory_space<vmem_shared>>
          tpu.enqueue_indirect_dma source(%dma_start3A_846 : memref<10000xf32, #tpu.memory_space<vmem_shared>>) target(%arg15 : memref<128xf32, #tpu.memory_space<vmem>>) offsets(%arg13 : memref<128xi32, #tpu.memory_space<vmem>>) semaphore(%run_scoped3A : memref<!tpu.dma_semaphore, #tpu.memory_space<semaphore_mem>>)
          %dma_wait3A_847 = arith.constant 0 : i32
          %dma_wait3A_848 = tpu.memref_slice %arg28[%dma_wait3A_847] : memref<10000xf32, #tpu.memory_space<vmem_shared>> -> memref<10000xf32, #tpu.memory_space<vmem_shared>>
          tpu.wait_indirect_dma semaphore(%run_scoped3A : memref<!tpu.dma_semaphore, #tpu.memory_space<semaphore_mem>>) src(%dma_wait3A_848 : memref<10000xf32, #tpu.memory_space<vmem_shared>>) dst(%arg15 : memref<128xf32, #tpu.memory_space<vmem>>)
          tpu.yield
        }) : () -> ()
        %get3A_578 = arith.constant 0 : index
        %get3A_579 = tpu.vector_load %arg14[%get3A_578] {strides = array<i32>} : memref<128xf32, #tpu.memory_space<vmem>>, vector<16xf32>,
        %get3A_580 = arith.constant 0 : index
        %get3A_581 = tpu.vector_load %arg15[%get3A_580] {strides = array<i32>} : memref<128xf32, #tpu.memory_space<vmem>>, vector<16xf32>,
        %add3A_582 = arith.addf %get3A_579, %get3A_581 : vector<16xf32>
        %ge3A_583 = arith.constant 0.000000e+00 : f32
        %ge3A_584 = vector.broadcast %ge3A_583 : f32 to vector<16xf32>
        %ge3A_585 = arith.cmpf oge, %add3A_582, %ge3A_584 : vector<16xf32>
        %mul3A_586 = arith.constant 2.000000e-01 : f32
        %mul3A_587 = vector.broadcast %mul3A_586 : f32 to vector<16xf32>
        %mul3A_588 = arith.mulf %add3A_582, %mul3A_587 : vector<16xf32>
        %select_n3A_589 = arith.select %ge3A_585, %add3A_582, %mul3A_588 : vector<16xi1>, vector<16xf32>
        %exp3A_590 = math.exp %select_n3A_589 : vector<16xf32>
        %mul3A_591 = arith.constant 128 : i32
        %mul3A_592 = arith.muli %add3A_575, %mul3A_591 : i32
        %add3A_593 = arith.constant 0 : i32
        %add3A_594 = arith.addi %mul3A_592, %add3A_593 : i32
        %add3A_595 = vector.broadcast %add3A_594 : i32 to vector<16xi32>
        %add3A_596 = arith.addi %add3A_595, %iota3A : vector<16xi32>
        %lt3A_597 = arith.constant 20625 : i32
        %lt3A_598 = vector.broadcast %lt3A_597 : i32 to vector<16xi32>
        %lt3A_599 = arith.cmpi slt, %add3A_596, %lt3A_598 : vector<16xi32>
        %jit3A_600 = arith.constant 0.000000e+00 : f32
        %broadcast_in_dim3A_601 = vector.broadcast %jit3A_600 : f32 to vector<16xf32>
        %select_n3A_602 = arith.select %lt3A_599, %exp3A_590, %broadcast_in_dim3A_601 : vector<16xi1>, vector<16xf32>
        %swap3A_603 = arith.constant 0 : index
        %swap3A_604 = tpu.vector_load %arg16[%swap3A_603] {strides = array<i32>} : memref<128xf32, #tpu.memory_space<vmem>>, vector<16xf32>,
        tpu.vector_store %arg16[%swap3A_603], %select_n3A_602 {strides = array<i32>} : memref<128xf32, #tpu.memory_space<vmem>>, vector<16xf32>,
        %get3A_605 = arith.constant 0 : index
        %get3A_606 = tpu.vector_load %arg12[%get3A_605] {strides = array<i32>} : memref<128xi32, #tpu.memory_space<vmem>>, vector<16xi32>,
        %add3A_607 = vector.broadcast %mul3A_0 : i32 to vector<16xi32>
        %add3A_608 = arith.addi %get3A_606, %add3A_607 : vector<16xi32>
        %swap3A_609 = arith.constant 0 : index
        %swap3A_610 = tpu.vector_load %arg12[%swap3A_609] {strides = array<i32>} : memref<128xi32, #tpu.memory_space<vmem>>, vector<16xi32>,
        tpu.vector_store %arg12[%swap3A_609], %add3A_608 {strides = array<i32>} : memref<128xi32, #tpu.memory_space<vmem>>, vector<16xi32>,
        %get3A_611 = arith.constant 16 : index
        %get3A_612 = tpu.vector_load %arg14[%get3A_611] {strides = array<i32>} : memref<128xf32, #tpu.memory_space<vmem>>, vector<16xf32>,
        %get3A_613 = arith.constant 16 : index
        %get3A_614 = tpu.vector_load %arg15[%get3A_613] {strides = array<i32>} : memref<128xf32, #tpu.memory_space<vmem>>, vector<16xf32>,
        %add3A_615 = arith.addf %get3A_612, %get3A_614 : vector<16xf32>
        %ge3A_616 = arith.constant 0.000000e+00 : f32
        %ge3A_617 = vector.broadcast %ge3A_616 : f32 to vector<16xf32>
        %ge3A_618 = arith.cmpf oge, %add3A_615, %ge3A_617 : vector<16xf32>
        %mul3A_619 = arith.constant 2.000000e-01 : f32
        %mul3A_620 = vector.broadcast %mul3A_619 : f32 to vector<16xf32>
        %mul3A_621 = arith.mulf %add3A_615, %mul3A_620 : vector<16xf32>
        %select_n3A_622 = arith.select %ge3A_618, %add3A_615, %mul3A_621 : vector<16xi1>, vector<16xf32>
        %exp3A_623 = math.exp %select_n3A_622 : vector<16xf32>
        %mul3A_624 = arith.constant 128 : i32
        %mul3A_625 = arith.muli %add3A_575, %mul3A_624 : i32
        %add3A_626 = arith.constant 16 : i32
        %add3A_627 = arith.addi %mul3A_625, %add3A_626 : i32
        %add3A_628 = vector.broadcast %add3A_627 : i32 to vector<16xi32>
        %add3A_629 = arith.addi %add3A_628, %iota3A : vector<16xi32>
        %lt3A_630 = arith.constant 20625 : i32
        %lt3A_631 = vector.broadcast %lt3A_630 : i32 to vector<16xi32>
        %lt3A_632 = arith.cmpi slt, %add3A_629, %lt3A_631 : vector<16xi32>
        %jit3A_633 = arith.constant 0.000000e+00 : f32
        %broadcast_in_dim3A_634 = vector.broadcast %jit3A_633 : f32 to vector<16xf32>
        %select_n3A_635 = arith.select %lt3A_632, %exp3A_623, %broadcast_in_dim3A_634 : vector<16xi1>, vector<16xf32>
        %swap3A_636 = arith.constant 16 : index
        %swap3A_637 = tpu.vector_load %arg16[%swap3A_636] {strides = array<i32>} : memref<128xf32, #tpu.memory_space<vmem>>, vector<16xf32>,
        tpu.vector_store %arg16[%swap3A_636], %select_n3A_635 {strides = array<i32>} : memref<128xf32, #tpu.memory_space<vmem>>, vector<16xf32>,
        %get3A_638 = arith.constant 16 : index
        %get3A_639 = tpu.vector_load %arg12[%get3A_638] {strides = array<i32>} : memref<128xi32, #tpu.memory_space<vmem>>, vector<16xi32>,
        %add3A_640 = vector.broadcast %mul3A_0 : i32 to vector<16xi32>
        %add3A_641 = arith.addi %get3A_639, %add3A_640 : vector<16xi32>
        %swap3A_642 = arith.constant 16 : index
        %swap3A_643 = tpu.vector_load %arg12[%swap3A_642] {strides = array<i32>} : memref<128xi32, #tpu.memory_space<vmem>>, vector<16xi32>,
        tpu.vector_store %arg12[%swap3A_642], %add3A_641 {strides = array<i32>} : memref<128xi32, #tpu.memory_space<vmem>>, vector<16xi32>,
        %get3A_644 = arith.constant 32 : index
        %get3A_645 = tpu.vector_load %arg14[%get3A_644] {strides = array<i32>} : memref<128xf32, #tpu.memory_space<vmem>>, vector<16xf32>,
        %get3A_646 = arith.constant 32 : index
        %get3A_647 = tpu.vector_load %arg15[%get3A_646] {strides = array<i32>} : memref<128xf32, #tpu.memory_space<vmem>>, vector<16xf32>,
        %add3A_648 = arith.addf %get3A_645, %get3A_647 : vector<16xf32>
        %ge3A_649 = arith.constant 0.000000e+00 : f32
        %ge3A_650 = vector.broadcast %ge3A_649 : f32 to vector<16xf32>
        %ge3A_651 = arith.cmpf oge, %add3A_648, %ge3A_650 : vector<16xf32>
        %mul3A_652 = arith.constant 2.000000e-01 : f32
        %mul3A_653 = vector.broadcast %mul3A_652 : f32 to vector<16xf32>
        %mul3A_654 = arith.mulf %add3A_648, %mul3A_653 : vector<16xf32>
        %select_n3A_655 = arith.select %ge3A_651, %add3A_648, %mul3A_654 : vector<16xi1>, vector<16xf32>
        %exp3A_656 = math.exp %select_n3A_655 : vector<16xf32>
        %mul3A_657 = arith.constant 128 : i32
        %mul3A_658 = arith.muli %add3A_575, %mul3A_657 : i32
        %add3A_659 = arith.constant 32 : i32
        %add3A_660 = arith.addi %mul3A_658, %add3A_659 : i32
        %add3A_661 = vector.broadcast %add3A_660 : i32 to vector<16xi32>
        %add3A_662 = arith.addi %add3A_661, %iota3A : vector<16xi32>
        %lt3A_663 = arith.constant 20625 : i32
        %lt3A_664 = vector.broadcast %lt3A_663 : i32 to vector<16xi32>
        %lt3A_665 = arith.cmpi slt, %add3A_662, %lt3A_664 : vector<16xi32>
        %jit3A_666 = arith.constant 0.000000e+00 : f32
        %broadcast_in_dim3A_667 = vector.broadcast %jit3A_666 : f32 to vector<16xf32>
        %select_n3A_668 = arith.select %lt3A_665, %exp3A_656, %broadcast_in_dim3A_667 : vector<16xi1>, vector<16xf32>
        %swap3A_669 = arith.constant 32 : index
        %swap3A_670 = tpu.vector_load %arg16[%swap3A_669] {strides = array<i32>} : memref<128xf32, #tpu.memory_space<vmem>>, vector<16xf32>,
        tpu.vector_store %arg16[%swap3A_669], %select_n3A_668 {strides = array<i32>} : memref<128xf32, #tpu.memory_space<vmem>>, vector<16xf32>,
        %get3A_671 = arith.constant 32 : index
        %get3A_672 = tpu.vector_load %arg12[%get3A_671] {strides = array<i32>} : memref<128xi32, #tpu.memory_space<vmem>>, vector<16xi32>,
        %add3A_673 = vector.broadcast %mul3A_0 : i32 to vector<16xi32>
        %add3A_674 = arith.addi %get3A_672, %add3A_673 : vector<16xi32>
        %swap3A_675 = arith.constant 32 : index
        %swap3A_676 = tpu.vector_load %arg12[%swap3A_675] {strides = array<i32>} : memref<128xi32, #tpu.memory_space<vmem>>, vector<16xi32>,
        tpu.vector_store %arg12[%swap3A_675], %add3A_674 {strides = array<i32>} : memref<128xi32, #tpu.memory_space<vmem>>, vector<16xi32>,
        %get3A_677 = arith.constant 48 : index
        %get3A_678 = tpu.vector_load %arg14[%get3A_677] {strides = array<i32>} : memref<128xf32, #tpu.memory_space<vmem>>, vector<16xf32>,
        %get3A_679 = arith.constant 48 : index
        %get3A_680 = tpu.vector_load %arg15[%get3A_679] {strides = array<i32>} : memref<128xf32, #tpu.memory_space<vmem>>, vector<16xf32>,
        %add3A_681 = arith.addf %get3A_678, %get3A_680 : vector<16xf32>
        %ge3A_682 = arith.constant 0.000000e+00 : f32
        %ge3A_683 = vector.broadcast %ge3A_682 : f32 to vector<16xf32>
        %ge3A_684 = arith.cmpf oge, %add3A_681, %ge3A_683 : vector<16xf32>
        %mul3A_685 = arith.constant 2.000000e-01 : f32
        %mul3A_686 = vector.broadcast %mul3A_685 : f32 to vector<16xf32>
        %mul3A_687 = arith.mulf %add3A_681, %mul3A_686 : vector<16xf32>
        %select_n3A_688 = arith.select %ge3A_684, %add3A_681, %mul3A_687 : vector<16xi1>, vector<16xf32>
        %exp3A_689 = math.exp %select_n3A_688 : vector<16xf32>
        %mul3A_690 = arith.constant 128 : i32
        %mul3A_691 = arith.muli %add3A_575, %mul3A_690 : i32
        %add3A_692 = arith.constant 48 : i32
        %add3A_693 = arith.addi %mul3A_691, %add3A_692 : i32
        %add3A_694 = vector.broadcast %add3A_693 : i32 to vector<16xi32>
        %add3A_695 = arith.addi %add3A_694, %iota3A : vector<16xi32>
        %lt3A_696 = arith.constant 20625 : i32
        %lt3A_697 = vector.broadcast %lt3A_696 : i32 to vector<16xi32>
        %lt3A_698 = arith.cmpi slt, %add3A_695, %lt3A_697 : vector<16xi32>
        %jit3A_699 = arith.constant 0.000000e+00 : f32
        %broadcast_in_dim3A_700 = vector.broadcast %jit3A_699 : f32 to vector<16xf32>
        %select_n3A_701 = arith.select %lt3A_698, %exp3A_689, %broadcast_in_dim3A_700 : vector<16xi1>, vector<16xf32>
        %swap3A_702 = arith.constant 48 : index
        %swap3A_703 = tpu.vector_load %arg16[%swap3A_702] {strides = array<i32>} : memref<128xf32, #tpu.memory_space<vmem>>, vector<16xf32>,
        tpu.vector_store %arg16[%swap3A_702], %select_n3A_701 {strides = array<i32>} : memref<128xf32, #tpu.memory_space<vmem>>, vector<16xf32>,
        %get3A_704 = arith.constant 48 : index
        %get3A_705 = tpu.vector_load %arg12[%get3A_704] {strides = array<i32>} : memref<128xi32, #tpu.memory_space<vmem>>, vector<16xi32>,
        %add3A_706 = vector.broadcast %mul3A_0 : i32 to vector<16xi32>
        %add3A_707 = arith.addi %get3A_705, %add3A_706 : vector<16xi32>
        %swap3A_708 = arith.constant 48 : index
        %swap3A_709 = tpu.vector_load %arg12[%swap3A_708] {strides = array<i32>} : memref<128xi32, #tpu.memory_space<vmem>>, vector<16xi32>,
        tpu.vector_store %arg12[%swap3A_708], %add3A_707 {strides = array<i32>} : memref<128xi32, #tpu.memory_space<vmem>>, vector<16xi32>,
        %get3A_710 = arith.constant 64 : index
        %get3A_711 = tpu.vector_load %arg14[%get3A_710] {strides = array<i32>} : memref<128xf32, #tpu.memory_space<vmem>>, vector<16xf32>,
        %get3A_712 = arith.constant 64 : index
        %get3A_713 = tpu.vector_load %arg15[%get3A_712] {strides = array<i32>} : memref<128xf32, #tpu.memory_space<vmem>>, vector<16xf32>,
        %add3A_714 = arith.addf %get3A_711, %get3A_713 : vector<16xf32>
        %ge3A_715 = arith.constant 0.000000e+00 : f32
        %ge3A_716 = vector.broadcast %ge3A_715 : f32 to vector<16xf32>
        %ge3A_717 = arith.cmpf oge, %add3A_714, %ge3A_716 : vector<16xf32>
        %mul3A_718 = arith.constant 2.000000e-01 : f32
        %mul3A_719 = vector.broadcast %mul3A_718 : f32 to vector<16xf32>
        %mul3A_720 = arith.mulf %add3A_714, %mul3A_719 : vector<16xf32>
        %select_n3A_721 = arith.select %ge3A_717, %add3A_714, %mul3A_720 : vector<16xi1>, vector<16xf32>
        %exp3A_722 = math.exp %select_n3A_721 : vector<16xf32>
        %mul3A_723 = arith.constant 128 : i32
        %mul3A_724 = arith.muli %add3A_575, %mul3A_723 : i32
        %add3A_725 = arith.constant 64 : i32
        %add3A_726 = arith.addi %mul3A_724, %add3A_725 : i32
        %add3A_727 = vector.broadcast %add3A_726 : i32 to vector<16xi32>
        %add3A_728 = arith.addi %add3A_727, %iota3A : vector<16xi32>
        %lt3A_729 = arith.constant 20625 : i32
        %lt3A_730 = vector.broadcast %lt3A_729 : i32 to vector<16xi32>
        %lt3A_731 = arith.cmpi slt, %add3A_728, %lt3A_730 : vector<16xi32>
        %jit3A_732 = arith.constant 0.000000e+00 : f32
        %broadcast_in_dim3A_733 = vector.broadcast %jit3A_732 : f32 to vector<16xf32>
        %select_n3A_734 = arith.select %lt3A_731, %exp3A_722, %broadcast_in_dim3A_733 : vector<16xi1>, vector<16xf32>
        %swap3A_735 = arith.constant 64 : index
        %swap3A_736 = tpu.vector_load %arg16[%swap3A_735] {strides = array<i32>} : memref<128xf32, #tpu.memory_space<vmem>>, vector<16xf32>,
        tpu.vector_store %arg16[%swap3A_735], %select_n3A_734 {strides = array<i32>} : memref<128xf32, #tpu.memory_space<vmem>>, vector<16xf32>,
        %get3A_737 = arith.constant 64 : index
        %get3A_738 = tpu.vector_load %arg12[%get3A_737] {strides = array<i32>} : memref<128xi32, #tpu.memory_space<vmem>>, vector<16xi32>,
        %add3A_739 = vector.broadcast %mul3A_0 : i32 to vector<16xi32>
        %add3A_740 = arith.addi %get3A_738, %add3A_739 : vector<16xi32>
        %swap3A_741 = arith.constant 64 : index
        %swap3A_742 = tpu.vector_load %arg12[%swap3A_741] {strides = array<i32>} : memref<128xi32, #tpu.memory_space<vmem>>, vector<16xi32>,
        tpu.vector_store %arg12[%swap3A_741], %add3A_740 {strides = array<i32>} : memref<128xi32, #tpu.memory_space<vmem>>, vector<16xi32>,
        %get3A_743 = arith.constant 80 : index
        %get3A_744 = tpu.vector_load %arg14[%get3A_743] {strides = array<i32>} : memref<128xf32, #tpu.memory_space<vmem>>, vector<16xf32>,
        %get3A_745 = arith.constant 80 : index
        %get3A_746 = tpu.vector_load %arg15[%get3A_745] {strides = array<i32>} : memref<128xf32, #tpu.memory_space<vmem>>, vector<16xf32>,
        %add3A_747 = arith.addf %get3A_744, %get3A_746 : vector<16xf32>
        %ge3A_748 = arith.constant 0.000000e+00 : f32
        %ge3A_749 = vector.broadcast %ge3A_748 : f32 to vector<16xf32>
        %ge3A_750 = arith.cmpf oge, %add3A_747, %ge3A_749 : vector<16xf32>
        %mul3A_751 = arith.constant 2.000000e-01 : f32
        %mul3A_752 = vector.broadcast %mul3A_751 : f32 to vector<16xf32>
        %mul3A_753 = arith.mulf %add3A_747, %mul3A_752 : vector<16xf32>
        %select_n3A_754 = arith.select %ge3A_750, %add3A_747, %mul3A_753 : vector<16xi1>, vector<16xf32>
        %exp3A_755 = math.exp %select_n3A_754 : vector<16xf32>
        %mul3A_756 = arith.constant 128 : i32
        %mul3A_757 = arith.muli %add3A_575, %mul3A_756 : i32
        %add3A_758 = arith.constant 80 : i32
        %add3A_759 = arith.addi %mul3A_757, %add3A_758 : i32
        %add3A_760 = vector.broadcast %add3A_759 : i32 to vector<16xi32>
        %add3A_761 = arith.addi %add3A_760, %iota3A : vector<16xi32>
        %lt3A_762 = arith.constant 20625 : i32
        %lt3A_763 = vector.broadcast %lt3A_762 : i32 to vector<16xi32>
        %lt3A_764 = arith.cmpi slt, %add3A_761, %lt3A_763 : vector<16xi32>
        %jit3A_765 = arith.constant 0.000000e+00 : f32
        %broadcast_in_dim3A_766 = vector.broadcast %jit3A_765 : f32 to vector<16xf32>
        %select_n3A_767 = arith.select %lt3A_764, %exp3A_755, %broadcast_in_dim3A_766 : vector<16xi1>, vector<16xf32>
        %swap3A_768 = arith.constant 80 : index
        %swap3A_769 = tpu.vector_load %arg16[%swap3A_768] {strides = array<i32>} : memref<128xf32, #tpu.memory_space<vmem>>, vector<16xf32>,
        tpu.vector_store %arg16[%swap3A_768], %select_n3A_767 {strides = array<i32>} : memref<128xf32, #tpu.memory_space<vmem>>, vector<16xf32>,
        %get3A_770 = arith.constant 80 : index
        %get3A_771 = tpu.vector_load %arg12[%get3A_770] {strides = array<i32>} : memref<128xi32, #tpu.memory_space<vmem>>, vector<16xi32>,
        %add3A_772 = vector.broadcast %mul3A_0 : i32 to vector<16xi32>
        %add3A_773 = arith.addi %get3A_771, %add3A_772 : vector<16xi32>
        %swap3A_774 = arith.constant 80 : index
        %swap3A_775 = tpu.vector_load %arg12[%swap3A_774] {strides = array<i32>} : memref<128xi32, #tpu.memory_space<vmem>>, vector<16xi32>,
        tpu.vector_store %arg12[%swap3A_774], %add3A_773 {strides = array<i32>} : memref<128xi32, #tpu.memory_space<vmem>>, vector<16xi32>,
        %get3A_776 = arith.constant 96 : index
        %get3A_777 = tpu.vector_load %arg14[%get3A_776] {strides = array<i32>} : memref<128xf32, #tpu.memory_space<vmem>>, vector<16xf32>,
        %get3A_778 = arith.constant 96 : index
        %get3A_779 = tpu.vector_load %arg15[%get3A_778] {strides = array<i32>} : memref<128xf32, #tpu.memory_space<vmem>>, vector<16xf32>,
        %add3A_780 = arith.addf %get3A_777, %get3A_779 : vector<16xf32>
        %ge3A_781 = arith.constant 0.000000e+00 : f32
        %ge3A_782 = vector.broadcast %ge3A_781 : f32 to vector<16xf32>
        %ge3A_783 = arith.cmpf oge, %add3A_780, %ge3A_782 : vector<16xf32>
        %mul3A_784 = arith.constant 2.000000e-01 : f32
        %mul3A_785 = vector.broadcast %mul3A_784 : f32 to vector<16xf32>
        %mul3A_786 = arith.mulf %add3A_780, %mul3A_785 : vector<16xf32>
        %select_n3A_787 = arith.select %ge3A_783, %add3A_780, %mul3A_786 : vector<16xi1>, vector<16xf32>
        %exp3A_788 = math.exp %select_n3A_787 : vector<16xf32>
        %mul3A_789 = arith.constant 128 : i32
        %mul3A_790 = arith.muli %add3A_575, %mul3A_789 : i32
        %add3A_791 = arith.constant 96 : i32
        %add3A_792 = arith.addi %mul3A_790, %add3A_791 : i32
        %add3A_793 = vector.broadcast %add3A_792 : i32 to vector<16xi32>
        %add3A_794 = arith.addi %add3A_793, %iota3A : vector<16xi32>
        %lt3A_795 = arith.constant 20625 : i32
        %lt3A_796 = vector.broadcast %lt3A_795 : i32 to vector<16xi32>
        %lt3A_797 = arith.cmpi slt, %add3A_794, %lt3A_796 : vector<16xi32>
        %jit3A_798 = arith.constant 0.000000e+00 : f32
        %broadcast_in_dim3A_799 = vector.broadcast %jit3A_798 : f32 to vector<16xf32>
        %select_n3A_800 = arith.select %lt3A_797, %exp3A_788, %broadcast_in_dim3A_799 : vector<16xi1>, vector<16xf32>
        %swap3A_801 = arith.constant 96 : index
        %swap3A_802 = tpu.vector_load %arg16[%swap3A_801] {strides = array<i32>} : memref<128xf32, #tpu.memory_space<vmem>>, vector<16xf32>,
        tpu.vector_store %arg16[%swap3A_801], %select_n3A_800 {strides = array<i32>} : memref<128xf32, #tpu.memory_space<vmem>>, vector<16xf32>,
        %get3A_803 = arith.constant 96 : index
        %get3A_804 = tpu.vector_load %arg12[%get3A_803] {strides = array<i32>} : memref<128xi32, #tpu.memory_space<vmem>>, vector<16xi32>,
        %add3A_805 = vector.broadcast %mul3A_0 : i32 to vector<16xi32>
        %add3A_806 = arith.addi %get3A_804, %add3A_805 : vector<16xi32>
        %swap3A_807 = arith.constant 96 : index
        %swap3A_808 = tpu.vector_load %arg12[%swap3A_807] {strides = array<i32>} : memref<128xi32, #tpu.memory_space<vmem>>, vector<16xi32>,
        tpu.vector_store %arg12[%swap3A_807], %add3A_806 {strides = array<i32>} : memref<128xi32, #tpu.memory_space<vmem>>, vector<16xi32>,
        %get3A_809 = arith.constant 112 : index
        %get3A_810 = tpu.vector_load %arg14[%get3A_809] {strides = array<i32>} : memref<128xf32, #tpu.memory_space<vmem>>, vector<16xf32>,
        %get3A_811 = arith.constant 112 : index
        %get3A_812 = tpu.vector_load %arg15[%get3A_811] {strides = array<i32>} : memref<128xf32, #tpu.memory_space<vmem>>, vector<16xf32>,
        %add3A_813 = arith.addf %get3A_810, %get3A_812 : vector<16xf32>
        %ge3A_814 = arith.constant 0.000000e+00 : f32
        %ge3A_815 = vector.broadcast %ge3A_814 : f32 to vector<16xf32>
        %ge3A_816 = arith.cmpf oge, %add3A_813, %ge3A_815 : vector<16xf32>
        %mul3A_817 = arith.constant 2.000000e-01 : f32
        %mul3A_818 = vector.broadcast %mul3A_817 : f32 to vector<16xf32>
        %mul3A_819 = arith.mulf %add3A_813, %mul3A_818 : vector<16xf32>
        %select_n3A_820 = arith.select %ge3A_816, %add3A_813, %mul3A_819 : vector<16xi1>, vector<16xf32>
        %exp3A_821 = math.exp %select_n3A_820 : vector<16xf32>
        %mul3A_822 = arith.constant 128 : i32
        %mul3A_823 = arith.muli %add3A_575, %mul3A_822 : i32
        %add3A_824 = arith.constant 112 : i32
        %add3A_825 = arith.addi %mul3A_823, %add3A_824 : i32
        %add3A_826 = vector.broadcast %add3A_825 : i32 to vector<16xi32>
        %add3A_827 = arith.addi %add3A_826, %iota3A : vector<16xi32>
        %lt3A_828 = arith.constant 20625 : i32
        %lt3A_829 = vector.broadcast %lt3A_828 : i32 to vector<16xi32>
        %lt3A_830 = arith.cmpi slt, %add3A_827, %lt3A_829 : vector<16xi32>
        %jit3A_831 = arith.constant 0.000000e+00 : f32
        %broadcast_in_dim3A_832 = vector.broadcast %jit3A_831 : f32 to vector<16xf32>
        %select_n3A_833 = arith.select %lt3A_830, %exp3A_821, %broadcast_in_dim3A_832 : vector<16xi1>, vector<16xf32>
        %swap3A_834 = arith.constant 112 : index
        %swap3A_835 = tpu.vector_load %arg16[%swap3A_834] {strides = array<i32>} : memref<128xf32, #tpu.memory_space<vmem>>, vector<16xf32>,
        tpu.vector_store %arg16[%swap3A_834], %select_n3A_833 {strides = array<i32>} : memref<128xf32, #tpu.memory_space<vmem>>, vector<16xf32>,
        %get3A_836 = arith.constant 112 : index
        %get3A_837 = tpu.vector_load %arg12[%get3A_836] {strides = array<i32>} : memref<128xi32, #tpu.memory_space<vmem>>, vector<16xi32>,
        %add3A_838 = vector.broadcast %mul3A_0 : i32 to vector<16xi32>
        %add3A_839 = arith.addi %get3A_837, %add3A_838 : vector<16xi32>
        %swap3A_840 = arith.constant 112 : index
        %swap3A_841 = tpu.vector_load %arg12[%swap3A_840] {strides = array<i32>} : memref<128xi32, #tpu.memory_space<vmem>>, vector<16xi32>,
        tpu.vector_store %arg12[%swap3A_840], %add3A_839 {strides = array<i32>} : memref<128xi32, #tpu.memory_space<vmem>>, vector<16xi32>,
        %dma_start3A_842 = arith.constant 0 : i32
        %dma_start3A_843 = arith.constant 0 : i32
        %dma_start3A_844 = tpu.memref_slice %arg2[%dma_start3A_842, %dma_start3A_843] : memref<20000x128xf32, #tpu.memory_space<hbm>> -> memref<20000x128xf32, #tpu.memory_space<hbm>>
        tpu.enqueue_indirect_dma source(%dma_start3A_844 : memref<20000x128xf32, #tpu.memory_space<hbm>>) target(%arg17 : memref<128x128xf32, #tpu.memory_space<vmem>>) offsets(%arg12 : memref<128xi32, #tpu.memory_space<vmem>>) semaphore(%arg29 : memref<!tpu.dma_semaphore, #tpu.memory_space<semaphore_mem>>)
      } else {
      }
      %dma_wait3A_563 = arith.constant 0 : i32
      %dma_wait3A_564 = arith.constant 0 : i32
      %dma_wait3A_565 = tpu.memref_slice %arg2[%dma_wait3A_563, %dma_wait3A_564] : memref<20000x128xf32, #tpu.memory_space<hbm>> -> memref<20000x128xf32, #tpu.memory_space<hbm>>
      tpu.wait_indirect_dma semaphore(%arg30 : memref<!tpu.dma_semaphore, #tpu.memory_space<semaphore_mem>>) src(%dma_wait3A_565 : memref<20000x128xf32, #tpu.memory_space<hbm>>) dst(%arg23 : memref<128x128xf32, #tpu.memory_space<vmem>>)
      %scan3A_566 = arith.constant 0 : i32
      %scan3A_567 = arith.constant 0 : i32
      %scan3A_568 = arith.constant 128 : i32
      %scan3A_569 = arith.addi %scan3A_567, %scan3A_568 : i32
      %scan3A_570 = arith.constant 4 : i32
      %scan3A_571 = scf.for %scan3A_574 = %scan3A_567 to %scan3A_569 step %scan3A_570 iter_args(%scan3A_575 = %scan3A_566) -> (i32)  : i32 {
        %jit3A_576 = arith.constant 16 : i32
        %div3A = arith.divsi %scan3A_574, %jit3A_576 : i32
        %sign3A = arith.constant 0 : i32
        %sign3A_577 = arith.cmpi sgt, %scan3A_574, %sign3A : i32
        %sign3A_578 = arith.extui %sign3A_577 : i1 to i32
        %sign3A_579 = arith.constant 0 : i32
        %sign3A_580 = arith.cmpi slt, %scan3A_574, %sign3A_579 : i32
        %sign3A_581 = arith.extui %sign3A_580 : i1 to i32
        %sign3A_582 = arith.subi %sign3A_578, %sign3A_581 : i32
        %sign3A_583 = arith.constant 0 : i32
        %sign3A_584 = arith.cmpi sgt, %jit3A_576, %sign3A_583 : i32
        %sign3A_585 = arith.extui %sign3A_584 : i1 to i32
        %sign3A_586 = arith.constant 0 : i32
        %sign3A_587 = arith.cmpi slt, %jit3A_576, %sign3A_586 : i32
        %sign3A_588 = arith.extui %sign3A_587 : i1 to i32
        %sign3A_589 = arith.subi %sign3A_585, %sign3A_588 : i32
        %ne3A = arith.cmpi ne, %sign3A_582, %sign3A_589 : i32
        %rem3A = arith.remsi %scan3A_574, %jit3A_576 : i32
        %ne3A_590 = arith.constant 0 : i32
        %ne3A_591 = arith.cmpi ne, %rem3A, %ne3A_590 : i32
        %and3A_592 = arith.andi %ne3A, %ne3A_591 : i1
        %sub3A = arith.constant 1 : i32
        %sub3A_593 = arith.subi %div3A, %sub3A : i32
        %select_n3A_594 = arith.select %and3A_592, %sub3A_593, %div3A : i32
        %mul3A_595 = arith.constant 16 : i32
        %mul3A_596 = arith.muli %select_n3A_594, %mul3A_595 : i32
        %get3A_597 = arith.index_cast %mul3A_596 : i32 to index
        %get3A_598 = tpu.vector_load %arg22[%get3A_597] {strides = array<i32>} : memref<128xf32, #tpu.memory_space<vmem>>, vector<16xf32>,
        %sub3A_599 = arith.subi %scan3A_574, %mul3A_596 : i32
        %eq3A_600 = vector.broadcast %sub3A_599 : i32 to vector<16xi32>
        %eq3A_601 = arith.cmpi eq, %iota3A, %eq3A_600 : vector<16xi32>
        %jit3A_602 = arith.constant 0.000000e+00 : f32
        %broadcast_in_dim3A_603 = vector.broadcast %jit3A_602 : f32 to vector<16xf32>
        %select_n3A_604 = arith.select %eq3A_601, %get3A_598, %broadcast_in_dim3A_603 : vector<16xi1>, vector<16xf32>
        %reduce_sum3A = arith.constant true
        %reduce_sum3A_605 = vector.broadcast %reduce_sum3A : i1 to vector<16xi1>
        %reduce_sum3A_606 = tpu.scan <sum>, %select_n3A_604 masked %reduce_sum3A_605 : vector<16xf32>, vector<16xi1> -> vector<16xf32>
        %reduce_sum3A_607 = vector.extract %reduce_sum3A_606[15] : f32 from vector<16xf32>
        %get3A_608 = arith.index_cast %scan3A_574 : i32 to index
        %get3A_609 = arith.constant 0 : index
        %get3A_610 = tpu.vector_load %arg23[%get3A_608, %get3A_609] {strides = array<i32>} : memref<128x128xf32, #tpu.memory_space<vmem>>, vector<16xf32>,
        %mul3A_611 = vector.broadcast %reduce_sum3A_607 : f32 to vector<16xf32>
        %mul3A_612 = arith.mulf %get3A_610, %mul3A_611 : vector<16xf32>
        %swap3A_613 = arith.index_cast %scan3A_574 : i32 to index
        %swap3A_614 = arith.constant 0 : index
        %swap3A_615 = tpu.vector_load %arg23[%swap3A_613, %swap3A_614] {strides = array<i32>} : memref<128x128xf32, #tpu.memory_space<vmem>>, vector<16xf32>,
        tpu.vector_store %arg23[%swap3A_613, %swap3A_614], %mul3A_612 {strides = array<i32>} : memref<128x128xf32, #tpu.memory_space<vmem>>, vector<16xf32>,
        %get3A_616 = arith.index_cast %scan3A_574 : i32 to index
        %get3A_617 = arith.constant 16 : index
        %get3A_618 = tpu.vector_load %arg23[%get3A_616, %get3A_617] {strides = array<i32>} : memref<128x128xf32, #tpu.memory_space<vmem>>, vector<16xf32>,
        %mul3A_619 = vector.broadcast %reduce_sum3A_607 : f32 to vector<16xf32>
        %mul3A_620 = arith.mulf %get3A_618, %mul3A_619 : vector<16xf32>
        %swap3A_621 = arith.index_cast %scan3A_574 : i32 to index
        %swap3A_622 = arith.constant 16 : index
        %swap3A_623 = tpu.vector_load %arg23[%swap3A_621, %swap3A_622] {strides = array<i32>} : memref<128x128xf32, #tpu.memory_space<vmem>>, vector<16xf32>,
        tpu.vector_store %arg23[%swap3A_621, %swap3A_622], %mul3A_620 {strides = array<i32>} : memref<128x128xf32, #tpu.memory_space<vmem>>, vector<16xf32>,
        %get3A_624 = arith.index_cast %scan3A_574 : i32 to index
        %get3A_625 = arith.constant 32 : index
        %get3A_626 = tpu.vector_load %arg23[%get3A_624, %get3A_625] {strides = array<i32>} : memref<128x128xf32, #tpu.memory_space<vmem>>, vector<16xf32>,
        %mul3A_627 = vector.broadcast %reduce_sum3A_607 : f32 to vector<16xf32>
        %mul3A_628 = arith.mulf %get3A_626, %mul3A_627 : vector<16xf32>
        %swap3A_629 = arith.index_cast %scan3A_574 : i32 to index
        %swap3A_630 = arith.constant 32 : index
        %swap3A_631 = tpu.vector_load %arg23[%swap3A_629, %swap3A_630] {strides = array<i32>} : memref<128x128xf32, #tpu.memory_space<vmem>>, vector<16xf32>,
        tpu.vector_store %arg23[%swap3A_629, %swap3A_630], %mul3A_628 {strides = array<i32>} : memref<128x128xf32, #tpu.memory_space<vmem>>, vector<16xf32>,
        %get3A_632 = arith.index_cast %scan3A_574 : i32 to index
        %get3A_633 = arith.constant 48 : index
        %get3A_634 = tpu.vector_load %arg23[%get3A_632, %get3A_633] {strides = array<i32>} : memref<128x128xf32, #tpu.memory_space<vmem>>, vector<16xf32>,
        %mul3A_635 = vector.broadcast %reduce_sum3A_607 : f32 to vector<16xf32>
        %mul3A_636 = arith.mulf %get3A_634, %mul3A_635 : vector<16xf32>
        %swap3A_637 = arith.index_cast %scan3A_574 : i32 to index
        %swap3A_638 = arith.constant 48 : index
        %swap3A_639 = tpu.vector_load %arg23[%swap3A_637, %swap3A_638] {strides = array<i32>} : memref<128x128xf32, #tpu.memory_space<vmem>>, vector<16xf32>,
        tpu.vector_store %arg23[%swap3A_637, %swap3A_638], %mul3A_636 {strides = array<i32>} : memref<128x128xf32, #tpu.memory_space<vmem>>, vector<16xf32>,
        %get3A_640 = arith.index_cast %scan3A_574 : i32 to index
        %get3A_641 = arith.constant 64 : index
        %get3A_642 = tpu.vector_load %arg23[%get3A_640, %get3A_641] {strides = array<i32>} : memref<128x128xf32, #tpu.memory_space<vmem>>, vector<16xf32>,
        %mul3A_643 = vector.broadcast %reduce_sum3A_607 : f32 to vector<16xf32>
        %mul3A_644 = arith.mulf %get3A_642, %mul3A_643 : vector<16xf32>
        %swap3A_645 = arith.index_cast %scan3A_574 : i32 to index
        %swap3A_646 = arith.constant 64 : index
        %swap3A_647 = tpu.vector_load %arg23[%swap3A_645, %swap3A_646] {strides = array<i32>} : memref<128x128xf32, #tpu.memory_space<vmem>>, vector<16xf32>,
        tpu.vector_store %arg23[%swap3A_645, %swap3A_646], %mul3A_644 {strides = array<i32>} : memref<128x128xf32, #tpu.memory_space<vmem>>, vector<16xf32>,
        %get3A_648 = arith.index_cast %scan3A_574 : i32 to index
        %get3A_649 = arith.constant 80 : index
        %get3A_650 = tpu.vector_load %arg23[%get3A_648, %get3A_649] {strides = array<i32>} : memref<128x128xf32, #tpu.memory_space<vmem>>, vector<16xf32>,
        %mul3A_651 = vector.broadcast %reduce_sum3A_607 : f32 to vector<16xf32>
        %mul3A_652 = arith.mulf %get3A_650, %mul3A_651 : vector<16xf32>
        %swap3A_653 = arith.index_cast %scan3A_574 : i32 to index
        %swap3A_654 = arith.constant 80 : index
        %swap3A_655 = tpu.vector_load %arg23[%swap3A_653, %swap3A_654] {strides = array<i32>} : memref<128x128xf32, #tpu.memory_space<vmem>>, vector<16xf32>,
        tpu.vector_store %arg23[%swap3A_653, %swap3A_654], %mul3A_652 {strides = array<i32>} : memref<128x128xf32, #tpu.memory_space<vmem>>, vector<16xf32>,
        %get3A_656 = arith.index_cast %scan3A_574 : i32 to index
        %get3A_657 = arith.constant 96 : index
        %get3A_658 = tpu.vector_load %arg23[%get3A_656, %get3A_657] {strides = array<i32>} : memref<128x128xf32, #tpu.memory_space<vmem>>, vector<16xf32>,
        %mul3A_659 = vector.broadcast %reduce_sum3A_607 : f32 to vector<16xf32>
        %mul3A_660 = arith.mulf %get3A_658, %mul3A_659 : vector<16xf32>
        %swap3A_661 = arith.index_cast %scan3A_574 : i32 to index
        %swap3A_662 = arith.constant 96 : index
        %swap3A_663 = tpu.vector_load %arg23[%swap3A_661, %swap3A_662] {strides = array<i32>} : memref<128x128xf32, #tpu.memory_space<vmem>>, vector<16xf32>,
        tpu.vector_store %arg23[%swap3A_661, %swap3A_662], %mul3A_660 {strides = array<i32>} : memref<128x128xf32, #tpu.memory_space<vmem>>, vector<16xf32>,
        %get3A_664 = arith.index_cast %scan3A_574 : i32 to index
        %get3A_665 = arith.constant 112 : index
        %get3A_666 = tpu.vector_load %arg23[%get3A_664, %get3A_665] {strides = array<i32>} : memref<128x128xf32, #tpu.memory_space<vmem>>, vector<16xf32>,
        %mul3A_667 = vector.broadcast %reduce_sum3A_607 : f32 to vector<16xf32>
        %mul3A_668 = arith.mulf %get3A_666, %mul3A_667 : vector<16xf32>
        %swap3A_669 = arith.index_cast %scan3A_574 : i32 to index
        %swap3A_670 = arith.constant 112 : index
        %swap3A_671 = tpu.vector_load %arg23[%swap3A_669, %swap3A_670] {strides = array<i32>} : memref<128x128xf32, #tpu.memory_space<vmem>>, vector<16xf32>,
        tpu.vector_store %arg23[%swap3A_669, %swap3A_670], %mul3A_668 {strides = array<i32>} : memref<128x128xf32, #tpu.memory_space<vmem>>, vector<16xf32>,
        %scan3A_672 = arith.constant 0 : i32
        %scan3A_673 = arith.constant 1 : i32
        %scan3A_674 = arith.addi %scan3A_574, %scan3A_673 : i32
        %jit3A_675 = arith.constant 16 : i32
        %div3A_676 = arith.divsi %scan3A_674, %jit3A_675 : i32
        %sign3A_677 = arith.constant 0 : i32
        %sign3A_678 = arith.cmpi sgt, %scan3A_674, %sign3A_677 : i32
        %sign3A_679 = arith.extui %sign3A_678 : i1 to i32
        %sign3A_680 = arith.constant 0 : i32
        %sign3A_681 = arith.cmpi slt, %scan3A_674, %sign3A_680 : i32
        %sign3A_682 = arith.extui %sign3A_681 : i1 to i32
        %sign3A_683 = arith.subi %sign3A_679, %sign3A_682 : i32
        %sign3A_684 = arith.constant 0 : i32
        %sign3A_685 = arith.cmpi sgt, %jit3A_675, %sign3A_684 : i32
        %sign3A_686 = arith.extui %sign3A_685 : i1 to i32
        %sign3A_687 = arith.constant 0 : i32
        %sign3A_688 = arith.cmpi slt, %jit3A_675, %sign3A_687 : i32
        %sign3A_689 = arith.extui %sign3A_688 : i1 to i32
        %sign3A_690 = arith.subi %sign3A_686, %sign3A_689 : i32
        %ne3A_691 = arith.cmpi ne, %sign3A_683, %sign3A_690 : i32
        %rem3A_692 = arith.remsi %scan3A_674, %jit3A_675 : i32
        %ne3A_693 = arith.constant 0 : i32
        %ne3A_694 = arith.cmpi ne, %rem3A_692, %ne3A_693 : i32
        %and3A_695 = arith.andi %ne3A_691, %ne3A_694 : i1
        %sub3A_696 = arith.constant 1 : i32
        %sub3A_697 = arith.subi %div3A_676, %sub3A_696 : i32
        %select_n3A_698 = arith.select %and3A_695, %sub3A_697, %div3A_676 : i32
        %mul3A_699 = arith.constant 16 : i32
        %mul3A_700 = arith.muli %select_n3A_698, %mul3A_699 : i32
        %get3A_701 = arith.index_cast %mul3A_700 : i32 to index
        %get3A_702 = tpu.vector_load %arg22[%get3A_701] {strides = array<i32>} : memref<128xf32, #tpu.memory_space<vmem>>, vector<16xf32>,
        %sub3A_703 = arith.subi %scan3A_674, %mul3A_700 : i32
        %eq3A_704 = vector.broadcast %sub3A_703 : i32 to vector<16xi32>
        %eq3A_705 = arith.cmpi eq, %iota3A, %eq3A_704 : vector<16xi32>
        %jit3A_706 = arith.constant 0.000000e+00 : f32
        %broadcast_in_dim3A_707 = vector.broadcast %jit3A_706 : f32 to vector<16xf32>
        %select_n3A_708 = arith.select %eq3A_705, %get3A_702, %broadcast_in_dim3A_707 : vector<16xi1>, vector<16xf32>
        %reduce_sum3A_709 = arith.constant true
        %reduce_sum3A_710 = vector.broadcast %reduce_sum3A_709 : i1 to vector<16xi1>
        %reduce_sum3A_711 = tpu.scan <sum>, %select_n3A_708 masked %reduce_sum3A_710 : vector<16xf32>, vector<16xi1> -> vector<16xf32>
        %reduce_sum3A_712 = vector.extract %reduce_sum3A_711[15] : f32 from vector<16xf32>
        %get3A_713 = arith.index_cast %scan3A_674 : i32 to index
        %get3A_714 = arith.constant 0 : index
        %get3A_715 = tpu.vector_load %arg23[%get3A_713, %get3A_714] {strides = array<i32>} : memref<128x128xf32, #tpu.memory_space<vmem>>, vector<16xf32>,
        %mul3A_716 = vector.broadcast %reduce_sum3A_712 : f32 to vector<16xf32>
        %mul3A_717 = arith.mulf %get3A_715, %mul3A_716 : vector<16xf32>
        %swap3A_718 = arith.index_cast %scan3A_674 : i32 to index
        %swap3A_719 = arith.constant 0 : index
        %swap3A_720 = tpu.vector_load %arg23[%swap3A_718, %swap3A_719] {strides = array<i32>} : memref<128x128xf32, #tpu.memory_space<vmem>>, vector<16xf32>,
        tpu.vector_store %arg23[%swap3A_718, %swap3A_719], %mul3A_717 {strides = array<i32>} : memref<128x128xf32, #tpu.memory_space<vmem>>, vector<16xf32>,
        %get3A_721 = arith.index_cast %scan3A_674 : i32 to index
        %get3A_722 = arith.constant 16 : index
        %get3A_723 = tpu.vector_load %arg23[%get3A_721, %get3A_722] {strides = array<i32>} : memref<128x128xf32, #tpu.memory_space<vmem>>, vector<16xf32>,
        %mul3A_724 = vector.broadcast %reduce_sum3A_712 : f32 to vector<16xf32>
        %mul3A_725 = arith.mulf %get3A_723, %mul3A_724 : vector<16xf32>
        %swap3A_726 = arith.index_cast %scan3A_674 : i32 to index
        %swap3A_727 = arith.constant 16 : index
        %swap3A_728 = tpu.vector_load %arg23[%swap3A_726, %swap3A_727] {strides = array<i32>} : memref<128x128xf32, #tpu.memory_space<vmem>>, vector<16xf32>,
        tpu.vector_store %arg23[%swap3A_726, %swap3A_727], %mul3A_725 {strides = array<i32>} : memref<128x128xf32, #tpu.memory_space<vmem>>, vector<16xf32>,
        %get3A_729 = arith.index_cast %scan3A_674 : i32 to index
        %get3A_730 = arith.constant 32 : index
        %get3A_731 = tpu.vector_load %arg23[%get3A_729, %get3A_730] {strides = array<i32>} : memref<128x128xf32, #tpu.memory_space<vmem>>, vector<16xf32>,
        %mul3A_732 = vector.broadcast %reduce_sum3A_712 : f32 to vector<16xf32>
        %mul3A_733 = arith.mulf %get3A_731, %mul3A_732 : vector<16xf32>
        %swap3A_734 = arith.index_cast %scan3A_674 : i32 to index
        %swap3A_735 = arith.constant 32 : index
        %swap3A_736 = tpu.vector_load %arg23[%swap3A_734, %swap3A_735] {strides = array<i32>} : memref<128x128xf32, #tpu.memory_space<vmem>>, vector<16xf32>,
        tpu.vector_store %arg23[%swap3A_734, %swap3A_735], %mul3A_733 {strides = array<i32>} : memref<128x128xf32, #tpu.memory_space<vmem>>, vector<16xf32>,
        %get3A_737 = arith.index_cast %scan3A_674 : i32 to index
        %get3A_738 = arith.constant 48 : index
        %get3A_739 = tpu.vector_load %arg23[%get3A_737, %get3A_738] {strides = array<i32>} : memref<128x128xf32, #tpu.memory_space<vmem>>, vector<16xf32>,
        %mul3A_740 = vector.broadcast %reduce_sum3A_712 : f32 to vector<16xf32>
        %mul3A_741 = arith.mulf %get3A_739, %mul3A_740 : vector<16xf32>
        %swap3A_742 = arith.index_cast %scan3A_674 : i32 to index
        %swap3A_743 = arith.constant 48 : index
        %swap3A_744 = tpu.vector_load %arg23[%swap3A_742, %swap3A_743] {strides = array<i32>} : memref<128x128xf32, #tpu.memory_space<vmem>>, vector<16xf32>,
        tpu.vector_store %arg23[%swap3A_742, %swap3A_743], %mul3A_741 {strides = array<i32>} : memref<128x128xf32, #tpu.memory_space<vmem>>, vector<16xf32>,
        %get3A_745 = arith.index_cast %scan3A_674 : i32 to index
        %get3A_746 = arith.constant 64 : index
        %get3A_747 = tpu.vector_load %arg23[%get3A_745, %get3A_746] {strides = array<i32>} : memref<128x128xf32, #tpu.memory_space<vmem>>, vector<16xf32>,
        %mul3A_748 = vector.broadcast %reduce_sum3A_712 : f32 to vector<16xf32>
        %mul3A_749 = arith.mulf %get3A_747, %mul3A_748 : vector<16xf32>
        %swap3A_750 = arith.index_cast %scan3A_674 : i32 to index
        %swap3A_751 = arith.constant 64 : index
        %swap3A_752 = tpu.vector_load %arg23[%swap3A_750, %swap3A_751] {strides = array<i32>} : memref<128x128xf32, #tpu.memory_space<vmem>>, vector<16xf32>,
        tpu.vector_store %arg23[%swap3A_750, %swap3A_751], %mul3A_749 {strides = array<i32>} : memref<128x128xf32, #tpu.memory_space<vmem>>, vector<16xf32>,
        %get3A_753 = arith.index_cast %scan3A_674 : i32 to index
        %get3A_754 = arith.constant 80 : index
        %get3A_755 = tpu.vector_load %arg23[%get3A_753, %get3A_754] {strides = array<i32>} : memref<128x128xf32, #tpu.memory_space<vmem>>, vector<16xf32>,
        %mul3A_756 = vector.broadcast %reduce_sum3A_712 : f32 to vector<16xf32>
        %mul3A_757 = arith.mulf %get3A_755, %mul3A_756 : vector<16xf32>
        %swap3A_758 = arith.index_cast %scan3A_674 : i32 to index
        %swap3A_759 = arith.constant 80 : index
        %swap3A_760 = tpu.vector_load %arg23[%swap3A_758, %swap3A_759] {strides = array<i32>} : memref<128x128xf32, #tpu.memory_space<vmem>>, vector<16xf32>,
        tpu.vector_store %arg23[%swap3A_758, %swap3A_759], %mul3A_757 {strides = array<i32>} : memref<128x128xf32, #tpu.memory_space<vmem>>, vector<16xf32>,
        %get3A_761 = arith.index_cast %scan3A_674 : i32 to index
        %get3A_762 = arith.constant 96 : index
        %get3A_763 = tpu.vector_load %arg23[%get3A_761, %get3A_762] {strides = array<i32>} : memref<128x128xf32, #tpu.memory_space<vmem>>, vector<16xf32>,
        %mul3A_764 = vector.broadcast %reduce_sum3A_712 : f32 to vector<16xf32>
        %mul3A_765 = arith.mulf %get3A_763, %mul3A_764 : vector<16xf32>
        %swap3A_766 = arith.index_cast %scan3A_674 : i32 to index
        %swap3A_767 = arith.constant 96 : index
        %swap3A_768 = tpu.vector_load %arg23[%swap3A_766, %swap3A_767] {strides = array<i32>} : memref<128x128xf32, #tpu.memory_space<vmem>>, vector<16xf32>,
        tpu.vector_store %arg23[%swap3A_766, %swap3A_767], %mul3A_765 {strides = array<i32>} : memref<128x128xf32, #tpu.memory_space<vmem>>, vector<16xf32>,
        %get3A_769 = arith.index_cast %scan3A_674 : i32 to index
        %get3A_770 = arith.constant 112 : index
        %get3A_771 = tpu.vector_load %arg23[%get3A_769, %get3A_770] {strides = array<i32>} : memref<128x128xf32, #tpu.memory_space<vmem>>, vector<16xf32>,
        %mul3A_772 = vector.broadcast %reduce_sum3A_712 : f32 to vector<16xf32>
        %mul3A_773 = arith.mulf %get3A_771, %mul3A_772 : vector<16xf32>
        %swap3A_774 = arith.index_cast %scan3A_674 : i32 to index
        %swap3A_775 = arith.constant 112 : index
        %swap3A_776 = tpu.vector_load %arg23[%swap3A_774, %swap3A_775] {strides = array<i32>} : memref<128x128xf32, #tpu.memory_space<vmem>>, vector<16xf32>,
        tpu.vector_store %arg23[%swap3A_774, %swap3A_775], %mul3A_773 {strides = array<i32>} : memref<128x128xf32, #tpu.memory_space<vmem>>, vector<16xf32>,
        %scan3A_777 = arith.constant 0 : i32
        %scan3A_778 = arith.constant 2 : i32
        %scan3A_779 = arith.addi %scan3A_574, %scan3A_778 : i32
        %jit3A_780 = arith.constant 16 : i32
        %div3A_781 = arith.divsi %scan3A_779, %jit3A_780 : i32
        %sign3A_782 = arith.constant 0 : i32
        %sign3A_783 = arith.cmpi sgt, %scan3A_779, %sign3A_782 : i32
        %sign3A_784 = arith.extui %sign3A_783 : i1 to i32
        %sign3A_785 = arith.constant 0 : i32
        %sign3A_786 = arith.cmpi slt, %scan3A_779, %sign3A_785 : i32
        %sign3A_787 = arith.extui %sign3A_786 : i1 to i32
        %sign3A_788 = arith.subi %sign3A_784, %sign3A_787 : i32
        %sign3A_789 = arith.constant 0 : i32
        %sign3A_790 = arith.cmpi sgt, %jit3A_780, %sign3A_789 : i32
        %sign3A_791 = arith.extui %sign3A_790 : i1 to i32
        %sign3A_792 = arith.constant 0 : i32
        %sign3A_793 = arith.cmpi slt, %jit3A_780, %sign3A_792 : i32
        %sign3A_794 = arith.extui %sign3A_793 : i1 to i32
        %sign3A_795 = arith.subi %sign3A_791, %sign3A_794 : i32
        %ne3A_796 = arith.cmpi ne, %sign3A_788, %sign3A_795 : i32
        %rem3A_797 = arith.remsi %scan3A_779, %jit3A_780 : i32
        %ne3A_798 = arith.constant 0 : i32
        %ne3A_799 = arith.cmpi ne, %rem3A_797, %ne3A_798 : i32
        %and3A_800 = arith.andi %ne3A_796, %ne3A_799 : i1
        %sub3A_801 = arith.constant 1 : i32
        %sub3A_802 = arith.subi %div3A_781, %sub3A_801 : i32
        %select_n3A_803 = arith.select %and3A_800, %sub3A_802, %div3A_781 : i32
        %mul3A_804 = arith.constant 16 : i32
        %mul3A_805 = arith.muli %select_n3A_803, %mul3A_804 : i32
        %get3A_806 = arith.index_cast %mul3A_805 : i32 to index
        %get3A_807 = tpu.vector_load %arg22[%get3A_806] {strides = array<i32>} : memref<128xf32, #tpu.memory_space<vmem>>, vector<16xf32>,
        %sub3A_808 = arith.subi %scan3A_779, %mul3A_805 : i32
        %eq3A_809 = vector.broadcast %sub3A_808 : i32 to vector<16xi32>
        %eq3A_810 = arith.cmpi eq, %iota3A, %eq3A_809 : vector<16xi32>
        %jit3A_811 = arith.constant 0.000000e+00 : f32
        %broadcast_in_dim3A_812 = vector.broadcast %jit3A_811 : f32 to vector<16xf32>
        %select_n3A_813 = arith.select %eq3A_810, %get3A_807, %broadcast_in_dim3A_812 : vector<16xi1>, vector<16xf32>
        %reduce_sum3A_814 = arith.constant true
        %reduce_sum3A_815 = vector.broadcast %reduce_sum3A_814 : i1 to vector<16xi1>
        %reduce_sum3A_816 = tpu.scan <sum>, %select_n3A_813 masked %reduce_sum3A_815 : vector<16xf32>, vector<16xi1> -> vector<16xf32>
        %reduce_sum3A_817 = vector.extract %reduce_sum3A_816[15] : f32 from vector<16xf32>
        %get3A_818 = arith.index_cast %scan3A_779 : i32 to index
        %get3A_819 = arith.constant 0 : index
        %get3A_820 = tpu.vector_load %arg23[%get3A_818, %get3A_819] {strides = array<i32>} : memref<128x128xf32, #tpu.memory_space<vmem>>, vector<16xf32>,
        %mul3A_821 = vector.broadcast %reduce_sum3A_817 : f32 to vector<16xf32>
        %mul3A_822 = arith.mulf %get3A_820, %mul3A_821 : vector<16xf32>
        %swap3A_823 = arith.index_cast %scan3A_779 : i32 to index
        %swap3A_824 = arith.constant 0 : index
        %swap3A_825 = tpu.vector_load %arg23[%swap3A_823, %swap3A_824] {strides = array<i32>} : memref<128x128xf32, #tpu.memory_space<vmem>>, vector<16xf32>,
        tpu.vector_store %arg23[%swap3A_823, %swap3A_824], %mul3A_822 {strides = array<i32>} : memref<128x128xf32, #tpu.memory_space<vmem>>, vector<16xf32>,
        %get3A_826 = arith.index_cast %scan3A_779 : i32 to index
        %get3A_827 = arith.constant 16 : index
        %get3A_828 = tpu.vector_load %arg23[%get3A_826, %get3A_827] {strides = array<i32>} : memref<128x128xf32, #tpu.memory_space<vmem>>, vector<16xf32>,
        %mul3A_829 = vector.broadcast %reduce_sum3A_817 : f32 to vector<16xf32>
        %mul3A_830 = arith.mulf %get3A_828, %mul3A_829 : vector<16xf32>
        %swap3A_831 = arith.index_cast %scan3A_779 : i32 to index
        %swap3A_832 = arith.constant 16 : index
        %swap3A_833 = tpu.vector_load %arg23[%swap3A_831, %swap3A_832] {strides = array<i32>} : memref<128x128xf32, #tpu.memory_space<vmem>>, vector<16xf32>,
        tpu.vector_store %arg23[%swap3A_831, %swap3A_832], %mul3A_830 {strides = array<i32>} : memref<128x128xf32, #tpu.memory_space<vmem>>, vector<16xf32>,
        %get3A_834 = arith.index_cast %scan3A_779 : i32 to index
        %get3A_835 = arith.constant 32 : index
        %get3A_836 = tpu.vector_load %arg23[%get3A_834, %get3A_835] {strides = array<i32>} : memref<128x128xf32, #tpu.memory_space<vmem>>, vector<16xf32>,
        %mul3A_837 = vector.broadcast %reduce_sum3A_817 : f32 to vector<16xf32>
        %mul3A_838 = arith.mulf %get3A_836, %mul3A_837 : vector<16xf32>
        %swap3A_839 = arith.index_cast %scan3A_779 : i32 to index
        %swap3A_840 = arith.constant 32 : index
        %swap3A_841 = tpu.vector_load %arg23[%swap3A_839, %swap3A_840] {strides = array<i32>} : memref<128x128xf32, #tpu.memory_space<vmem>>, vector<16xf32>,
        tpu.vector_store %arg23[%swap3A_839, %swap3A_840], %mul3A_838 {strides = array<i32>} : memref<128x128xf32, #tpu.memory_space<vmem>>, vector<16xf32>,
        %get3A_842 = arith.index_cast %scan3A_779 : i32 to index
        %get3A_843 = arith.constant 48 : index
        %get3A_844 = tpu.vector_load %arg23[%get3A_842, %get3A_843] {strides = array<i32>} : memref<128x128xf32, #tpu.memory_space<vmem>>, vector<16xf32>,
        %mul3A_845 = vector.broadcast %reduce_sum3A_817 : f32 to vector<16xf32>
        %mul3A_846 = arith.mulf %get3A_844, %mul3A_845 : vector<16xf32>
        %swap3A_847 = arith.index_cast %scan3A_779 : i32 to index
        %swap3A_848 = arith.constant 48 : index
        %swap3A_849 = tpu.vector_load %arg23[%swap3A_847, %swap3A_848] {strides = array<i32>} : memref<128x128xf32, #tpu.memory_space<vmem>>, vector<16xf32>,
        tpu.vector_store %arg23[%swap3A_847, %swap3A_848], %mul3A_846 {strides = array<i32>} : memref<128x128xf32, #tpu.memory_space<vmem>>, vector<16xf32>,
        %get3A_850 = arith.index_cast %scan3A_779 : i32 to index
        %get3A_851 = arith.constant 64 : index
        %get3A_852 = tpu.vector_load %arg23[%get3A_850, %get3A_851] {strides = array<i32>} : memref<128x128xf32, #tpu.memory_space<vmem>>, vector<16xf32>,
        %mul3A_853 = vector.broadcast %reduce_sum3A_817 : f32 to vector<16xf32>
        %mul3A_854 = arith.mulf %get3A_852, %mul3A_853 : vector<16xf32>
        %swap3A_855 = arith.index_cast %scan3A_779 : i32 to index
        %swap3A_856 = arith.constant 64 : index
        %swap3A_857 = tpu.vector_load %arg23[%swap3A_855, %swap3A_856] {strides = array<i32>} : memref<128x128xf32, #tpu.memory_space<vmem>>, vector<16xf32>,
        tpu.vector_store %arg23[%swap3A_855, %swap3A_856], %mul3A_854 {strides = array<i32>} : memref<128x128xf32, #tpu.memory_space<vmem>>, vector<16xf32>,
        %get3A_858 = arith.index_cast %scan3A_779 : i32 to index
        %get3A_859 = arith.constant 80 : index
        %get3A_860 = tpu.vector_load %arg23[%get3A_858, %get3A_859] {strides = array<i32>} : memref<128x128xf32, #tpu.memory_space<vmem>>, vector<16xf32>,
        %mul3A_861 = vector.broadcast %reduce_sum3A_817 : f32 to vector<16xf32>
        %mul3A_862 = arith.mulf %get3A_860, %mul3A_861 : vector<16xf32>
        %swap3A_863 = arith.index_cast %scan3A_779 : i32 to index
        %swap3A_864 = arith.constant 80 : index
        %swap3A_865 = tpu.vector_load %arg23[%swap3A_863, %swap3A_864] {strides = array<i32>} : memref<128x128xf32, #tpu.memory_space<vmem>>, vector<16xf32>,
        tpu.vector_store %arg23[%swap3A_863, %swap3A_864], %mul3A_862 {strides = array<i32>} : memref<128x128xf32, #tpu.memory_space<vmem>>, vector<16xf32>,
        %get3A_866 = arith.index_cast %scan3A_779 : i32 to index
        %get3A_867 = arith.constant 96 : index
        %get3A_868 = tpu.vector_load %arg23[%get3A_866, %get3A_867] {strides = array<i32>} : memref<128x128xf32, #tpu.memory_space<vmem>>, vector<16xf32>,
        %mul3A_869 = vector.broadcast %reduce_sum3A_817 : f32 to vector<16xf32>
        %mul3A_870 = arith.mulf %get3A_868, %mul3A_869 : vector<16xf32>
        %swap3A_871 = arith.index_cast %scan3A_779 : i32 to index
        %swap3A_872 = arith.constant 96 : index
        %swap3A_873 = tpu.vector_load %arg23[%swap3A_871, %swap3A_872] {strides = array<i32>} : memref<128x128xf32, #tpu.memory_space<vmem>>, vector<16xf32>,
        tpu.vector_store %arg23[%swap3A_871, %swap3A_872], %mul3A_870 {strides = array<i32>} : memref<128x128xf32, #tpu.memory_space<vmem>>, vector<16xf32>,
        %get3A_874 = arith.index_cast %scan3A_779 : i32 to index
        %get3A_875 = arith.constant 112 : index
        %get3A_876 = tpu.vector_load %arg23[%get3A_874, %get3A_875] {strides = array<i32>} : memref<128x128xf32, #tpu.memory_space<vmem>>, vector<16xf32>,
        %mul3A_877 = vector.broadcast %reduce_sum3A_817 : f32 to vector<16xf32>
        %mul3A_878 = arith.mulf %get3A_876, %mul3A_877 : vector<16xf32>
        %swap3A_879 = arith.index_cast %scan3A_779 : i32 to index
        %swap3A_880 = arith.constant 112 : index
        %swap3A_881 = tpu.vector_load %arg23[%swap3A_879, %swap3A_880] {strides = array<i32>} : memref<128x128xf32, #tpu.memory_space<vmem>>, vector<16xf32>,
        tpu.vector_store %arg23[%swap3A_879, %swap3A_880], %mul3A_878 {strides = array<i32>} : memref<128x128xf32, #tpu.memory_space<vmem>>, vector<16xf32>,
        %scan3A_882 = arith.constant 0 : i32
        %scan3A_883 = arith.constant 3 : i32
        %scan3A_884 = arith.addi %scan3A_574, %scan3A_883 : i32
        %jit3A_885 = arith.constant 16 : i32
        %div3A_886 = arith.divsi %scan3A_884, %jit3A_885 : i32
        %sign3A_887 = arith.constant 0 : i32
        %sign3A_888 = arith.cmpi sgt, %scan3A_884, %sign3A_887 : i32
        %sign3A_889 = arith.extui %sign3A_888 : i1 to i32
        %sign3A_890 = arith.constant 0 : i32
        %sign3A_891 = arith.cmpi slt, %scan3A_884, %sign3A_890 : i32
        %sign3A_892 = arith.extui %sign3A_891 : i1 to i32
        %sign3A_893 = arith.subi %sign3A_889, %sign3A_892 : i32
        %sign3A_894 = arith.constant 0 : i32
        %sign3A_895 = arith.cmpi sgt, %jit3A_885, %sign3A_894 : i32
        %sign3A_896 = arith.extui %sign3A_895 : i1 to i32
        %sign3A_897 = arith.constant 0 : i32
        %sign3A_898 = arith.cmpi slt, %jit3A_885, %sign3A_897 : i32
        %sign3A_899 = arith.extui %sign3A_898 : i1 to i32
        %sign3A_900 = arith.subi %sign3A_896, %sign3A_899 : i32
        %ne3A_901 = arith.cmpi ne, %sign3A_893, %sign3A_900 : i32
        %rem3A_902 = arith.remsi %scan3A_884, %jit3A_885 : i32
        %ne3A_903 = arith.constant 0 : i32
        %ne3A_904 = arith.cmpi ne, %rem3A_902, %ne3A_903 : i32
        %and3A_905 = arith.andi %ne3A_901, %ne3A_904 : i1
        %sub3A_906 = arith.constant 1 : i32
        %sub3A_907 = arith.subi %div3A_886, %sub3A_906 : i32
        %select_n3A_908 = arith.select %and3A_905, %sub3A_907, %div3A_886 : i32
        %mul3A_909 = arith.constant 16 : i32
        %mul3A_910 = arith.muli %select_n3A_908, %mul3A_909 : i32
        %get3A_911 = arith.index_cast %mul3A_910 : i32 to index
        %get3A_912 = tpu.vector_load %arg22[%get3A_911] {strides = array<i32>} : memref<128xf32, #tpu.memory_space<vmem>>, vector<16xf32>,
        %sub3A_913 = arith.subi %scan3A_884, %mul3A_910 : i32
        %eq3A_914 = vector.broadcast %sub3A_913 : i32 to vector<16xi32>
        %eq3A_915 = arith.cmpi eq, %iota3A, %eq3A_914 : vector<16xi32>
        %jit3A_916 = arith.constant 0.000000e+00 : f32
        %broadcast_in_dim3A_917 = vector.broadcast %jit3A_916 : f32 to vector<16xf32>
        %select_n3A_918 = arith.select %eq3A_915, %get3A_912, %broadcast_in_dim3A_917 : vector<16xi1>, vector<16xf32>
        %reduce_sum3A_919 = arith.constant true
        %reduce_sum3A_920 = vector.broadcast %reduce_sum3A_919 : i1 to vector<16xi1>
        %reduce_sum3A_921 = tpu.scan <sum>, %select_n3A_918 masked %reduce_sum3A_920 : vector<16xf32>, vector<16xi1> -> vector<16xf32>
        %reduce_sum3A_922 = vector.extract %reduce_sum3A_921[15] : f32 from vector<16xf32>
        %get3A_923 = arith.index_cast %scan3A_884 : i32 to index
        %get3A_924 = arith.constant 0 : index
        %get3A_925 = tpu.vector_load %arg23[%get3A_923, %get3A_924] {strides = array<i32>} : memref<128x128xf32, #tpu.memory_space<vmem>>, vector<16xf32>,
        %mul3A_926 = vector.broadcast %reduce_sum3A_922 : f32 to vector<16xf32>
        %mul3A_927 = arith.mulf %get3A_925, %mul3A_926 : vector<16xf32>
        %swap3A_928 = arith.index_cast %scan3A_884 : i32 to index
        %swap3A_929 = arith.constant 0 : index
        %swap3A_930 = tpu.vector_load %arg23[%swap3A_928, %swap3A_929] {strides = array<i32>} : memref<128x128xf32, #tpu.memory_space<vmem>>, vector<16xf32>,
        tpu.vector_store %arg23[%swap3A_928, %swap3A_929], %mul3A_927 {strides = array<i32>} : memref<128x128xf32, #tpu.memory_space<vmem>>, vector<16xf32>,
        %get3A_931 = arith.index_cast %scan3A_884 : i32 to index
        %get3A_932 = arith.constant 16 : index
        %get3A_933 = tpu.vector_load %arg23[%get3A_931, %get3A_932] {strides = array<i32>} : memref<128x128xf32, #tpu.memory_space<vmem>>, vector<16xf32>,
        %mul3A_934 = vector.broadcast %reduce_sum3A_922 : f32 to vector<16xf32>
        %mul3A_935 = arith.mulf %get3A_933, %mul3A_934 : vector<16xf32>
        %swap3A_936 = arith.index_cast %scan3A_884 : i32 to index
        %swap3A_937 = arith.constant 16 : index
        %swap3A_938 = tpu.vector_load %arg23[%swap3A_936, %swap3A_937] {strides = array<i32>} : memref<128x128xf32, #tpu.memory_space<vmem>>, vector<16xf32>,
        tpu.vector_store %arg23[%swap3A_936, %swap3A_937], %mul3A_935 {strides = array<i32>} : memref<128x128xf32, #tpu.memory_space<vmem>>, vector<16xf32>,
        %get3A_939 = arith.index_cast %scan3A_884 : i32 to index
        %get3A_940 = arith.constant 32 : index
        %get3A_941 = tpu.vector_load %arg23[%get3A_939, %get3A_940] {strides = array<i32>} : memref<128x128xf32, #tpu.memory_space<vmem>>, vector<16xf32>,
        %mul3A_942 = vector.broadcast %reduce_sum3A_922 : f32 to vector<16xf32>
        %mul3A_943 = arith.mulf %get3A_941, %mul3A_942 : vector<16xf32>
        %swap3A_944 = arith.index_cast %scan3A_884 : i32 to index
        %swap3A_945 = arith.constant 32 : index
        %swap3A_946 = tpu.vector_load %arg23[%swap3A_944, %swap3A_945] {strides = array<i32>} : memref<128x128xf32, #tpu.memory_space<vmem>>, vector<16xf32>,
        tpu.vector_store %arg23[%swap3A_944, %swap3A_945], %mul3A_943 {strides = array<i32>} : memref<128x128xf32, #tpu.memory_space<vmem>>, vector<16xf32>,
        %get3A_947 = arith.index_cast %scan3A_884 : i32 to index
        %get3A_948 = arith.constant 48 : index
        %get3A_949 = tpu.vector_load %arg23[%get3A_947, %get3A_948] {strides = array<i32>} : memref<128x128xf32, #tpu.memory_space<vmem>>, vector<16xf32>,
        %mul3A_950 = vector.broadcast %reduce_sum3A_922 : f32 to vector<16xf32>
        %mul3A_951 = arith.mulf %get3A_949, %mul3A_950 : vector<16xf32>
        %swap3A_952 = arith.index_cast %scan3A_884 : i32 to index
        %swap3A_953 = arith.constant 48 : index
        %swap3A_954 = tpu.vector_load %arg23[%swap3A_952, %swap3A_953] {strides = array<i32>} : memref<128x128xf32, #tpu.memory_space<vmem>>, vector<16xf32>,
        tpu.vector_store %arg23[%swap3A_952, %swap3A_953], %mul3A_951 {strides = array<i32>} : memref<128x128xf32, #tpu.memory_space<vmem>>, vector<16xf32>,
        %get3A_955 = arith.index_cast %scan3A_884 : i32 to index
        %get3A_956 = arith.constant 64 : index
        %get3A_957 = tpu.vector_load %arg23[%get3A_955, %get3A_956] {strides = array<i32>} : memref<128x128xf32, #tpu.memory_space<vmem>>, vector<16xf32>,
        %mul3A_958 = vector.broadcast %reduce_sum3A_922 : f32 to vector<16xf32>
        %mul3A_959 = arith.mulf %get3A_957, %mul3A_958 : vector<16xf32>
        %swap3A_960 = arith.index_cast %scan3A_884 : i32 to index
        %swap3A_961 = arith.constant 64 : index
        %swap3A_962 = tpu.vector_load %arg23[%swap3A_960, %swap3A_961] {strides = array<i32>} : memref<128x128xf32, #tpu.memory_space<vmem>>, vector<16xf32>,
        tpu.vector_store %arg23[%swap3A_960, %swap3A_961], %mul3A_959 {strides = array<i32>} : memref<128x128xf32, #tpu.memory_space<vmem>>, vector<16xf32>,
        %get3A_963 = arith.index_cast %scan3A_884 : i32 to index
        %get3A_964 = arith.constant 80 : index
        %get3A_965 = tpu.vector_load %arg23[%get3A_963, %get3A_964] {strides = array<i32>} : memref<128x128xf32, #tpu.memory_space<vmem>>, vector<16xf32>,
        %mul3A_966 = vector.broadcast %reduce_sum3A_922 : f32 to vector<16xf32>
        %mul3A_967 = arith.mulf %get3A_965, %mul3A_966 : vector<16xf32>
        %swap3A_968 = arith.index_cast %scan3A_884 : i32 to index
        %swap3A_969 = arith.constant 80 : index
        %swap3A_970 = tpu.vector_load %arg23[%swap3A_968, %swap3A_969] {strides = array<i32>} : memref<128x128xf32, #tpu.memory_space<vmem>>, vector<16xf32>,
        tpu.vector_store %arg23[%swap3A_968, %swap3A_969], %mul3A_967 {strides = array<i32>} : memref<128x128xf32, #tpu.memory_space<vmem>>, vector<16xf32>,
        %get3A_971 = arith.index_cast %scan3A_884 : i32 to index
        %get3A_972 = arith.constant 96 : index
        %get3A_973 = tpu.vector_load %arg23[%get3A_971, %get3A_972] {strides = array<i32>} : memref<128x128xf32, #tpu.memory_space<vmem>>, vector<16xf32>,
        %mul3A_974 = vector.broadcast %reduce_sum3A_922 : f32 to vector<16xf32>
        %mul3A_975 = arith.mulf %get3A_973, %mul3A_974 : vector<16xf32>
        %swap3A_976 = arith.index_cast %scan3A_884 : i32 to index
        %swap3A_977 = arith.constant 96 : index
        %swap3A_978 = tpu.vector_load %arg23[%swap3A_976, %swap3A_977] {strides = array<i32>} : memref<128x128xf32, #tpu.memory_space<vmem>>, vector<16xf32>,
        tpu.vector_store %arg23[%swap3A_976, %swap3A_977], %mul3A_975 {strides = array<i32>} : memref<128x128xf32, #tpu.memory_space<vmem>>, vector<16xf32>,
        %get3A_979 = arith.index_cast %scan3A_884 : i32 to index
        %get3A_980 = arith.constant 112 : index
        %get3A_981 = tpu.vector_load %arg23[%get3A_979, %get3A_980] {strides = array<i32>} : memref<128x128xf32, #tpu.memory_space<vmem>>, vector<16xf32>,
        %mul3A_982 = vector.broadcast %reduce_sum3A_922 : f32 to vector<16xf32>
        %mul3A_983 = arith.mulf %get3A_981, %mul3A_982 : vector<16xf32>
        %swap3A_984 = arith.index_cast %scan3A_884 : i32 to index
        %swap3A_985 = arith.constant 112 : index
        %swap3A_986 = tpu.vector_load %arg23[%swap3A_984, %swap3A_985] {strides = array<i32>} : memref<128x128xf32, #tpu.memory_space<vmem>>, vector<16xf32>,
        tpu.vector_store %arg23[%swap3A_984, %swap3A_985], %mul3A_983 {strides = array<i32>} : memref<128x128xf32, #tpu.memory_space<vmem>>, vector<16xf32>,
        %scan3A_987 = arith.constant 0 : i32
        scf.yield %scan3A_987 : i32
      }
      %scan3A_572 = arith.constant 128 : i32
      "tpu.region"() ({
        %run_scoped3A = tpu.sem_alloc : memref<!tpu.dma_semaphore, #tpu.memory_space<semaphore_mem>>
        %dma_start3A_574 = arith.constant 0 : i32
        %dma_start3A_575 = arith.constant 0 : i32
        %dma_start3A_576 = tpu.memref_slice %arg25[%dma_start3A_574, %dma_start3A_575] : memref<10000x128xf32, #tpu.memory_space<vmem_shared>> -> memref<10000x128xf32, #tpu.memory_space<vmem_shared>>
        tpu.enqueue_indirect_dma source(%arg23 : memref<128x128xf32, #tpu.memory_space<vmem>>) target(%dma_start3A_576 : memref<10000x128xf32, #tpu.memory_space<vmem_shared>>) offsets(%arg19 : memref<128xi32, #tpu.memory_space<vmem>>) semaphore(%run_scoped3A : memref<!tpu.dma_semaphore, #tpu.memory_space<semaphore_mem>>) {add = true}
        %dma_wait3A_577 = arith.constant 0 : i32
        %dma_wait3A_578 = arith.constant 0 : i32
        %dma_wait3A_579 = tpu.memref_slice %arg25[%dma_wait3A_577, %dma_wait3A_578] : memref<10000x128xf32, #tpu.memory_space<vmem_shared>> -> memref<10000x128xf32, #tpu.memory_space<vmem_shared>>
        tpu.wait_indirect_dma semaphore(%run_scoped3A : memref<!tpu.dma_semaphore, #tpu.memory_space<semaphore_mem>>) src(%arg23 : memref<128x128xf32, #tpu.memory_space<vmem>>) dst(%dma_wait3A_579 : memref<10000x128xf32, #tpu.memory_space<vmem_shared>>)
        tpu.yield
      }) : () -> ()
      "tpu.region"() ({
        %run_scoped3A = tpu.sem_alloc : memref<!tpu.dma_semaphore, #tpu.memory_space<semaphore_mem>>
        %dma_start3A_574 = arith.constant 0 : i32
        %dma_start3A_575 = tpu.memref_slice %arg26[%dma_start3A_574] : memref<10000xf32, #tpu.memory_space<vmem_shared>> -> memref<10000xf32, #tpu.memory_space<vmem_shared>>
        tpu.enqueue_indirect_dma source(%arg22 : memref<128xf32, #tpu.memory_space<vmem>>) target(%dma_start3A_575 : memref<10000xf32, #tpu.memory_space<vmem_shared>>) offsets(%arg19 : memref<128xi32, #tpu.memory_space<vmem>>) semaphore(%run_scoped3A : memref<!tpu.dma_semaphore, #tpu.memory_space<semaphore_mem>>) {add = true}
        %dma_wait3A_576 = arith.constant 0 : i32
        %dma_wait3A_577 = tpu.memref_slice %arg26[%dma_wait3A_576] : memref<10000xf32, #tpu.memory_space<vmem_shared>> -> memref<10000xf32, #tpu.memory_space<vmem_shared>>
        tpu.wait_indirect_dma semaphore(%run_scoped3A : memref<!tpu.dma_semaphore, #tpu.memory_space<semaphore_mem>>) src(%arg22 : memref<128xf32, #tpu.memory_space<vmem>>) dst(%dma_wait3A_577 : memref<10000xf32, #tpu.memory_space<vmem_shared>>)
        tpu.yield
      }) : () -> ()
      %scan3A_573 = arith.constant 0 : i32
      scf.yield %scan3A_573 : i32
    }
    %scan3A_250 = arith.constant 81 : i32
    %barrier3A_251 = arith.constant 0 : index
    tpu.barrier barrier_id(%barrier3A_251)
    %eq3A_252 = arith.constant 0 : i32
    %eq3A_253 = arith.cmpi eq, %arg1, %eq3A_252 : i32
    %eq3A_254 = arith.constant 0 : i32
    %eq3A_255 = arith.cmpi eq, %arg0, %eq3A_254 : i32
    %and3A = arith.andi %eq3A_253, %eq3A_255 : i1
    %convert_element_type3A_256 = arith.extui %and3A : i1 to i32
    %cond3A_257 = arith.constant 0 : i32
    %cond3A_258 = arith.cmpi ne, %convert_element_type3A_256, %cond3A_257 : i32
    scf.if %cond3A_258 {
      "tpu.region"() ({
        %run_scoped3A = tpu.sem_alloc : memref<!tpu.dma_semaphore, #tpu.memory_space<semaphore_mem>>
        tpu.enqueue_dma source(%arg25 : memref<10000x128xf32, #tpu.memory_space<vmem_shared>>) target(%arg9 : memref<10000x128xf32, #tpu.memory_space<hbm>>) target_semaphore(%run_scoped3A : memref<!tpu.dma_semaphore, #tpu.memory_space<semaphore_mem>>)
        tpu.wait_dma2 semaphore(%run_scoped3A : memref<!tpu.dma_semaphore, #tpu.memory_space<semaphore_mem>>) src(%arg25 : memref<10000x128xf32, #tpu.memory_space<vmem_shared>>) dst(%arg9 : memref<10000x128xf32, #tpu.memory_space<hbm>>)
        tpu.yield
      }) : () -> ()
    } else {
    }
    %eq3A_259 = arith.constant 0 : i32
    %eq3A_260 = arith.cmpi eq, %arg1, %eq3A_259 : i32
    %eq3A_261 = arith.constant 1 : i32
    %eq3A_262 = arith.cmpi eq, %arg0, %eq3A_261 : i32
    %and3A_263 = arith.andi %eq3A_260, %eq3A_262 : i1
    %convert_element_type3A_264 = arith.extui %and3A_263 : i1 to i32
    %cond3A_265 = arith.constant 0 : i32
    %cond3A_266 = arith.cmpi ne, %convert_element_type3A_264, %cond3A_265 : i32
    scf.if %cond3A_266 {
      "tpu.region"() ({
        %run_scoped3A = tpu.sem_alloc : memref<!tpu.dma_semaphore, #tpu.memory_space<semaphore_mem>>
        tpu.enqueue_dma source(%arg25 : memref<10000x128xf32, #tpu.memory_space<vmem_shared>>) target(%arg10 : memref<10000x128xf32, #tpu.memory_space<hbm>>) target_semaphore(%run_scoped3A : memref<!tpu.dma_semaphore, #tpu.memory_space<semaphore_mem>>)
        tpu.wait_dma2 semaphore(%run_scoped3A : memref<!tpu.dma_semaphore, #tpu.memory_space<semaphore_mem>>) src(%arg25 : memref<10000x128xf32, #tpu.memory_space<vmem_shared>>) dst(%arg10 : memref<10000x128xf32, #tpu.memory_space<hbm>>)
        tpu.yield
      }) : () -> ()
    } else {
    }
    %eq3A_267 = arith.constant 1 : i32
    %eq3A_268 = arith.cmpi eq, %arg1, %eq3A_267 : i32
    %convert_element_type3A_269 = arith.extui %eq3A_268 : i1 to i32
    %cond3A_270 = arith.constant 0 : i32
    %cond3A_271 = arith.cmpi ne, %convert_element_type3A_269, %cond3A_270 : i32
    scf.if %cond3A_271 {
      "tpu.region"() ({
        %run_scoped3A = tpu.sem_alloc : memref<!tpu.dma_semaphore, #tpu.memory_space<semaphore_mem>>
        tpu.enqueue_dma source(%arg26 : memref<10000xf32, #tpu.memory_space<vmem_shared>>) target(%arg24 : memref<10000xf32, #tpu.memory_space<vmem>>) target_semaphore(%run_scoped3A : memref<!tpu.dma_semaphore, #tpu.memory_space<semaphore_mem>>)
        tpu.wait_dma2 semaphore(%run_scoped3A : memref<!tpu.dma_semaphore, #tpu.memory_space<semaphore_mem>>) src(%arg26 : memref<10000xf32, #tpu.memory_space<vmem_shared>>) dst(%arg24 : memref<10000xf32, #tpu.memory_space<vmem>>)
        tpu.yield
      }) : () -> ()
      "tpu.region"() ({
        %run_scoped3A = tpu.sem_alloc : memref<!tpu.dma_semaphore, #tpu.memory_space<semaphore_mem>>
        %dma_start3A_272 = tpu.memref_slice %arg11[%mul3A_0] : memref<20000xf32, #tpu.memory_space<hbm>> -> memref<10000xf32, #tpu.memory_space<hbm>>
        %dma_start3A_273 = tpu.memref_slice %arg11[%mul3A_0] : memref<20000xf32, #tpu.memory_space<hbm>> -> memref<10000xf32, #tpu.memory_space<hbm>>
        tpu.enqueue_dma source(%arg24 : memref<10000xf32, #tpu.memory_space<vmem>>) target(%dma_start3A_273 : memref<10000xf32, #tpu.memory_space<hbm>>) target_semaphore(%run_scoped3A : memref<!tpu.dma_semaphore, #tpu.memory_space<semaphore_mem>>)
        %dma_wait3A = tpu.memref_slice %arg11[%mul3A_0] : memref<20000xf32, #tpu.memory_space<hbm>> -> memref<10000xf32, #tpu.memory_space<hbm>>
        %dma_wait3A_274 = tpu.memref_slice %arg11[%mul3A_0] : memref<20000xf32, #tpu.memory_space<hbm>> -> memref<10000xf32, #tpu.memory_space<hbm>>
        tpu.wait_dma2 semaphore(%run_scoped3A : memref<!tpu.dma_semaphore, #tpu.memory_space<semaphore_mem>>) src(%arg24 : memref<10000xf32, #tpu.memory_space<vmem>>) dst(%dma_wait3A_274 : memref<10000xf32, #tpu.memory_space<hbm>>)
        tpu.yield
      }) : () -> ()
    } else {
    }
    return
  }
}

module attributes {stable_mosaic.version = 14 : i64} {
  func.func @_project_body(%arg0: i32, %arg1: memref<10000x128xf32, #tpu.memory_space<vmem>>, %arg2: memref<1x128x128xf32, #tpu.memory_space<vmem>>, %arg3: memref<1x1x128xf32, #tpu.memory_space<vmem>>, %arg4: memref<1x1x128xf32, #tpu.memory_space<vmem>>, %arg5: memref<10000x128xf32, #tpu.memory_space<vmem>>, %arg6: memref<1x1x10000xf32, #tpu.memory_space<vmem>>, %arg7: memref<1x1x10000xf32, #tpu.memory_space<vmem>>) attributes {dimension_semantics = [#tpu.dimension_semantics<arbitrary>], iteration_bounds = array<i64: 2>, scalar_prefetch = 0 : i64, scratch_operands = 0 : i64, tpu.core_type = #tpu.core_type<tc>, window_params = [{pipeline_mode = #tpu.pipeline_mode<synchronous>, transform_indices = @transform_0, window_bounds = array<i64: 10000, 128>}, {transform_indices = @transform_1, window_bounds = array<i64: 1, 128, 128>}, {transform_indices = @transform_2, window_bounds = array<i64: 1, 1, 128>}, {transform_indices = @transform_3, window_bounds = array<i64: 1, 1, 128>}, {transform_indices = @transform_4, window_bounds = array<i64: 10000, 128>}, {transform_indices = @transform_5, window_bounds = array<i64: 1, 1, 10000>}, {transform_indices = @transform_6, window_bounds = array<i64: 1, 1, 10000>}]} {
    %get3A = arith.constant 0 : index
    %get3A_0 = arith.constant 0 : index
    %get3A_1 = vector.load %arg1[%get3A, %get3A_0] : memref<10000x128xf32, #tpu.memory_space<vmem>>, vector<10000x128xf32>
    %get3A_2 = arith.constant 0 : index
    %get3A_3 = arith.constant 0 : index
    %get3A_4 = arith.constant 0 : index
    %get3A_5 = vector.load %arg2[%get3A_2, %get3A_3, %get3A_4] : memref<1x128x128xf32, #tpu.memory_space<vmem>>, vector<1x128x128xf32>
    %get3A_6 = vector.shape_cast %get3A_5 : vector<1x128x128xf32> to vector<128x128xf32>
    %dot_general3A = arith.constant dense<0.000000e+00> : vector<10000x128xf32>
    %dot_general3A_7 = tpu.matmul %get3A_1, %get3A_6, %dot_general3A {dimension_numbers = #tpu.dot_dimension_numbers<[1], [0], [0], [1], [0, 0, 1, 1], [], []>, transpose_lhs_hint = false} : vector<10000x128xf32>, vector<128x128xf32>, vector<10000x128xf32> -> vector<10000x128xf32>
    %swap3A = arith.constant 0 : index
    %swap3A_8 = arith.constant 0 : index
    %swap3A_9 = vector.load %arg5[%swap3A, %swap3A_8] : memref<10000x128xf32, #tpu.memory_space<vmem>>, vector<10000x128xf32>
    tpu.vector_store %arg5[%swap3A, %swap3A_8], %dot_general3A_7 {strides = array<i32>} : memref<10000x128xf32, #tpu.memory_space<vmem>>, vector<10000x128xf32>,
    %get3A_10 = arith.constant 0 : index
    %get3A_11 = arith.constant 0 : index
    %get3A_12 = arith.constant 0 : index
    %get3A_13 = vector.load %arg3[%get3A_10, %get3A_11, %get3A_12] : memref<1x1x128xf32, #tpu.memory_space<vmem>>, vector<1x1x128xf32>
    %get3A_14 = vector.shape_cast %get3A_13 : vector<1x1x128xf32> to vector<1x128xf32>
    %mul3A = vector.broadcast %get3A_14 : vector<1x128xf32> to vector<10000x128xf32>
    %mul3A_15 = arith.mulf %dot_general3A_7, %mul3A : vector<10000x128xf32>
    %reduce_sum3A = arith.constant dense<0.000000e+00> : vector<10000xf32>
    %reduce_sum3A_16 = vector.multi_reduction <add>, %mul3A_15, %reduce_sum3A [1] : vector<10000x128xf32> to vector<10000xf32>
    %broadcast_in_dim3A = vector.shape_cast %reduce_sum3A_16 : vector<10000xf32> to vector<1x1x10000xf32>
    %swap3A_17 = arith.constant 0 : index
    %swap3A_18 = arith.constant 0 : index
    %swap3A_19 = arith.constant 0 : index
    %swap3A_20 = vector.load %arg6[%swap3A_17, %swap3A_18, %swap3A_19] : memref<1x1x10000xf32, #tpu.memory_space<vmem>>, vector<1x1x10000xf32>
    tpu.vector_store %arg6[%swap3A_17, %swap3A_18, %swap3A_19], %broadcast_in_dim3A {strides = array<i32>} : memref<1x1x10000xf32, #tpu.memory_space<vmem>>, vector<1x1x10000xf32>,
    %get3A_21 = arith.constant 0 : index
    %get3A_22 = arith.constant 0 : index
    %get3A_23 = arith.constant 0 : index
    %get3A_24 = vector.load %arg4[%get3A_21, %get3A_22, %get3A_23] : memref<1x1x128xf32, #tpu.memory_space<vmem>>, vector<1x1x128xf32>
    %get3A_25 = vector.shape_cast %get3A_24 : vector<1x1x128xf32> to vector<1x128xf32>
    %mul3A_26 = vector.broadcast %get3A_25 : vector<1x128xf32> to vector<10000x128xf32>
    %mul3A_27 = arith.mulf %dot_general3A_7, %mul3A_26 : vector<10000x128xf32>
    %reduce_sum3A_28 = arith.constant dense<0.000000e+00> : vector<10000xf32>
    %reduce_sum3A_29 = vector.multi_reduction <add>, %mul3A_27, %reduce_sum3A_28 [1] : vector<10000x128xf32> to vector<10000xf32>
    %broadcast_in_dim3A_30 = vector.shape_cast %reduce_sum3A_29 : vector<10000xf32> to vector<1x1x10000xf32>
    %swap3A_31 = arith.constant 0 : index
    %swap3A_32 = arith.constant 0 : index
    %swap3A_33 = arith.constant 0 : index
    %swap3A_34 = vector.load %arg7[%swap3A_31, %swap3A_32, %swap3A_33] : memref<1x1x10000xf32, #tpu.memory_space<vmem>>, vector<1x1x10000xf32>
    tpu.vector_store %arg7[%swap3A_31, %swap3A_32, %swap3A_33], %broadcast_in_dim3A_30 {strides = array<i32>} : memref<1x1x10000xf32, #tpu.memory_space<vmem>>, vector<1x1x10000xf32>,
    return
  }
  func.func @transform_0(%arg0: i32) -> (i32, i32) {
    %c0_i32 = arith.constant 0 : i32
    %c0_i32_0 = arith.constant 0 : i32
    %c0_i32_1 = arith.constant 0 : i32
    return %c0_i32, %c0_i32_0 : i32, i32
  }
  func.func @transform_1(%arg0: i32) -> (i32, i32, i32) {
    %c0_i32 = arith.constant 0 : i32
    %c0_i32_0 = arith.constant 0 : i32
    %c0_i32_1 = arith.constant 0 : i32
    return %arg0, %c0_i32, %c0_i32_0 : i32, i32, i32
  }
  func.func @transform_2(%arg0: i32) -> (i32, i32, i32) {
    %c0_i32 = arith.constant 0 : i32
    %c0_i32_0 = arith.constant 0 : i32
    %c0_i32_1 = arith.constant 0 : i32
    return %arg0, %c0_i32, %c0_i32_0 : i32, i32, i32
  }
  func.func @transform_3(%arg0: i32) -> (i32, i32, i32) {
    %c0_i32 = arith.constant 0 : i32
    %c0_i32_0 = arith.constant 0 : i32
    %c0_i32_1 = arith.constant 0 : i32
    return %arg0, %c0_i32, %c0_i32_0 : i32, i32, i32
  }
  func.func @transform_4(%arg0: i32) -> (i32, i32) {
    %c0_i32 = arith.constant 0 : i32
    %c0_i32_0 = arith.constant 0 : i32
    return %arg0, %c0_i32 : i32, i32
  }
  func.func @transform_5(%arg0: i32) -> (i32, i32, i32) {
    %c0_i32 = arith.constant 0 : i32
    %c0_i32_0 = arith.constant 0 : i32
    %c0_i32_1 = arith.constant 0 : i32
    return %arg0, %c0_i32, %c0_i32_0 : i32, i32, i32
  }
  func.func @transform_6(%arg0: i32) -> (i32, i32, i32) {
    %c0_i32 = arith.constant 0 : i32
    %c0_i32_0 = arith.constant 0 : i32
    %c0_i32_1 = arith.constant 0 : i32
    return %arg0, %c0_i32, %c0_i32_0 : i32, i32, i32
  }
}

module attributes {stable_mosaic.version = 14 : i64} {
  func.func @_fuse_body(%arg0: memref<10000x128xf32, #tpu.memory_space<vmem>>, %arg1: memref<10000x128xf32, #tpu.memory_space<vmem>>, %arg2: memref<20000x1xf32, #tpu.memory_space<vmem>>, %arg3: memref<128xf32, #tpu.memory_space<vmem>>, %arg4: memref<128xf32, #tpu.memory_space<vmem>>, %arg5: memref<256x256xf32, #tpu.memory_space<vmem>>, %arg6: memref<256xf32, #tpu.memory_space<vmem>>, %arg7: memref<256xf32, #tpu.memory_space<vmem>>, %arg8: memref<256xf32, #tpu.memory_space<vmem>>, %arg9: memref<10000x256xf32, #tpu.memory_space<vmem>>) attributes {dimension_semantics = [], scalar_prefetch = 0 : i64, scratch_operands = 0 : i64, tpu.core_type = #tpu.core_type<tc>} {
    %get3A = arith.constant 0 : index
    %get3A_0 = arith.constant 0 : index
    %get3A_1 = vector.load %arg0[%get3A, %get3A_0] : memref<10000x128xf32, #tpu.memory_space<vmem>>, vector<10000x128xf32>
    %get3A_2 = arith.constant 0 : index
    %get3A_3 = arith.constant 0 : index
    %get3A_4 = vector.load %arg1[%get3A_2, %get3A_3] : memref<10000x128xf32, #tpu.memory_space<vmem>>, vector<10000x128xf32>
    %get3A_5 = arith.constant 0 : index
    %get3A_6 = arith.constant 0 : index
    %get3A_7 = vector.load %arg2[%get3A_5, %get3A_6] : memref<20000x1xf32, #tpu.memory_space<vmem>>, vector<20000x1xf32>
    %add3A = arith.constant 1.000000e-16 : f32
    %add3A_8 = vector.broadcast %add3A : f32 to vector<20000x1xf32>
    %add3A_9 = arith.addf %get3A_7, %add3A_8 : vector<20000x1xf32>
    %slice3A = vector.extract_strided_slice %add3A_9 {offsets = [0, 0], sizes = [10000, 1], strides = [1, 1]} : vector<20000x1xf32> to vector<10000x1xf32>
    %div3A = vector.broadcast %slice3A : vector<10000x1xf32> to vector<10000x128xf32>
    %div3A_10 = arith.divf %get3A_1, %div3A : vector<10000x128xf32>
    %get3A_11 = arith.constant 0 : index
    %get3A_12 = vector.load %arg3[%get3A_11] : memref<128xf32, #tpu.memory_space<vmem>>, vector<128xf32>
    %broadcast_in_dim3A = vector.shape_cast %get3A_12 : vector<128xf32> to vector<1x128xf32>
    %add3A_13 = vector.broadcast %broadcast_in_dim3A : vector<1x128xf32> to vector<10000x128xf32>
    %add3A_14 = arith.addf %div3A_10, %add3A_13 : vector<10000x128xf32>
    %slice3A_15 = vector.extract_strided_slice %add3A_9 {offsets = [10000, 0], sizes = [10000, 1], strides = [1, 1]} : vector<20000x1xf32> to vector<10000x1xf32>
    %div3A_16 = vector.broadcast %slice3A_15 : vector<10000x1xf32> to vector<10000x128xf32>
    %div3A_17 = arith.divf %get3A_4, %div3A_16 : vector<10000x128xf32>
    %get3A_18 = arith.constant 0 : index
    %get3A_19 = vector.load %arg4[%get3A_18] : memref<128xf32, #tpu.memory_space<vmem>>, vector<128xf32>
    %broadcast_in_dim3A_20 = vector.shape_cast %get3A_19 : vector<128xf32> to vector<1x128xf32>
    %add3A_21 = vector.broadcast %broadcast_in_dim3A_20 : vector<1x128xf32> to vector<10000x128xf32>
    %add3A_22 = arith.addf %div3A_17, %add3A_21 : vector<10000x128xf32>
    %concatenate3A = tpu.concatenate %add3A_14, %add3A_22 in 1 : vector<10000x128xf32>, vector<10000x128xf32> -> vector<10000x256xf32>
    %get3A_23 = arith.constant 0 : index
    %get3A_24 = arith.constant 0 : index
    %get3A_25 = vector.load %arg5[%get3A_23, %get3A_24] : memref<256x256xf32, #tpu.memory_space<vmem>>, vector<256x256xf32>
    %dot_general3A = arith.constant dense<0.000000e+00> : vector<10000x256xf32>
    %dot_general3A_26 = tpu.matmul %concatenate3A, %get3A_25, %dot_general3A {dimension_numbers = #tpu.dot_dimension_numbers<[1], [0], [0], [1], [0, 0, 1, 1], [], []>, transpose_lhs_hint = false} : vector<10000x256xf32>, vector<256x256xf32>, vector<10000x256xf32> -> vector<10000x256xf32>
    %get3A_27 = arith.constant 0 : index
    %get3A_28 = vector.load %arg6[%get3A_27] : memref<256xf32, #tpu.memory_space<vmem>>, vector<256xf32>
    %broadcast_in_dim3A_29 = vector.shape_cast %get3A_28 : vector<256xf32> to vector<1x256xf32>
    %add3A_30 = vector.broadcast %broadcast_in_dim3A_29 : vector<1x256xf32> to vector<10000x256xf32>
    %add3A_31 = arith.addf %dot_general3A_26, %add3A_30 : vector<10000x256xf32>
    %reduce_sum3A = arith.constant dense<0.000000e+00> : vector<256xf32>
    %reduce_sum3A_32 = vector.multi_reduction <add>, %add3A_31, %reduce_sum3A [0] : vector<10000x256xf32> to vector<256xf32>
    %div3A_33 = arith.constant 1.000000e+04 : f32
    %div3A_34 = vector.broadcast %div3A_33 : f32 to vector<256xf32>
    %div3A_35 = arith.divf %reduce_sum3A_32, %div3A_34 : vector<256xf32>
    %broadcast_in_dim3A_36 = vector.shape_cast %div3A_35 : vector<256xf32> to vector<1x256xf32>
    %sub3A = vector.broadcast %broadcast_in_dim3A_36 : vector<1x256xf32> to vector<10000x256xf32>
    %sub3A_37 = arith.subf %add3A_31, %sub3A : vector<10000x256xf32>
    %mul3A = arith.mulf %sub3A_37, %sub3A_37 : vector<10000x256xf32>
    %reduce_sum3A_38 = arith.constant dense<0.000000e+00> : vector<256xf32>
    %reduce_sum3A_39 = vector.multi_reduction <add>, %mul3A, %reduce_sum3A_38 [0] : vector<10000x256xf32> to vector<256xf32>
    %div3A_40 = arith.constant 1.000000e+04 : f32
    %div3A_41 = vector.broadcast %div3A_40 : f32 to vector<256xf32>
    %div3A_42 = arith.divf %reduce_sum3A_39, %div3A_41 : vector<256xf32>
    %get3A_43 = arith.constant 0 : index
    %get3A_44 = vector.load %arg7[%get3A_43] : memref<256xf32, #tpu.memory_space<vmem>>, vector<256xf32>
    %add3A_45 = arith.constant 9.99999974E-6 : f32
    %add3A_46 = vector.broadcast %add3A_45 : f32 to vector<256xf32>
    %add3A_47 = arith.addf %div3A_42, %add3A_46 : vector<256xf32>
    %sqrt3A = math.sqrt %add3A_47 : vector<256xf32>
    %div3A_48 = arith.divf %get3A_44, %sqrt3A : vector<256xf32>
    %broadcast_in_dim3A_49 = vector.shape_cast %div3A_48 : vector<256xf32> to vector<1x256xf32>
    %mul3A_50 = vector.broadcast %broadcast_in_dim3A_49 : vector<1x256xf32> to vector<10000x256xf32>
    %mul3A_51 = arith.mulf %sub3A_37, %mul3A_50 : vector<10000x256xf32>
    %get3A_52 = arith.constant 0 : index
    %get3A_53 = vector.load %arg8[%get3A_52] : memref<256xf32, #tpu.memory_space<vmem>>, vector<256xf32>
    %broadcast_in_dim3A_54 = vector.shape_cast %get3A_53 : vector<256xf32> to vector<1x256xf32>
    %add3A_55 = vector.broadcast %broadcast_in_dim3A_54 : vector<1x256xf32> to vector<10000x256xf32>
    %add3A_56 = arith.addf %mul3A_51, %add3A_55 : vector<10000x256xf32>
    %max3A = arith.constant 0.000000e+00 : f32
    %max3A_57 = vector.broadcast %max3A : f32 to vector<10000x256xf32>
    %max3A_58 = arith.maximumf %add3A_56, %max3A_57 : vector<10000x256xf32>
    %swap3A = arith.constant 0 : index
    %swap3A_59 = arith.constant 0 : index
    %swap3A_60 = vector.load %arg9[%swap3A, %swap3A_59] : memref<10000x256xf32, #tpu.memory_space<vmem>>, vector<10000x256xf32>
    tpu.vector_store %arg9[%swap3A, %swap3A_59], %max3A_58 {strides = array<i32>} : memref<10000x256xf32, #tpu.memory_space<vmem>>, vector<10000x256xf32>,
    return
  }
}

</mosaic_0001>

<sc_bundles>
// kernel: kernel.5.cloned.1.call-start
scs
__scs_entry_jumppad:
0x0: {  	(pc) =	sbr.rel $0x88, $3  }
0x1: {  	(tag) =	ssettag $0x0;
	lr =	simm.s32 $0x1  }
0x2: {  	[smem:$0x3F93] =	sst lr;
	_ =	strace $0xD0000000  }
0x3: {  	_ = 	snop  }
0x4: {  	_ = 	snop  }
0x5: {  	_ = 	snop  }
0x6: {  	_ = 	snop  }
0x7: {  	_ = 	snop  }
__scs_overlays_trampoline_lowered:
0x8: {  	[smem:$0x3FA2] =	sst s0  }
0x9: {  	[smem:$0x3FA3] =	sst s1  }
0xa: {  	[smem:$0x3FA4] =	sst s2  }
0xb: {  	[smem:$0x3FA5] =	sst s3  }
0xc: {  	[smem:$0x3FA6] =	sst s4  }
0xd: {  	[smem:$0x3FA7] =	sst s5  }
0xe: {  	[smem:$0x3FA8] =	sst s6  }
0xf: {  	[smem:$0x3FA9] =	sst s7  }
0x10: {  	[smem:$0x3FAA] =	sst s8  }
0x11: {  	[smem:$0x3FAB] =	sst s9;
	s0 =	simm.s32 @!p0 $0x0  }
0x12: {  	s1 =	sld [smem:$0x3F91];
	s0 =	simm.s32 @p0 $0x1  }
0x13: {  	[smem:$0x3FAC] =	sst s0;
	s0 =	simm.s32 @!p1 $0x0  }
0x14: {  	s2 =	sld [smem:$0x3F90];
	s0 =	simm.s32 @p1 $0x1  }
0x15: {  	[smem:$0x3FAD] =	sst s0;
	s0 =	simm.s32 @!p2 $0x0  }
0x16: {  	s3 =	sld [smem:$0x3FDB];
	s0 =	simm.s32 @p2 $0x1  }
0x17: {  	s4 =	simm.s32 $0x1BF5;
	[smem:$0x3FAF] =	sst s0  }
0x18: {  	s0 =	sld [smem:$0x3F92];
	_ =	swait.ge [sflag:s4], $0x0  }
0x19: {  	s7 =	sld [smem:$0x3F93]  }
0x1a: {  	s8 =	sadd.s32 $0xFFFFE003, lr  }
0x1b: {  	s9 =	sadd.s32 $0xFFFFFEF7, lr;
	s5 =	simm.s32 $0xFFFFFFFF;
	p2 =	slt.u32 s8, $0xFFFFF086  }
0x1c: {  	p1 =	slt.u32 s9, $0xF7A;
	s5 =	simm.s32 @!p2 $0x0  }
0x1d: {  	s5 =	simm.s32 @p1 $0x1;
	p0 =	seq.s32 s7, s2  }
0x1e: {  	s7 =	smul.u32 @!p0 $0xF7A, s2;
	p2 =	seq.s32 @!p0 s5, $0x0  }
0x1f: {  	s9 =	smul.u32 $0xF7A, s1;
	s8 =	simm.s32 @!p0 $0x1BF5;
	p2 =	por !p2, p0  }
0x20: {  	[sflag:s8] =	ssyncset.s32 @!p0 $0xFFFFF086;
	s6 =	sadd.s32 @!p0 s3, s7;
	s7 =	simm.s32 @!p0 $0x108  }
0x21: {  	s3 =	sadd.s32 s3, s9;
	s6 =	sadd.s32 @!p0 $0x88, s6;
	s7 =	simm.s32 @p2 $0x1082  }
0x22: {  	[simem:s7], [sflag:s8] =	dma.local @!p0 [hbm:s6], $0xF7A  }
0x23: {  	s9 =	sor.u32 $0xD0000000, s2;
	s6 =	simm.s32 $0x108;
	_ =	swait.ge @!p0 [sflag:s8], $0x0  }
0x24: {  	s3 =	sadd.s32 $0x88, s3;
	s6 =	simm.s32 @!p1 $0x1082;
	[sflag:s4] =	ssyncset.s32 $0xFFFFF086  }
0x25: {  	[simem:s6], [sflag:s4] =	dma.local [hbm:s3], $0xF7A  }
0x26: {  	[smem:$0x3F93] =	sst s1;
	(tag) =	ssettag s2;
	_ =	strace s9  }
0x27: {  	s1 =	sld [smem:$0x3FA3]  }
0x28: {  	s2 =	sld [smem:$0x3FA4]  }
0x29: {  	s4 =	sld [smem:$0x3FA6]  }
0x2a: {  	p0 =	seq.s32 s5, $0x0;
	s5 =	sld [smem:$0x3FA7]  }
0x2b: {  	s6 =	sld [smem:$0x3FA8]  }
0x2c: {  	s7 =	sld [smem:$0x3FA9]  }
0x2d: {  	s3 =	simm.s32 $0x108;
	s8 =	sld [smem:$0x3FAA]  }
0x2e: {  	s3 =	simm.s32 @!p0 $0x1082;
	s9 =	sld [smem:$0x3FAB]  }
0x2f: {  	lr =	sadd.s32 s0, s3;
	s0 =	sld [smem:$0x3FA2]  }
0x30: {  	s3 =	sld [smem:$0x3FA5]  }
0x31: {  	[smem:$0x3FAE] =	sst s10  }
0x32: {  	s10 =	sld [smem:$0x3FAC];
	_ =	sdelay $0x3  }
0x33: {  	p0 =	seq.s32 s10, $0x1;
	s10 =	sld [smem:$0x3FAE];
	_ =	sdelay $0x3  }
0x34: {  	[smem:$0x3FAE] =	sst s10  }
0x35: {  	s10 =	sld [smem:$0x3FAD];
	_ =	sdelay $0x3  }
0x36: {  	p1 =	seq.s32 s10, $0x1;
	s10 =	sld [smem:$0x3FAE];
	_ =	sdelay $0x3  }
0x37: {  	[smem:$0x3FAE] =	sst s10  }
0x38: {  	s10 =	sld [smem:$0x3FAF]  }
0x39: {  	_ = 	snop;
	(pc) =	sbr.ind lr, $3  }
0x3a: {  	_ = 	snop  }
0x3b: {  	_ = 	snop  }
0x3c: {  	p2 =	seq.s32 s10, $0x1;
	s10 =	sld [smem:$0x3FAE]  }
0x3d: {  	_ =	shalt  }
0x3e: {  	_ =	shalt  }
0x3f: {  	_ =	shalt  }
0x40: {  	_ =	shalt  }
0x41: {  	_ =	shalt  }
0x42: {  	_ =	shalt  }
0x43: {  	_ =	shalt  }
0x44: {  	_ =	shalt  }
0x45: {  	_ =	shalt  }
0x46: {  	_ =	shalt  }
0x47: {  	_ =	shalt  }
0x48: {  	_ =	shalt  }
0x49: {  	_ =	shalt  }
0x4a: {  	_ =	shalt  }
0x4b: {  	_ =	shalt  }
0x4c: {  	_ =	shalt  }
0x4d: {  	_ =	shalt  }
0x4e: {  	_ =	shalt  }
0x4f: {  	_ =	shalt  }
0x50: {  	_ =	shalt  }
0x51: {  	_ =	shalt  }
0x52: {  	_ =	shalt  }
0x53: {  	_ =	shalt  }
0x54: {  	_ =	shalt  }
0x55: {  	_ =	shalt  }
0x56: {  	_ =	shalt  }
0x57: {  	_ =	shalt  }
0x58: {  	_ =	shalt  }
0x59: {  	_ =	shalt  }
0x5a: {  	_ =	shalt  }
0x5b: {  	_ =	shalt  }
0x5c: {  	_ =	shalt  }
0x5d: {  	_ =	shalt  }
0x5e: {  	_ =	shalt  }
0x5f: {  	_ =	shalt  }
0x60: {  	_ =	shalt  }
0x61: {  	_ =	shalt  }
0x62: {  	_ =	shalt  }
0x63: {  	_ =	shalt  }
0x64: {  	_ =	shalt  }
0x65: {  	_ =	shalt  }
0x66: {  	_ =	shalt  }
0x67: {  	_ =	shalt  }
0x68: {  	_ =	shalt  }
0x69: {  	_ =	shalt  }
0x6a: {  	_ =	shalt  }
0x6b: {  	_ =	shalt  }
0x6c: {  	_ =	shalt  }
0x6d: {  	_ =	shalt  }
0x6e: {  	_ =	shalt  }
0x6f: {  	_ =	shalt  }
0x70: {  	_ =	shalt  }
0x71: {  	_ =	shalt  }
0x72: {  	_ =	shalt  }
0x73: {  	_ =	shalt  }
0x74: {  	_ =	shalt  }
0x75: {  	_ =	shalt  }
0x76: {  	_ =	shalt  }
0x77: {  	_ =	shalt  }
0x78: {  	_ =	shalt  }
0x79: {  	_ =	shalt  }
0x7a: {  	_ =	shalt  }
0x7b: {  	_ =	shalt  }
0x7c: {  	_ =	shalt  }
0x7d: {  	_ =	shalt  }
0x7e: {  	_ =	shalt  }
0x7f: {  	_ =	shalt  }
0x80: {  	_ =	shalt  }
0x81: {  	_ =	shalt  }
0x82: {  	_ =	shalt  }
0x83: {  	_ =	shalt  }
0x84: {  	_ =	shalt  }
0x85: {  	_ =	shalt  }
0x86: {  	_ =	shalt  }
0x87: {  	_ =	shalt  }
.Lfunc_end0:
.L_simem_size_0:
called_computation_lowered:
.L_overlay_start_0:
0x88: {  	s2 =	sld [smem:$0x3FD9]  }
0x89: {  	s3 =	sld [smem:$0x3FFE];
	_ =	sdelay $0x1  }
0x8a: {  	s1 =	srdreg.scid  }
0x8b: {  	s0 =	sand.u32 $0x1, s1  }
0x8c: {  	s17 =	sshll.u32 s0, $0xA;
	s2 =	sadd.s32 s3, s2  }
0x8d: {  	s2 =	sadd.s32 s2, s17  }
0x8e: {  	[smem:$0x3FBA] =	sst s2  }
0x8f: {  	_ = 	snop  }
0x90: {  	s2 =	sld [smem:$0x3FD0];
	(tm) =	ssettm $0x1  }
0x91: {  	s18 =	sld [smem:$0x3FFB];
	_ =	sdelay $0x3  }
0x92: {  	_ =	strace s18  }
0x93: {  	s3 =	sld [smem:$0x3FFC];
	_ =	sdelay $0x3  }
0x94: {  	_ =	strace s3  }
0x95: {  	s3 =	sld [smem:$0x3FFD];
	_ =	sdelay $0x3  }
0x96: {  	_ =	strace s3  }
0x97: {  	_ =	strace $0x8FFFFFFF  }
0x98: {  	s19 =	sld [smem:$0x3FDB];
	_ =	sdelay $0x1  }
0x99: {  	s4 =	simm.s32 $_scs_section_size  }
0x9a: {  	s5 =	simm.s32 $_size__tile_overlayer_lowered;
	s6 =	simm.s32 $_tile_overlayer_lowered  }
0x9b: {  	s22 =	simm.s32 $0x1BFF;
	s21 =	sshll.u32 s6, $0x1;
	s3 =	sadd.s32 s4, s19  }
0x9c: {  	s7 =	simm.s32 $0x0;
	s20 =	sshll.u32 s5, $0x1;
	s5 =	sadd.s32 s21, s3  }
0x9d: {  	[timem:s7], [sflag:s22] =	dma.local [hbm:s5], s20  }
0x9e: {  	_ =	swait.ge [sflag:s22], s20  }
0x9f: {  	s4 =	ssub.s32 $0x0, s20;
	[sflag:s22] =	ssyncset.done $0x0  }
0xa0: {  	[sflag:s22] =	ssyncadd.s32 s4;
	_ =	sdelay $0x1  }
0xa1: {  	s23 =	simm.s32 $0x1B8B  }
0xa2: {  	_ =	swait.ge [sflag:s23], $0x1  }
0xa3: {  	[sflag:s23] =	ssyncset.done $0x0  }
0xa4: {  	s25 =	simm.s32 $0x1B8E;
	s24 =	sld [smem:$0x3FFE];
	[sflag:s23] =	ssyncadd.s32 $0xFFFFFFFF  }
0xa5: {  	s26 =	simm.s32 $execute0_lowered;
	[smem:$0x3FD2] =	sst s25  }
0xa6: {  	s5 =	sshll.u32 s26, $0x1;
	_ =	strace $0x80000046;
	[dreg:$0x1] =	wrdreg $0xFFFFFFFF  }
0xa7: {  	s28 =	simm.s32 $_size_execute0_lowered;
	s3 =	sadd.s32 s3, s5;
	[dreg:$0x0] =	wrdreg $0x0  }
0xa8: {  	s5 =	sshll.u32 s28, $0x1;
	[dreg:$0x2] =	wrdreg s3  }
0xa9: {  	[dreg:$0x3] =	wrdreg s5  }
0xaa: {  	[dreg:$0x4] =	wrdreg $0xC0  }
0xab: {  	_ =	task [dreg:s7], $0x5FFFF  }
0xac: {  	[dreg:$0x1] =	wrdreg $0xFFFFFFFF  }
0xad: {  	[dreg:$0x0] =	wrdreg $0x60  }
0xae: {  	[dreg:$0x2] =	wrdreg s2  }
0xaf: {  	[dreg:$0x3] =	wrdreg s24  }
0xb0: {  	[dreg:$0x4] =	wrdreg $0xAC100  }
0xb1: {  	[dreg:$0x5] =	wrdreg $0x1E4900  }
0xb2: {  	[dreg:$0x6] =	wrdreg $0x1E7080  }
0xb3: {  	[dreg:$0x7] =	wrdreg $0x1E9800  }
0xb4: {  	[dreg:$0x8] =	wrdreg $0x9  }
0xb5: {  	_ =	task.clear_ibuf [dreg:s7], $0x9FFFF;
	_ =	strace $0x90000046  }
0xb6: {  	s29 =	simm.s32 $0x9;
	_ =	strace $0x80000048  }
0xb7: {  	_ =	swait.ge [sflag:s29], $0x1  }
0xb8: {  	[sflag:s29] =	ssyncadd.s32 $0xFFFFFFFF  }
0xb9: {  	_ =	strace $0x90000048  }
0xba: {  	_ =	sfence  }
0xbb: {  	s30 =	sld [smem:$0x0];
	_ =	sdelay $0x2  }
0xbc: {  	s31 =	sshll.u32 s1, $0xD;
	s1 =	sshrl.u32 s1, $0x2  }
0xbd: {  	s3 =	sand.u32 $0x4000, s31;
	s1 =	sadd.s32 s1, s30  }
0xbe: {  	s0 =	sor.u32 s3, s0;
	s1 =	sshll.u32 s1, $0x11  }
0xbf: {  	s0 =	sor.u32 s1, s0  }
0xc0: {  	s0 =	sadd.s32 $0x8F2B, s0  }
0xc1: {  	[sflag:s0] =	ssyncadd.remote.s32 $0x1  }
0xc2: {  	_ =	sfence.sel $0xFFFF  }
0xc3: {  	[dreg:$0x0] =	wrdreg $0xFFFFFFFF;
	(pc) =	sbr.abs _section_cstart, $3  }
0xc4: {  	[dreg:$0x1] =	wrdreg $0xFFFFFFFF  }
0xc5: {  	_ =	task.clear_ibuf [dreg:s7], $0x2FFFF;
	_ =	strace $0x9FFFFFFF  }
0xc6: {  	(tm) =	ssettm $0x7FFFFFFF  }
0xc7: {  	_ =	shalt  }
tec
execute0_lowered:
.L_overlay_start_1:
0x0: {  	(tag) =	ssettag $0x1  }
0x1: {  	s0 =	rddreg [dreg:$0x0]  }
0x2: {  	s1 =	rddreg [dreg:$0x1]  }
0x3: {  	s2 =	rddreg [dreg:$0x2]  }
0x4: {  	s3 =	rddreg [dreg:$0x3]  }
0x5: {  	s4 =	rddreg [dreg:$0x4]  }
0x6: {  	s5 =	rddreg [dreg:$0x5]  }
0x7: {  	s6 =	simm.s32 $0x0;
	s7 =	srdreg.scid;
	s28 =	simm.s32 $0x4280  }
0x8: {  	s29 =	simm.s32 $0x4300;
	s30 =	simm.s32 $0x4380;
	s31 =	simm.s32 $0x4400  }
0x9: {  	[smem:$0x7FF] =	sst s6;
	s9 =	sand.u32 $0x1, s7;
	s11 =	sadd.s32 $0x2C200, s1  }
0xa: {  	s15 =	sadd.s32 $0x2BC00, s1;
	_ =	strace $0x80000047;
	[dreg:$0x7] =	wrdreg s11  }
0xb: {  	s7 =	sadd.s32 $0x2000, s1;
	s16 =	sadd.s32 $0x53E00, s1;
	[dreg:$0x8] =	wrdreg s15  }
0xc: {  	s8 =	sadd.s32 $0x16400, s1;
	s17 =	sadd.s32 $0x7B000, s1;
	[dreg:$0x9] =	wrdreg s16  }
0xd: {  	s10 =	smul.u32 $0x2710, s9;
	[dreg:$0xa] =	wrdreg s17;
	s12 =	ssub.s32 $0x2, s9  }
0xe: {  	s15 =	stileid.u32;
	s14 =	sshll.u32 s9, $0x4;
	p1 =	seq.s32 s9, $0x1  }
0xf: {  	s11 =	simm.s32 $0x4480;
	s13 =	sshrl.u32 s12, $0x1;
	s20 =	sor.u32 s15, s14  }
0x10: {  	p0 =	seq.s32 s15, $0x0;
	s9 =	sor.u32 s9, s15;
	s22 =	smul.u32 $0xA20, s20  }
0x11: {  	s18 =	sshrl.u32 s10, $0x3;
	s19 =	ssub.s32 s12, s13;
	s16 =	smul.u32 $0xA2, s20  }
0x12: {  	p0 =	por !p0, !p1;
	p2 =	sne.s32 s9, $0x0;
	s13 =	simm.s32 $0x1  }
0x13: {  	s9 =	simm.s32 $0x200;
	s1 =	sadd.s32 s18, s1;
	s26 =	smax.u32 s19, $0x1  }
0x14: {  	v1 =	vmov s10;
	s10 =	simm.s32 $0x2;
	s21 =	sadd.s32 $0x2B200, s1;
	[dreg:$0x10] =	wrdreg s26  }
0x15: {  	p1 =	por !p0, !p0;
	s23 =	sadd.s32 $0x2A800, s1;
	[dreg:$0xb] =	wrdreg s21  }
0x16: {  	p0 =	sne.s32 s15, $0x0;
	s24 =	sadd.s32 s7, s22;
	[dreg:$0xc] =	wrdreg s23  }
0x17: {  	s25 =	sadd.s32 s8, s22;
	s1 =	sadd.s32 $0x53400, s1;
	[dreg:$0xd] =	wrdreg s24  }
0x18: {  	v0 =	vlaneseq.u32;
	s22 =	simm.s32 $0x3;
	p3 =	sne.s32 @!p1 s15, $0x1;
	[dreg:$0xe] =	wrdreg s25  }
0x19: {  	v2 =	vmul.u32 $0xFFFFFFFF, v0;
	s26 =	simm.s32 $0x280;
	s15 =	simm.s32 $0x0;
	[dreg:$0xf] =	wrdreg s1  }
0x1a: {  	s1 =	sshrl.u32 @!p0 s2, $0x3;
	s23 =	simm.s32 $0x80;
	p3 =	por p3, p1  }
0x1b: {  	v2 =	vadd.s32 $0x5091, v2;
	s25 =	simm.s32 $0x180;
	[dreg:$0x11] =	wrdreg s1;
	s1 =	simm.s32 $0x4500  }
.LBB2_1:
0x1c: {  	[dreg:$0x12] =	wrdreg s15  }
0x1d: {  	s12 =	rddreg [dreg:$0x7]  }
0x1e: {  	s14 =	simm.s32 @!p0 $0x1C03;
	s15 =	rddreg [dreg:$0x11]  }
0x1f: {  	[spmem:s15], [sflag:s14] =	dma.local @!p0 [hbm:s12], $0x27100  }
0x20: {  	s15 =	simm.s32 @!p0 $0x3  }
0x21: {  	_ =	swait.ge @!p0 [sflag:s15], $0x27100  }
0x22: {  	[sflag:s15] =	ssyncset.done @!p0 $0x0  }
0x23: {  	s17 =	sshrl.u32 @!p0 s3, $0x3;
	s12 =	rddreg [dreg:$0x8];
	[sflag:s15] =	ssyncadd.s32 @!p0 $0xFFFD8F00  }
0x24: {  	[spmem:s17], [sflag:s14] =	dma.local @!p0 [hbm:s12], $0x4E2  }
0x25: {  	_ =	swait.ge @!p0 [sflag:s15], $0x4E2  }
0x26: {  	[sflag:s15] =	ssyncset.done @!p0 $0x0  }
0x27: {  	s17 =	sshrl.u32 @!p0 s4, $0x3;
	s12 =	rddreg [dreg:$0xb];
	[sflag:s15] =	ssyncadd.s32 @!p0 $0xFFFFFB1E  }
0x28: {  	[spmem:s17], [sflag:s14] =	dma.local @!p0 [hbm:s12], $0x4E2  }
0x29: {  	_ =	swait.ge @!p0 [sflag:s15], $0x4E2  }
0x2a: {  	[sflag:s15] =	ssyncset.done @!p0 $0x0  }
0x2b: {  	s17 =	sshrl.u32 @!p0 s5, $0x3;
	s12 =	rddreg [dreg:$0xc];
	[sflag:s15] =	ssyncadd.s32 @!p0 $0xFFFFFB1E  }
0x2c: {  	[spmem:s17], [sflag:s14] =	dma.local @!p0 [hbm:s12], $0x4E2  }
0x2d: {  	_ =	swait.ge @!p0 [sflag:s15], $0x4E2  }
0x2e: {  	[sflag:s15] =	ssyncset.done @!p0 $0x0  }
0x2f: {  	[sflag:s15] =	ssyncadd.s32 @!p0 $0xFFFFFB1E  }
0x30: {  	[bflag:$0x0] =	sbarrier.arrive $0xFFFF  }
0x31: {  	s20 =	rddreg [dreg:$0xd]  }
0x32: {  	[tilespmem:s6], [sflag:$0x3] =	stream.linear.gather [hbm4b:s20+s6], $0x80, $0x38;
	[tilespmem:$0x1EBF8] =	vst v63  }
0x33: {  	_ =	swait.ge [sflag:s22], $0x80  }
0x34: {  	[sflag:s22] =	ssyncset.done $0x0  }
0x35: {  	s21 =	rddreg [dreg:$0xe];
	[sflag:s22] =	ssyncadd.s32 $0xFFFFFF80  }
0x36: {  	[tilespmem:s23], [sflag:$0x3] =	stream.linear.gather [hbm4b:s21+s6], $0x80, $0x38;
	[tilespmem:$0x1EBF8] =	vst v63  }
0x37: {  	_ =	swait.ge [sflag:s22], $0x80  }
0x38: {  	[sflag:s22] =	ssyncset.done $0x0  }
0x39: {  	s24 =	simm.s32 $0x100;
	[sflag:s22] =	ssyncadd.s32 $0xFFFFFF80  }
0x3a: {  	[tilespmem:s24], [sflag:$0x3] =	stream.indirect.gather [spmem:s4], $0x1, s6, s23, $0xb8;
	[tilespmem:$0x1EBF8] =	vst v63  }
0x3b: {  	_ =	swait.ge [sflag:s22], $0x80  }
0x3c: {  	[sflag:s22] =	ssyncset.done $0x0  }
0x3d: {  	[sflag:s22] =	ssyncadd.s32 $0xFFFFFF80  }
0x3e: {  	[tilespmem:s25], [sflag:$0x3] =	stream.indirect.gather [spmem:s5], $0x1, s23, s23, $0xb8;
	[tilespmem:$0x1EBF8] =	vst v63  }
0x3f: {  	_ =	swait.ge [sflag:s22], $0x80  }
0x40: {  	[sflag:s22] =	ssyncset.done $0x0  }
0x41: {  	[sflag:s22] =	ssyncadd.s32 $0xFFFFFF80  }
0x42: {  	v3 =	vld [tilespmem:$0x100]  }
0x43: {  	v4 =	vld [tilespmem:$0x180]  }
0x44: {  	v5 =	vld [tilespmem:$0x110]  }
0x45: {  	v6 =	vld [tilespmem:$0x190]  }
0x46: {  	v7 =	vld [tilespmem:$0x120]  }
0x47: {  	v8 =	vld [tilespmem:$0x1A0]  }
0x48: {  	v9 =	vld [tilespmem:$0x130]  }
0x49: {  	v34 =	vld [tilespmem:$0x1B0];
	v3 =	vadd.f32 v4, v3  }
0x4a: {  	v10 =	vld [tilespmem:$0x140]  }
0x4b: {  	v35 =	vld [tilespmem:$0x1C0];
	v5 =	vadd.f32 v6, v5;
	v11 =	vmul.f32 $2.000000030e-01, v3  }
0x4c: {  	v36 =	vld [tilespmem:$0x150];
	vm0 =	vge.f32 v3, $0.0e+00  }
0x4d: {  	v12 =	vld [tilespmem:$0x1D0];
	v7 =	vadd.f32 v8, v7;
	v37 =	vmul.f32 $2.000000030e-01, v5;
	v3 =	vsel vm0, v3, v11  }
0x4e: {  	vm9 =	vge.f32 v5, $0.0e+00;
	v3 =	vmul.f32 $1.442695020e+00, v3  }
0x4f: {  	v4 =	vadd.f32 v34, v9;
	v13 =	vmul.f32 $2.000000030e-01, v7;
	v5 =	vsel vm9, v5, v37  }
0x50: {  	v38 =	vld [tilespmem:$0x160];
	v6 =	vadd.f32 v35, v10;
	(erf) = vpow2.f32 v3;
	v3 =	vmul.f32 $1.442695020e+00, v5  }
0x51: {  	v42 =	vld [tilespmem:$0x170];
	vm10 =	vge.f32 v7, $0.0e+00;
	v41 =	vmul.f32 $2.000000030e-01, v4;
	vm11 =	vge.f32 v4, $0.0e+00  }
0x52: {  	v43 =	vld [tilespmem:$0x1F0];
	v39 =	vsel vm10, v7, v13;
	(erf) = vpow2.f32 v3;
	v3 =	vadd.f32 v12, v36  }
0x53: {  	v40 =	vld [tilespmem:$0x1E0];
	v44 =	vmul.f32 $2.000000030e-01, v6;
	v4 =	vsel vm11, v4, v41;
	v5 =	vmul.f32 $1.442695020e+00, v39  }
0x54: {  	vm12 =	vge.f32 v6, $0.0e+00;
	v4 =	vmul.f32 $1.442695020e+00, v4;
	v45 =	vmul.f32 $2.000000030e-01, v3  }
0x55: {  	(erf) = vpow2.f32 v5;
	v5 =	vsel vm12, v6, v44;
	vm13 =	vge.f32 v3, $0.0e+00  }
0x56: {  	v48 =	vmul.f32 $1.442695020e+00, v5;
	v3 =	vsel vm13, v3, v45  }
0x57: {  	v47 =	vld [tilespmem:$0x0];
	v8 =	vadd.f32 v43, v42;
	(erf) = vpow2.f32 v4;
	v3 =	vmul.f32 $1.442695020e+00, v3  }
0x58: {  	v52 =	vld [tilespmem:$0x20];
	v46 =	vadd.f32 v40, v38;
	(erf) = vpow2.f32 v48  }
0x59: {  	v49 =	vld [tilespmem:$0x10];
	v51 =	vpop (erf);
	(erf) = vpow2.f32 v3;
	v3 =	vmul.f32 $2.000000030e-01, v8  }
0x5a: {  	v57 =	vld [tilespmem:$0x40];
	v9 =	vmul.f32 $2.000000030e-01, v46;
	vm15 =	vge.f32 v8, $0.0e+00  }
0x5b: {  	vm14 =	vge.f32 v46, $0.0e+00;
	v3 =	vsel vm15, v8, v3  }
0x5c: {  	v55 =	vld [tilespmem:$0x30];
	v53 =	vadd.s32 v1, v47;
	v50 =	vsel vm14, v46, v9;
	v3 =	vmul.f32 $1.442695020e+00, v3  }
0x5d: {  	v58 =	vadd.s32 v1, v52;
	[tilespmem:$0x0] =	vst v53;
	v4 =	vmul.f32 $1.442695020e+00, v50  }
0x5e: {  	[tilespmem:$0x20] =	vst v58;
	v5 =	vadd.s32 v1, v49;
	v54 =	vpop (erf)  }
0x5f: {  	v59 =	vld [tilespmem:$0x50];
	[tilespmem:$0x10] =	vst v5;
	v5 =	vadd.s32 v1, v57;
	(erf) = vpow2.f32 v4;
	v56 =	vpop (erf)  }
0x60: {  	[tilespmem:$0x40] =	vst v5;
	(erf) = vpow2.f32 v3;
	v3 =	vpop (erf)  }
0x61: {  	[tilespmem:$0x230] =	vst v3;
	v3 =	vadd.s32 v1, v55  }
0x62: {  	[tilespmem:$0x30] =	vst v3;
	v3 =	vld [tilespmem:$0x60]  }
0x63: {  	[tilespmem:$0x200] =	vst v51  }
0x64: {  	v4 =	vadd.s32 v1, v59;
	[tilespmem:$0x210] =	vst v54  }
0x65: {  	[tilespmem:$0x50] =	vst v4  }
0x66: {  	v62 =	vld [tilespmem:$0x70];
	[tilespmem:$0x220] =	vst v56;
	v60 =	vpop (erf)  }
0x67: {  	[tilespmem:$0x240] =	vst v60;
	v61 =	vpop (erf);
	v3 =	vadd.s32 v1, v3  }
0x68: {  	[tilespmem:$0x250] =	vst v61;
	v63 =	vpop (erf)  }
0x69: {  	[tilespmem:$0x260] =	vst v63  }
0x6a: {  	[tilespmem:$0x60] =	vst v3;
	v3 =	vpop (erf)  }
0x6b: {  	[tilespmem:$0x270] =	vst v3;
	v3 =	vadd.s32 v1, v62  }
0x6c: {  	s14 =	simm.s32 $0x0;
	[tilespmem:$0x70] =	vst v3  }
0x6d: {  	[tilespmem:s26], [sflag:$0x1] =	stream.indirect.gather [hbm4b:s0+s23], $0x80, s6, s23, $0xb8;
	[tilespmem:$0x1EBF8] =	vst v63  }
.LBB2_2:
0x6e: {  	s15 =	sshllo.u32 s14, $0x1  }
0x6f: {  	s17 =	sadd.s32 s16, s15  }
0x70: {  	s17 =	sshll.u32 s17, $0x4  }
0x71: {  	s18 =	sand.u32 $0x1FFFFFF0, s17  }
0x72: {  	s17 =	simm.s32 $0x0;
	s19 =	sadd.s32 s7, s18  }
0x73: {  	[tilespmem:s28], [sflag:$0x3] =	stream.linear.gather [hbm4b:s19+s17], $0x80, $0x38;
	[tilespmem:$0x1EBF8] =	vst v63  }
0x74: {  	_ =	swait.ge [sflag:s22], $0x80  }
0x75: {  	[sflag:s22] =	ssyncset.done $0x0  }
0x76: {  	s18 =	sadd.s32 s8, s18;
	[sflag:s22] =	ssyncadd.s32 $0xFFFFFF80  }
0x77: {  	[tilespmem:s29], [sflag:$0x3] =	stream.linear.gather [hbm4b:s18+s17], $0x80, $0x38;
	[tilespmem:$0x1EBF8] =	vst v63  }
0x78: {  	_ =	swait.ge [sflag:s22], $0x80  }
0x79: {  	[sflag:s22] =	ssyncset.done $0x0  }
0x7a: {  	[sflag:s22] =	ssyncadd.s32 $0xFFFFFF80  }
0x7b: {  	[tilespmem:s30], [sflag:$0x3] =	stream.indirect.gather [spmem:s4], $0x1, s28, s23, $0xb8;
	[tilespmem:$0x1EBF8] =	vst v63  }
0x7c: {  	_ =	swait.ge [sflag:s22], $0x80  }
0x7d: {  	[sflag:s22] =	ssyncset.done $0x0  }
0x7e: {  	[sflag:s22] =	ssyncadd.s32 $0xFFFFFF80  }
0x7f: {  	[tilespmem:s31], [sflag:$0x3] =	stream.indirect.gather [spmem:s5], $0x1, s29, s23, $0xb8;
	[tilespmem:$0x1EBF8] =	vst v63  }
0x80: {  	_ =	swait.ge [sflag:s22], $0x80  }
0x81: {  	[sflag:s22] =	ssyncset.done $0x0  }
0x82: {  	[sflag:s22] =	ssyncadd.s32 $0xFFFFFF80  }
0x83: {  	v3 =	vld [tilespmem:$0x4380]  }
0x84: {  	v4 =	vld [tilespmem:$0x4400];
	_ =	sdelay $0x4  }
0x85: {  	v3 =	vadd.f32 v4, v3;
	_ =	sdelay $0x1  }
0x86: {  	v5 =	vld [tilespmem:$0x4390];
	v4 =	vmul.f32 $2.000000030e-01, v3  }
0x87: {  	v6 =	vld [tilespmem:$0x43A0];
	vm0 =	vge.f32 v3, $0.0e+00  }
0x88: {  	v3 =	vsel vm0, v3, v4;
	v4 =	vld [tilespmem:$0x4410]  }
0x89: {  	v7 =	vld [tilespmem:$0x4420];
	_ =	sdelay $0x1  }
0x8a: {  	v8 =	vld [tilespmem:$0x4430];
	v3 =	vmul.f32 $1.442695020e+00, v3  }
0x8b: {  	v10 =	vld [tilespmem:$0x43D0]  }
0x8c: {  	(erf) = vpow2.f32 v3;
	v3 =	vld [tilespmem:$0x43B0];
	v4 =	vadd.f32 v4, v5  }
0x8d: {  	v6 =	vadd.f32 v7, v6;
	v7 =	vld [tilespmem:$0x4440]  }
0x8e: {  	v5 =	vld [tilespmem:$0x43C0];
	v9 =	vmul.f32 $2.000000030e-01, v4  }
0x8f: {  	v38 =	vld [tilespmem:$0x4450];
	vm11 =	vge.f32 v4, $0.0e+00  }
0x90: {  	v12 =	vld [tilespmem:$0x43E0];
	v37 =	vmul.f32 $2.000000030e-01, v6;
	v4 =	vsel vm11, v4, v9  }
0x91: {  	s15 =	sshll.u32 s15, $0x7;
	v40 =	vld [tilespmem:$0x4460];
	vm12 =	vge.f32 v6, $0.0e+00;
	v3 =	vadd.f32 v8, v3;
	v4 =	vmul.f32 $1.442695020e+00, v4  }
0x92: {  	v11 =	vmov s15;
	v6 =	vsel vm12, v6, v37  }
0x93: {  	v41 =	vld [tilespmem:$0x4470];
	v39 =	vmul.f32 $2.000000030e-01, v3;
	(erf) = vpow2.f32 v4;
	v4 =	vadd.f32 v7, v5  }
0x94: {  	vm1 =	vlt.u32 v11, v2;
	v6 =	vmul.f32 $1.442695020e+00, v6;
	vm13 =	vge.f32 v3, $0.0e+00;
	v5 =	vld [tilespmem:$0x43F0]  }
0x95: {  	v8 =	vadd.f32 v38, v10;
	v3 =	vsel vm13, v3, v39;
	v43 =	vmul.f32 $2.000000030e-01, v4  }
0x96: {  	v44 =	vadd.f32 v40, v12;
	v3 =	vmul.f32 $1.442695020e+00, v3;
	vm14 =	vge.f32 v4, $0.0e+00  }
0x97: {  	(erf) = vpow2.f32 v6;
	v6 =	vmul.f32 $2.000000030e-01, v8;
	v4 =	vsel vm14, v4, v43  }
0x98: {  	vm15 =	vge.f32 v8, $0.0e+00;
	(erf) = vpow2.f32 v3;
	v3 =	vmul.f32 $1.442695020e+00, v4  }
0x99: {  	v45 =	vld [tilespmem:$0x4280];
	v4 =	vsel vm15, v8, v6;
	v6 =	vmul.f32 $2.000000030e-01, v44;
	v5 =	vadd.f32 v41, v5  }
0x9a: {  	s19 =	sor.u32 $0x10, s15;
	vm4 =	vge.f32 v44, $0.0e+00;
	(erf) = vpow2.f32 v3;
	v3 =	vmul.f32 $1.442695020e+00, v4  }
0x9b: {  	v42 =	vmov s19;
	v46 =	vld [tilespmem:$0x4290];
	v4 =	vsel vm4, v44, v6;
	v6 =	vmul.f32 $2.000000030e-01, v5  }
0x9c: {  	v13 =	vpop (erf);
	vm6 =	vge.f32 v5, $0.0e+00;
	(erf) = vpow2.f32 v3;
	v3 =	vmul.f32 $1.442695020e+00, v4  }
0x9d: {  	vm5 =	vlt.u32 v42, v2;
	v48 =	vld [tilespmem:$0x42A0];
	v7 =	vnsel vm1, $0x0, v13;
	v5 =	vsel vm6, v5, v6  }
0x9e: {  	s20 =	sor.u32 $0x20, s15;
	[tilespmem:$0x4480] =	vst v7;
	v7 =	vadd.s32 v1, v45;
	v47 =	vpop (erf);
	(erf) = vpow2.f32 v3;
	v3 =	vmul.f32 $1.442695020e+00, v5  }
0x9f: {  	[tilespmem:$0x4280] =	vst v7;
	v7 =	vld [tilespmem:$0x42B0];
	v6 =	vmov s20;
	v4 =	vnsel vm5, $0x0, v47  }
0xa0: {  	s21 =	sor.u32 $0x30, s15;
	vm7 =	vlt.u32 v6, v2;
	[tilespmem:$0x4490] =	vst v4;
	v4 =	vadd.s32 v1, v46;
	v5 =	vpop (erf)  }
0xa1: {  	v6 =	vld [tilespmem:$0x42C0];
	[tilespmem:$0x4290] =	vst v4;
	v4 =	vnsel vm7, $0x0, v5;
	v5 =	vmov s21;
	(erf) = vpow2.f32 v3  }
0xa2: {  	s24 =	sor.u32 $0x40, s15;
	[tilespmem:$0x44A0] =	vst v4;
	v4 =	vadd.s32 v1, v48;
	vm8 =	vlt.u32 v5, v2;
	v3 =	vpop (erf)  }
0xa3: {  	v5 =	vld [tilespmem:$0x42D0];
	[tilespmem:$0x42A0] =	vst v4;
	v4 =	vmov s24;
	v3 =	vnsel vm8, $0x0, v3  }
0xa4: {  	s12 =	sor.u32 $0x50, s15;
	v49 =	vpop (erf);
	vm9 =	vlt.u32 v4, v2;
	[tilespmem:$0x44B0] =	vst v3;
	v3 =	vadd.s32 v1, v7  }
0xa5: {  	v4 =	vmov s12;
	v7 =	vld [tilespmem:$0x42E0];
	[tilespmem:$0x42B0] =	vst v3;
	v3 =	vnsel vm9, $0x0, v49  }
0xa6: {  	s19 =	sor.u32 $0x60, s15;
	vm10 =	vlt.u32 v4, v2;
	v50 =	vpop (erf);
	[tilespmem:$0x44C0] =	vst v3;
	v3 =	vadd.s32 v1, v6  }
0xa7: {  	v4 =	vmov s19;
	v6 =	vld [tilespmem:$0x42F0];
	[tilespmem:$0x42C0] =	vst v3;
	v3 =	vnsel vm10, $0x0, v50  }
0xa8: {  	s15 =	sor.u32 $0x70, s15;
	vm11 =	vlt.u32 v4, v2;
	v51 =	vpop (erf);
	[tilespmem:$0x44D0] =	vst v3;
	v3 =	vadd.s32 v1, v5  }
0xa9: {  	v4 =	vmov s15;
	[tilespmem:$0x42D0] =	vst v3;
	v3 =	vnsel vm11, $0x0, v51  }
0xaa: {  	vm12 =	vlt.u32 v4, v2;
	v5 =	vpop (erf);
	[tilespmem:$0x44E0] =	vst v3;
	v3 =	vadd.s32 v1, v7  }
0xab: {  	[tilespmem:$0x42E0] =	vst v3;
	v3 =	vnsel vm12, $0x0, v5  }
0xac: {  	[tilespmem:$0x44F0] =	vst v3;
	v3 =	vadd.s32 v1, v6  }
0xad: {  	[tilespmem:$0x42F0] =	vst v3  }
0xae: {  	[tilespmem:s1], [sflag:$0x2] =	stream.indirect.gather [hbm4b:s0+s23], $0x80, s28, s23, $0xb8;
	[tilespmem:$0x1EBF8] =	vst v63  }
0xaf: {  	_ =	swait.ge [sflag:s13], $0x4000  }
0xb0: {  	[sflag:s13] =	ssyncset.done $0x0  }
0xb1: {  	s18 =	sand.u32 $0x70, s17;
	[sflag:s13] =	ssyncadd.s32 $0xFFFFC000  }
0xb2: {  	v3 =	vld [tilespmem:s18+$0x200];
	_ =	sdelay $0x1  }
0xb3: {  	s20 =	sand.u32 $0xC, s17  }
0xb4: {  	v4 =	vmov s20  }
0xb5: {  	vm13 =	veq.s32 v4, v0  }
0xb6: {  	v3 =	vnsel vm13, $0x0, v3  }
0xb7: {  	(xrf2) =	vadd.scan.msk.f32 $0xffff, v3;
	_ =	sdelay $0x6  }
0xb8: {  	s15 =	simm.s32 $0x380  }
0xb9: {  	v4 =	vld [tilespmem:s15+$0xFFFFFF10]  }
0xba: {  	v5 =	vld [tilespmem:s15+$0xFFFFFF50]  }
0xbb: {  	v6 =	vld [tilespmem:s15+$0xFFFFFF20];
	v7, _, _ =	vpop (xrf2)  }
0xbc: {  	v3 =	vld [tilespmem:s15+$0xFFFFFF60];
	v7 =	vbroadcast v7, $0xF  }
0xbd: {  	v52 =	vld [tilespmem:s15+$0xFFFFFF00]  }
0xbe: {  	v53 =	vld [tilespmem:s15+$0xFFFFFF30];
	v4 =	vmul.f32 v7, v4  }
0xbf: {  	v55 =	vld [tilespmem:s15+$0xFFFFFF40];
	v5 =	vmul.f32 v5, v7  }
0xc0: {  	v54 =	vld [tilespmem:s15+$0xFFFFFF70];
	v6 =	vmul.f32 v6, v7;
	[tilespmem:s15+$0xFFFFFF10] =	vst v4  }
0xc1: {  	v3 =	vmul.f32 v3, v7;
	[tilespmem:s15+$0xFFFFFF50] =	vst v5  }
0xc2: {  	v4 =	vmul.f32 v7, v52;
	[tilespmem:s15+$0xFFFFFF20] =	vst v6  }
0xc3: {  	v5 =	vmul.f32 v53, v7;
	[tilespmem:s15+$0xFFFFFF60] =	vst v3  }
0xc4: {  	v3 =	vmul.f32 v55, v7;
	[tilespmem:s15+$0xFFFFFF00] =	vst v4  }
0xc5: {  	v4 =	vmul.f32 v54, v7;
	[tilespmem:s15+$0xFFFFFF30] =	vst v5  }
0xc6: {  	[tilespmem:s15+$0xFFFFFF40] =	vst v3  }
0xc7: {  	[tilespmem:s15+$0xFFFFFF70] =	vst v4  }
0xc8: {  	v3 =	vld [tilespmem:s18+$0x200]  }
0xc9: {  	s17 =	sand.u32 $0xF, s17  }
0xca: {  	s21 =	sadd.s32 $0x1, s17  }
0xcb: {  	v4 =	vmov s21  }
0xcc: {  	vm14 =	veq.s32 v4, v0  }
0xcd: {  	v3 =	vnsel vm14, $0x0, v3  }
0xce: {  	(xrf2) =	vadd.scan.msk.f32 $0xffff, v3;
	_ =	sdelay $0x7  }
0xcf: {  	v4 =	vld [tilespmem:s15+$0xFFFFFF80]  }
0xd0: {  	v5 =	vld [tilespmem:s15+$0xFFFFFF90]  }
0xd1: {  	v3 =	vld [tilespmem:s15+$0xFFFFFFF0];
	v7, _, _ =	vpop (xrf2)  }
0xd2: {  	v6 =	vld [tilespmem:s15+$0xFFFFFFD0];
	v7 =	vbroadcast v7, $0xF  }
0xd3: {  	v56 =	vld [tilespmem:s15+$0xFFFFFFE0]  }
0xd4: {  	v59 =	vld [tilespmem:s15+$0xFFFFFFB0];
	v4 =	vmul.f32 v7, v4  }
0xd5: {  	v58 =	vld [tilespmem:s15+$0xFFFFFFA0];
	v5 =	vmul.f32 v7, v5  }
0xd6: {  	v57 =	vld [tilespmem:s15+$0xFFFFFFC0];
	v3 =	vmul.f32 v3, v7;
	[tilespmem:s15+$0xFFFFFF80] =	vst v4  }
0xd7: {  	v4 =	vmul.f32 v6, v7;
	[tilespmem:s15+$0xFFFFFF90] =	vst v5  }
0xd8: {  	v5 =	vmul.f32 v56, v7;
	[tilespmem:s15+$0xFFFFFFF0] =	vst v3  }
0xd9: {  	v3 =	vmul.f32 v59, v7;
	[tilespmem:s15+$0xFFFFFFD0] =	vst v4  }
0xda: {  	v4 =	vmul.f32 v58, v7;
	[tilespmem:s15+$0xFFFFFFE0] =	vst v5  }
0xdb: {  	v5 =	vmul.f32 v57, v7;
	[tilespmem:s15+$0xFFFFFFB0] =	vst v3  }
0xdc: {  	[tilespmem:s15+$0xFFFFFFA0] =	vst v4  }
0xdd: {  	[tilespmem:s15+$0xFFFFFFC0] =	vst v5  }
0xde: {  	v3 =	vld [tilespmem:s18+$0x200];
	_ =	sdelay $0x1  }
0xdf: {  	s24 =	sadd.s32 $0x2, s17  }
0xe0: {  	v4 =	vmov s24  }
0xe1: {  	vm15 =	veq.s32 v4, v0  }
0xe2: {  	v3 =	vnsel vm15, $0x0, v3  }
0xe3: {  	(xrf2) =	vadd.scan.msk.f32 $0xffff, v3;
	_ =	sdelay $0x7  }
0xe4: {  	v3 =	vld [tilespmem:s15+$0x0]  }
0xe5: {  	v4 =	vld [tilespmem:s15+$0x30]  }
0xe6: {  	v5 =	vld [tilespmem:s15+$0x40];
	v6, _, _ =	vpop (xrf2)  }
0xe7: {  	v7 =	vld [tilespmem:s15+$0x10];
	v6 =	vbroadcast v6, $0xF  }
0xe8: {  	v60 =	vld [tilespmem:s15+$0x60]  }
0xe9: {  	v61 =	vld [tilespmem:s15+$0x70];
	v3 =	vmul.f32 v6, v3  }
0xea: {  	v62 =	vld [tilespmem:s15+$0x20];
	v4 =	vmul.f32 v4, v6  }
0xeb: {  	v63 =	vld [tilespmem:s15+$0x50];
	[tilespmem:s15+$0x0] =	vst v3;
	v3 =	vmul.f32 v5, v6  }
0xec: {  	v5 =	vmul.f32 v6, v7;
	[tilespmem:s15+$0x30] =	vst v4  }
0xed: {  	v4 =	vmul.f32 v60, v6;
	[tilespmem:s15+$0x40] =	vst v3  }
0xee: {  	v7 =	vmul.f32 v61, v6;
	[tilespmem:s15+$0x10] =	vst v5  }
0xef: {  	s20 =	sadd.s32 $0x3, s17;
	[tilespmem:s15+$0x60] =	vst v4  }
0xf0: {  	s19 =	simm.s32 $0x4;
	s17 =	sshll.u32 s14, $0x1;
	v3 =	vmov s20;
	v4 =	vmul.f32 v62, v6;
	v5 =	vmul.f32 v63, v6;
	[tilespmem:s15+$0x70] =	vst v7;
	s20 =	simm.s32 $0x380  }
.LBB2_3:
0xf1: {  	p4 =	slt.u32 s19, $0x7C  }
0xf2: {  	[tilespmem:s15+$0x20] =	vst v4;
	s20 =	sadd.s32 $0x200, s20;
	s21 =	smov.u32 s19;
	s19 =	sadd.s32 $0x4, s19  }
0xf3: {  	[tilespmem:s15+$0x50] =	vst v5  }
0xf4: {  	v4 =	vld [tilespmem:s18+$0x200];
	_ =	sdelay $0x3  }
0xf5: {  	vm0 =	veq.s32 v3, v0  }
0xf6: {  	v3 =	vnsel vm0, $0x0, v4  }
0xf7: {  	(xrf2) =	vadd.scan.msk.f32 $0xffff, v3;
	_ =	sdelay $0x3  }
0xf8: {  	v3 =	vld [tilespmem:s15+$0xE0]  }
0xf9: {  	v4 =	vld [tilespmem:s15+$0xD0]  }
0xfa: {  	v5 =	vld [tilespmem:s15+$0xB0]  }
0xfb: {  	v6 =	vld [tilespmem:s15+$0x80]  }
0xfc: {  	v7 =	vld [tilespmem:s15+$0x90]  }
0xfd: {  	v8 =	vld [tilespmem:s15+$0xA0]  }
0xfe: {  	v9 =	vld [tilespmem:s15+$0xC0];
	v10, _, _ =	vpop (xrf2)  }
0xff: {  	v10 =	vbroadcast v10, $0xF;
	v11 =	vld [tilespmem:s15+$0xF0];
	_ =	sdelay $0x1  }
0x100: {  	v6 =	vmul.f32 v10, v6;
	v7 =	vmul.f32 v10, v7  }
0x101: {  	v5 =	vmul.f32 v5, v10;
	v8 =	vmul.f32 v8, v10  }
0x102: {  	v4 =	vmul.f32 v4, v10;
	[tilespmem:s15+$0x80] =	vst v6;
	v6 =	vmul.f32 v9, v10  }
0x103: {  	v3 =	vmul.f32 v3, v10;
	[tilespmem:s15+$0xA0] =	vst v8;
	v8 =	vmul.f32 v11, v10  }
0x104: {  	[tilespmem:s15+$0xB0] =	vst v5  }
0x105: {  	[tilespmem:s15+$0xC0] =	vst v6  }
0x106: {  	[tilespmem:s15+$0xD0] =	vst v4  }
0x107: {  	s18 =	sand.u32 $0x70, s21;
	[tilespmem:s15+$0xE0] =	vst v3  }
0x108: {  	[tilespmem:s15+$0xF0] =	vst v8  }
0x109: {  	[tilespmem:s15+$0x90] =	vst v7;
	s15 =	smov.u32 s20  }
0x10a: {  	v3 =	vld [tilespmem:s18+$0x200];
	_ =	sdelay $0x1  }
0x10b: {  	s12 =	sand.u32 $0xC, s21  }
0x10c: {  	v4 =	vmov s12  }
0x10d: {  	vm0 =	veq.s32 v4, v0  }
0x10e: {  	v3 =	vnsel vm0, $0x0, v3  }
0x10f: {  	(xrf2) =	vadd.scan.msk.f32 $0xffff, v3;
	_ =	sdelay $0x4  }
0x110: {  	v3 =	vld [tilespmem:s20+$0xFFFFFF60]  }
0x111: {  	v4 =	vld [tilespmem:s20+$0xFFFFFF50]  }
0x112: {  	v5 =	vld [tilespmem:s20+$0xFFFFFF20]  }
0x113: {  	v6 =	vld [tilespmem:s20+$0xFFFFFF10]  }
0x114: {  	v7 =	vld [tilespmem:s20+$0xFFFFFF30]  }
0x115: {  	v8 =	vld [tilespmem:s20+$0xFFFFFF00];
	v9, _, _ =	vpop (xrf2)  }
0x116: {  	v9 =	vbroadcast v9, $0xF;
	v10 =	vld [tilespmem:s20+$0xFFFFFF70]  }
0x117: {  	v11 =	vld [tilespmem:s20+$0xFFFFFF40]  }
0x118: {  	v6 =	vmul.f32 v9, v6;
	v5 =	vmul.f32 v5, v9  }
0x119: {  	v4 =	vmul.f32 v4, v9;
	v7 =	vmul.f32 v7, v9  }
0x11a: {  	v3 =	vmul.f32 v3, v9;
	v8 =	vmul.f32 v9, v8;
	[tilespmem:s20+$0xFFFFFF10] =	vst v6  }
0x11b: {  	[tilespmem:s20+$0xFFFFFF50] =	vst v4;
	v4 =	vmul.f32 v10, v9  }
0x11c: {  	[tilespmem:s20+$0xFFFFFF20] =	vst v5;
	v5 =	vmul.f32 v11, v9  }
0x11d: {  	[tilespmem:s20+$0xFFFFFF00] =	vst v8  }
0x11e: {  	[tilespmem:s20+$0xFFFFFF60] =	vst v3  }
0x11f: {  	[tilespmem:s20+$0xFFFFFF30] =	vst v7  }
0x120: {  	[tilespmem:s20+$0xFFFFFF70] =	vst v4  }
0x121: {  	[tilespmem:s20+$0xFFFFFF40] =	vst v5  }
0x122: {  	v4 =	vld [tilespmem:s18+$0x200]  }
0x123: {  	s12 =	sand.u32 $0xF, s21  }
0x124: {  	s21 =	sadd.s32 $0x1, s12;
	s24 =	sadd.s32 $0x2, s12;
	s12 =	sadd.s32 $0x3, s12  }
0x125: {  	v6 =	vmov s24;
	v3 =	vmov s12;
	v5 =	vmov s21  }
0x126: {  	vm0 =	veq.s32 v5, v0  }
0x127: {  	v4 =	vnsel vm0, $0x0, v4  }
0x128: {  	(xrf2) =	vadd.scan.msk.f32 $0xffff, v4;
	_ =	sdelay $0x3  }
0x129: {  	v4 =	vld [tilespmem:s20+$0xFFFFFFF0]  }
0x12a: {  	v5 =	vld [tilespmem:s20+$0xFFFFFFD0]  }
0x12b: {  	v7 =	vld [tilespmem:s20+$0xFFFFFFC0]  }
0x12c: {  	v8 =	vld [tilespmem:s20+$0xFFFFFFA0]  }
0x12d: {  	v9 =	vld [tilespmem:s20+$0xFFFFFF80]  }
0x12e: {  	v10 =	vld [tilespmem:s20+$0xFFFFFF90]  }
0x12f: {  	v11 =	vld [tilespmem:s20+$0xFFFFFFB0];
	v12, _, _ =	vpop (xrf2)  }
0x130: {  	v12 =	vbroadcast v12, $0xF;
	v13 =	vld [tilespmem:s20+$0xFFFFFFE0];
	_ =	sdelay $0x1  }
0x131: {  	v9 =	vmul.f32 v12, v9;
	v8 =	vmul.f32 v8, v12  }
0x132: {  	v7 =	vmul.f32 v7, v12;
	v10 =	vmul.f32 v12, v10  }
0x133: {  	v5 =	vmul.f32 v5, v12;
	[tilespmem:s20+$0xFFFFFF80] =	vst v9;
	v9 =	vmul.f32 v11, v12  }
0x134: {  	v4 =	vmul.f32 v4, v12;
	[tilespmem:s20+$0xFFFFFF90] =	vst v10;
	v10 =	vmul.f32 v13, v12  }
0x135: {  	[tilespmem:s20+$0xFFFFFFD0] =	vst v5  }
0x136: {  	[tilespmem:s20+$0xFFFFFFE0] =	vst v10  }
0x137: {  	[tilespmem:s20+$0xFFFFFFF0] =	vst v4  }
0x138: {  	[tilespmem:s20+$0xFFFFFFA0] =	vst v8  }
0x139: {  	[tilespmem:s20+$0xFFFFFFC0] =	vst v7  }
0x13a: {  	[tilespmem:s20+$0xFFFFFFB0] =	vst v9  }
0x13b: {  	v4 =	vld [tilespmem:s18+$0x200];
	_ =	sdelay $0x3  }
0x13c: {  	vm0 =	veq.s32 v6, v0  }
0x13d: {  	v4 =	vnsel vm0, $0x0, v4  }
0x13e: {  	(xrf2) =	vadd.scan.msk.f32 $0xffff, v4;
	_ =	sdelay $0x3  }
0x13f: {  	v6 =	vld [tilespmem:s20+$0x70]  }
0x140: {  	v5 =	vld [tilespmem:s20+$0x40]  }
0x141: {  	v7 =	vld [tilespmem:s20+$0x30]  }
0x142: {  	v4 =	vld [tilespmem:s20+$0x60]  }
0x143: {  	v8 =	vld [tilespmem:s20+$0x0]  }
0x144: {  	v9 =	vld [tilespmem:s20+$0x20]  }
0x145: {  	v10 =	vld [tilespmem:s20+$0x50];
	v11, _, _ =	vpop (xrf2)  }
0x146: {  	v11 =	vbroadcast v11, $0xF;
	v12 =	vld [tilespmem:s20+$0x10];
	_ =	sdelay $0x1  }
0x147: {  	v8 =	vmul.f32 v11, v8;
	v13 =	vmul.f32 v4, v11  }
0x148: {  	v7 =	vmul.f32 v7, v11;
	v4 =	vmul.f32 v9, v11  }
0x149: {  	[tilespmem:s20+$0x0] =	vst v8;
	v8 =	vmul.f32 v5, v11;
	v5 =	vmul.f32 v10, v11  }
.Ltmp0:
0x14a: {  	v6 =	vmul.f32 v6, v11;
	v9 =	vmul.f32 v11, v12;
	[tilespmem:s20+$0x30] =	vst v7;
	(pc) =	sbr.rel @p4 .LBB2_3-.Ltmp0, $4  }
0x14b: {  	[tilespmem:s20+$0x40] =	vst v8  }
0x14c: {  	[tilespmem:s20+$0x10] =	vst v9  }
0x14d: {  	[tilespmem:s20+$0x60] =	vst v13  }
0x14e: {  	[tilespmem:s20+$0x70] =	vst v6  }
0x14f: {  	[tilespmem:s15+$0x20] =	vst v4  }
0x150: {  	[tilespmem:s15+$0x50] =	vst v5  }
0x151: {  	v4 =	vld [tilespmem:s18+$0x200];
	_ =	sdelay $0x3  }
0x152: {  	vm0 =	veq.s32 v3, v0  }
0x153: {  	v3 =	vnsel vm0, $0x0, v4  }
0x154: {  	(xrf2) =	vadd.scan.msk.f32 $0xffff, v3;
	_ =	sdelay $0x7  }
0x155: {  	v58 =	vld [tilespmem:s15+$0x80]  }
0x156: {  	v59 =	vld [tilespmem:s15+$0xA0]  }
0x157: {  	v6 =	vld [tilespmem:s15+$0xB0];
	v7, _, _ =	vpop (xrf2)  }
0x158: {  	v8 =	vld [tilespmem:s15+$0xC0];
	v7 =	vbroadcast v7, $0xF  }
0x159: {  	v9 =	vld [tilespmem:s15+$0xD0]  }
0x15a: {  	v3 =	vld [tilespmem:s15+$0xE0];
	v4 =	vmul.f32 v7, v58  }
0x15b: {  	v11 =	vld [tilespmem:s15+$0xF0];
	v5 =	vmul.f32 v59, v7  }
0x15c: {  	v10 =	vld [tilespmem:s15+$0x90];
	v6 =	vmul.f32 v6, v7;
	[tilespmem:s15+$0x80] =	vst v4  }
0x15d: {  	v60 =	vmul.f32 v8, v7;
	[tilespmem:s15+$0xA0] =	vst v5  }
0x15e: {  	v61 =	vmul.f32 v9, v7;
	[tilespmem:s15+$0xB0] =	vst v6  }
0x15f: {  	v3 =	vmul.f32 v3, v7;
	[tilespmem:s15+$0xC0] =	vst v60  }
0x160: {  	v62 =	vmul.f32 v11, v7;
	[tilespmem:s15+$0xD0] =	vst v61  }
0x161: {  	v63 =	vmul.f32 v7, v10;
	[tilespmem:s15+$0xE0] =	vst v3  }
0x162: {  	[tilespmem:s15+$0xF0] =	vst v62  }
0x163: {  	[tilespmem:s15+$0x90] =	vst v63  }
0x164: {  	[spmem:s2] =	stream.indirect.scatter.add.f32 [tilespmem:s26], [sflag:$0x3], $0x80, s23, s23, $0xb8;
	[tilespmem:$0x1EBF8] =	vst v63  }
0x165: {  	_ =	swait.ge [sflag:s22], $0x4000  }
0x166: {  	p4 =	seq.s32 s14, $0x50;
	[sflag:s22] =	ssyncset.done $0x0  }
.Ltmp1:
0x167: {  	[sflag:s22] =	ssyncadd.s32 $0xFFFFC000;
	(pc) =	sbr.rel @p4 .LBB2_6-.Ltmp1, $4  }
0x168: {  	[spmem:s3] =	stream.indirect.scatter.add.f32 [tilespmem:s9], [sflag:$0x3], $0x1, s23, s23, $0xb8;
	[tilespmem:$0x1EBF8] =	vst v63  }
0x169: {  	_ =	swait.ge [sflag:s22], $0x80  }
0x16a: {  	[sflag:s22] =	ssyncset.done $0x0  }
0x16b: {  	[sflag:s22] =	ssyncadd.s32 $0xFFFFFF80  }
0x16c: {  	s12 =	sadd.s32 $0x2, s17  }
0x16d: {  	s15 =	sadd.s32 s16, s12  }
0x16e: {  	s15 =	sshll.u32 s15, $0x4  }
0x16f: {  	s15 =	sand.u32 $0x1FFFFFE0, s15  }
0x170: {  	s20 =	sadd.s32 s7, s15  }
0x171: {  	[tilespmem:s6], [sflag:$0x3] =	stream.linear.gather [hbm4b:s20+s6], $0x80, $0x38;
	[tilespmem:$0x1EBF8] =	vst v63  }
0x172: {  	_ =	swait.ge [sflag:s22], $0x80  }
0x173: {  	[sflag:s22] =	ssyncset.done $0x0  }
0x174: {  	s15 =	sadd.s32 s8, s15;
	[sflag:s22] =	ssyncadd.s32 $0xFFFFFF80  }
0x175: {  	[tilespmem:s23], [sflag:$0x3] =	stream.linear.gather [hbm4b:s15+s6], $0x80, $0x38;
	[tilespmem:$0x1EBF8] =	vst v63  }
0x176: {  	_ =	swait.ge [sflag:s22], $0x80  }
0x177: {  	[sflag:s22] =	ssyncset.done $0x0  }
0x178: {  	s21 =	simm.s32 $0x100;
	[sflag:s22] =	ssyncadd.s32 $0xFFFFFF80  }
0x179: {  	[tilespmem:s21], [sflag:$0x3] =	stream.indirect.gather [spmem:s4], $0x1, s6, s23, $0xb8;
	[tilespmem:$0x1EBF8] =	vst v63  }
0x17a: {  	_ =	swait.ge [sflag:s22], $0x80  }
0x17b: {  	[sflag:s22] =	ssyncset.done $0x0  }
0x17c: {  	[sflag:s22] =	ssyncadd.s32 $0xFFFFFF80  }
0x17d: {  	[tilespmem:s25], [sflag:$0x3] =	stream.indirect.gather [spmem:s5], $0x1, s23, s23, $0xb8;
	[tilespmem:$0x1EBF8] =	vst v63  }
0x17e: {  	_ =	swait.ge [sflag:s22], $0x80  }
0x17f: {  	[sflag:s22] =	ssyncset.done $0x0  }
0x180: {  	[sflag:s22] =	ssyncadd.s32 $0xFFFFFF80  }
0x181: {  	v3 =	vld [tilespmem:$0x100]  }
0x182: {  	v4 =	vld [tilespmem:$0x180];
	_ =	sdelay $0x2  }
0x183: {  	v5 =	vld [tilespmem:$0x110]  }
0x184: {  	v29 =	vld [tilespmem:$0x190]  }
0x185: {  	v6 =	vld [tilespmem:$0x120];
	v3 =	vadd.f32 v4, v3  }
0x186: {  	v8 =	vld [tilespmem:$0x1A0]  }
0x187: {  	v9 =	vld [tilespmem:$0x130];
	v7 =	vmul.f32 $2.000000030e-01, v3  }
0x188: {  	v31 =	vld [tilespmem:$0x140];
	vm0 =	vge.f32 v3, $0.0e+00  }
0x189: {  	v10 =	vld [tilespmem:$0x1C0];
	v3 =	vsel vm0, v3, v7  }
0x18a: {  	v30 =	vld [tilespmem:$0x1B0];
	v4 =	vadd.f32 v29, v5;
	v3 =	vmul.f32 $1.442695020e+00, v3  }
0x18b: {  	v32 =	vld [tilespmem:$0x150]  }
0x18c: {  	v33 =	vld [tilespmem:$0x1D0];
	(erf) = vpow2.f32 v3;
	v3 =	vmul.f32 $2.000000030e-01, v4  }
0x18d: {  	v34 =	vld [tilespmem:$0x160];
	v6 =	vadd.f32 v8, v6;
	vm14 =	vge.f32 v4, $0.0e+00  }
0x18e: {  	v36 =	vld [tilespmem:$0x1E0];
	v5 =	vadd.f32 v10, v31;
	v3 =	vsel vm14, v4, v3  }
0x18f: {  	v11 =	vmul.f32 $2.000000030e-01, v6;
	v3 =	vmul.f32 $1.442695020e+00, v3  }
0x190: {  	vm15 =	vge.f32 v6, $0.0e+00;
	v37 =	vmul.f32 $2.000000030e-01, v5;
	v7 =	vadd.f32 v30, v9  }
0x191: {  	v12 =	vld [tilespmem:$0x170];
	vm5 =	vge.f32 v5, $0.0e+00;
	(erf) = vpow2.f32 v3;
	v3 =	vsel vm15, v6, v11  }
0x192: {  	v38 =	vld [tilespmem:$0x1F0];
	v5 =	vsel vm5, v5, v37;
	v35 =	vmul.f32 $2.000000030e-01, v7;
	v3 =	vmul.f32 $1.442695020e+00, v3  }
0x193: {  	s24 =	sshll.u32 s12, $0x7;
	v9 =	vadd.f32 v36, v34;
	vm4 =	vge.f32 v7, $0.0e+00;
	v4 =	vadd.f32 v33, v32  }
0x194: {  	v6 =	vsel vm4, v7, v35;
	(erf) = vpow2.f32 v3;
	v3 =	vmov s24  }
0x195: {  	v40 =	vmul.f32 $2.000000030e-01, v4;
	vm6 =	vlt.u32 v3, v2;
	v3 =	vmul.f32 $1.442695020e+00, v6  }
0x196: {  	v5 =	vmul.f32 $1.442695020e+00, v5;
	v10 =	vmul.f32 $2.000000030e-01, v9;
	vm7 =	vge.f32 v4, $0.0e+00  }
0x197: {  	v7 =	vadd.f32 v38, v12;
	v4 =	vsel vm7, v4, v40;
	v39 =	vpop (erf);
	(erf) = vpow2.f32 v3;
	v3 =	vld [tilespmem:$0x0]  }
0x198: {  	v42 =	vld [tilespmem:$0x10];
	vm8 =	vge.f32 v9, $0.0e+00;
	v4 =	vmul.f32 $1.442695020e+00, v4  }
0x199: {  	s12 =	sor.u32 $0x10, s24;
	v43 =	vsel vm8, v9, v10;
	v44 =	vmul.f32 $2.000000030e-01, v7;
	(erf) = vpow2.f32 v5  }
0x19a: {  	v41 =	vmov s12;
	vm9 =	vge.f32 v7, $0.0e+00;
	v6 =	vmul.f32 $1.442695020e+00, v43  }
0x19b: {  	v46 =	vld [tilespmem:$0x20];
	v7 =	vsel vm9, v7, v44;
	v8 =	vnsel vm6, $0x0, v39;
	v45 =	vpop (erf);
	(erf) = vpow2.f32 v4  }
0x19c: {  	s17 =	sor.u32 $0x20, s24;
	vm1 =	vlt.u32 v41, v2;
	v7 =	vmul.f32 $1.442695020e+00, v7;
	[tilespmem:$0x200] =	vst v8;
	v3 =	vadd.s32 v1, v3  }
0x19d: {  	v48 =	vld [tilespmem:$0x30];
	v5 =	vadd.s32 v1, v42;
	(erf) = vpow2.f32 v6;
	[tilespmem:$0x0] =	vst v3;
	v3 =	vmov s17  }
0x19e: {  	s18 =	sor.u32 $0x30, s24;
	[tilespmem:$0x10] =	vst v5;
	v47 =	vnsel vm1, $0x0, v45;
	v49 =	vpop (erf);
	vm10 =	vlt.u32 v3, v2  }
0x19f: {  	v50 =	vmov s18;
	v51 =	vld [tilespmem:$0x40];
	[tilespmem:$0x210] =	vst v47;
	(erf) = vpow2.f32 v7;
	v3 =	vnsel vm10, $0x0, v49  }
0x1a0: {  	s19 =	sor.u32 $0x40, s24;
	vm11 =	vlt.u32 v50, v2;
	v52 =	vpop (erf);
	[tilespmem:$0x220] =	vst v3;
	v3 =	vadd.s32 v1, v46  }
0x1a1: {  	v53 =	vmov s19;
	v54 =	vld [tilespmem:$0x50];
	[tilespmem:$0x20] =	vst v3;
	v3 =	vnsel vm11, $0x0, v52  }
0x1a2: {  	vm12 =	vlt.u32 v53, v2;
	s20 =	sor.u32 $0x50, s24;
	v55 =	vpop (erf);
	[tilespmem:$0x230] =	vst v3;
	v3 =	vadd.s32 v1, v48  }
0x1a3: {  	v56 =	vmov s20;
	v57 =	vld [tilespmem:$0x60];
	[tilespmem:$0x30] =	vst v3;
	v3 =	vnsel vm12, $0x0, v55  }
0x1a4: {  	vm13 =	vlt.u32 v56, v2;
	s21 =	sor.u32 $0x60, s24;
	v58 =	vpop (erf);
	[tilespmem:$0x240] =	vst v3;
	v3 =	vadd.s32 v1, v51  }
0x1a5: {  	v59 =	vmov s21;
	v60 =	vld [tilespmem:$0x70];
	[tilespmem:$0x40] =	vst v3;
	v3 =	vnsel vm13, $0x0, v58  }
0x1a6: {  	vm14 =	vlt.u32 v59, v2;
	s24 =	sor.u32 $0x70, s24;
	v61 =	vpop (erf);
	[tilespmem:$0x250] =	vst v3;
	v3 =	vadd.s32 v1, v54  }
0x1a7: {  	v62 =	vmov s24;
	[tilespmem:$0x50] =	vst v3;
	v3 =	vnsel vm14, $0x0, v61  }
0x1a8: {  	vm15 =	vlt.u32 v62, v2;
	v63 =	vpop (erf);
	[tilespmem:$0x260] =	vst v3;
	v3 =	vadd.s32 v1, v57  }
0x1a9: {  	[tilespmem:$0x60] =	vst v3;
	v3 =	vnsel vm15, $0x0, v63  }
0x1aa: {  	[tilespmem:$0x270] =	vst v3;
	v3 =	vadd.s32 v1, v60  }
0x1ab: {  	[tilespmem:$0x70] =	vst v3  }
0x1ac: {  	[tilespmem:s26], [sflag:$0x1] =	stream.indirect.gather [hbm4b:s0+s23], $0x80, s6, s23, $0xb8;
	[tilespmem:$0x1EBF8] =	vst v63  }
.LBB2_6:
0x1ad: {  	_ =	swait.ge [sflag:s10], $0x4000  }
0x1ae: {  	s12 =	simm.s32 $0x0;
	[sflag:s10] =	ssyncset.done $0x0  }
0x1af: {  	s17 =	sand.u32 $0x70, s12;
	[sflag:s10] =	ssyncadd.s32 $0xFFFFC000  }
0x1b0: {  	v3 =	vld [tilespmem:s17+$0x4480];
	_ =	sdelay $0x1  }
0x1b1: {  	s15 =	sand.u32 $0xC, s12  }
0x1b2: {  	v4 =	vmov s15  }
0x1b3: {  	vm0 =	veq.s32 v4, v0  }
0x1b4: {  	v3 =	vnsel vm0, $0x0, v3  }
0x1b5: {  	(xrf2) =	vadd.scan.msk.f32 $0xffff, v3;
	_ =	sdelay $0x6  }
0x1b6: {  	s15 =	simm.s32 $0x4600  }
0x1b7: {  	v4 =	vld [tilespmem:s15+$0xFFFFFF10]  }
0x1b8: {  	v5 =	vld [tilespmem:s15+$0xFFFFFF50]  }
0x1b9: {  	v6 =	vld [tilespmem:s15+$0xFFFFFF20];
	v7, _, _ =	vpop (xrf2)  }
0x1ba: {  	v3 =	vld [tilespmem:s15+$0xFFFFFF60];
	v7 =	vbroadcast v7, $0xF  }
0x1bb: {  	v8 =	vld [tilespmem:s15+$0xFFFFFF00]  }
0x1bc: {  	v9 =	vld [tilespmem:s15+$0xFFFFFF30];
	v4 =	vmul.f32 v7, v4  }
0x1bd: {  	v11 =	vld [tilespmem:s15+$0xFFFFFF40];
	v5 =	vmul.f32 v5, v7  }
0x1be: {  	v10 =	vld [tilespmem:s15+$0xFFFFFF70];
	v6 =	vmul.f32 v6, v7;
	[tilespmem:s15+$0xFFFFFF10] =	vst v4  }
0x1bf: {  	v3 =	vmul.f32 v3, v7;
	[tilespmem:s15+$0xFFFFFF50] =	vst v5  }
0x1c0: {  	v4 =	vmul.f32 v7, v8;
	[tilespmem:s15+$0xFFFFFF20] =	vst v6  }
0x1c1: {  	v5 =	vmul.f32 v9, v7;
	[tilespmem:s15+$0xFFFFFF60] =	vst v3  }
0x1c2: {  	v3 =	vmul.f32 v11, v7;
	[tilespmem:s15+$0xFFFFFF00] =	vst v4  }
0x1c3: {  	v4 =	vmul.f32 v10, v7;
	[tilespmem:s15+$0xFFFFFF30] =	vst v5  }
0x1c4: {  	[tilespmem:s15+$0xFFFFFF40] =	vst v3  }
0x1c5: {  	[tilespmem:s15+$0xFFFFFF70] =	vst v4  }
0x1c6: {  	v3 =	vld [tilespmem:s17+$0x4480]  }
0x1c7: {  	s12 =	sand.u32 $0xF, s12  }
0x1c8: {  	s18 =	sadd.s32 $0x1, s12  }
0x1c9: {  	v4 =	vmov s18  }
0x1ca: {  	vm14 =	veq.s32 v4, v0  }
0x1cb: {  	v3 =	vnsel vm14, $0x0, v3  }
0x1cc: {  	(xrf2) =	vadd.scan.msk.f32 $0xffff, v3;
	_ =	sdelay $0x7  }
0x1cd: {  	v4 =	vld [tilespmem:s15+$0xFFFFFF80]  }
0x1ce: {  	v5 =	vld [tilespmem:s15+$0xFFFFFF90]  }
0x1cf: {  	v3 =	vld [tilespmem:s15+$0xFFFFFFF0];
	v7, _, _ =	vpop (xrf2)  }
0x1d0: {  	v6 =	vld [tilespmem:s15+$0xFFFFFFD0];
	v7 =	vbroadcast v7, $0xF  }
0x1d1: {  	v56 =	vld [tilespmem:s15+$0xFFFFFFE0]  }
0x1d2: {  	v59 =	vld [tilespmem:s15+$0xFFFFFFB0];
	v4 =	vmul.f32 v7, v4  }
0x1d3: {  	v58 =	vld [tilespmem:s15+$0xFFFFFFA0];
	v5 =	vmul.f32 v7, v5  }
0x1d4: {  	v57 =	vld [tilespmem:s15+$0xFFFFFFC0];
	v3 =	vmul.f32 v3, v7;
	[tilespmem:s15+$0xFFFFFF80] =	vst v4  }
0x1d5: {  	v4 =	vmul.f32 v6, v7;
	[tilespmem:s15+$0xFFFFFF90] =	vst v5  }
0x1d6: {  	v5 =	vmul.f32 v56, v7;
	[tilespmem:s15+$0xFFFFFFF0] =	vst v3  }
0x1d7: {  	v3 =	vmul.f32 v59, v7;
	[tilespmem:s15+$0xFFFFFFD0] =	vst v4  }
0x1d8: {  	v4 =	vmul.f32 v58, v7;
	[tilespmem:s15+$0xFFFFFFE0] =	vst v5  }
0x1d9: {  	v5 =	vmul.f32 v57, v7;
	[tilespmem:s15+$0xFFFFFFB0] =	vst v3  }
0x1da: {  	[tilespmem:s15+$0xFFFFFFA0] =	vst v4  }
0x1db: {  	[tilespmem:s15+$0xFFFFFFC0] =	vst v5  }
0x1dc: {  	v3 =	vld [tilespmem:s17+$0x4480];
	_ =	sdelay $0x1  }
0x1dd: {  	s24 =	sadd.s32 $0x2, s12  }
0x1de: {  	v4 =	vmov s24  }
0x1df: {  	vm15 =	veq.s32 v4, v0  }
0x1e0: {  	v3 =	vnsel vm15, $0x0, v3  }
0x1e1: {  	(xrf2) =	vadd.scan.msk.f32 $0xffff, v3;
	_ =	sdelay $0x7  }
0x1e2: {  	v3 =	vld [tilespmem:s15+$0x0]  }
0x1e3: {  	v4 =	vld [tilespmem:s15+$0x30]  }
0x1e4: {  	v5 =	vld [tilespmem:s15+$0x40];
	v6, _, _ =	vpop (xrf2)  }
0x1e5: {  	v7 =	vld [tilespmem:s15+$0x10];
	v6 =	vbroadcast v6, $0xF  }
0x1e6: {  	v60 =	vld [tilespmem:s15+$0x60]  }
0x1e7: {  	v61 =	vld [tilespmem:s15+$0x70];
	v3 =	vmul.f32 v6, v3  }
0x1e8: {  	v62 =	vld [tilespmem:s15+$0x20];
	v4 =	vmul.f32 v4, v6  }
0x1e9: {  	v63 =	vld [tilespmem:s15+$0x50];
	[tilespmem:s15+$0x0] =	vst v3;
	v3 =	vmul.f32 v5, v6  }
0x1ea: {  	v5 =	vmul.f32 v6, v7;
	[tilespmem:s15+$0x30] =	vst v4  }
0x1eb: {  	v4 =	vmul.f32 v60, v6;
	[tilespmem:s15+$0x40] =	vst v3  }
0x1ec: {  	v7 =	vmul.f32 v61, v6;
	[tilespmem:s15+$0x10] =	vst v5  }
0x1ed: {  	s12 =	sadd.s32 $0x3, s12;
	[tilespmem:s15+$0x60] =	vst v4  }
0x1ee: {  	s14 =	sadd.s32 $0x1, s14;
	s19 =	simm.s32 $0x4600;
	s18 =	simm.s32 $0x4;
	v3 =	vmov s12;
	v4 =	vmul.f32 v62, v6;
	v5 =	vmul.f32 v63, v6;
	[tilespmem:s15+$0x70] =	vst v7  }
.LBB2_7:
0x1ef: {  	p4 =	slt.u32 s18, $0x7C  }
0x1f0: {  	[tilespmem:s15+$0x20] =	vst v4;
	s19 =	sadd.s32 $0x200, s19;
	s20 =	smov.u32 s18;
	s18 =	sadd.s32 $0x4, s18  }
0x1f1: {  	[tilespmem:s15+$0x50] =	vst v5  }
0x1f2: {  	v4 =	vld [tilespmem:s17+$0x4480];
	_ =	sdelay $0x3  }
0x1f3: {  	vm0 =	veq.s32 v3, v0  }
0x1f4: {  	v3 =	vnsel vm0, $0x0, v4  }
0x1f5: {  	(xrf2) =	vadd.scan.msk.f32 $0xffff, v3;
	_ =	sdelay $0x3  }
0x1f6: {  	v3 =	vld [tilespmem:s15+$0xE0]  }
0x1f7: {  	v4 =	vld [tilespmem:s15+$0xD0]  }
0x1f8: {  	v5 =	vld [tilespmem:s15+$0xB0]  }
0x1f9: {  	v6 =	vld [tilespmem:s15+$0x80]  }
0x1fa: {  	v7 =	vld [tilespmem:s15+$0x90]  }
0x1fb: {  	v8 =	vld [tilespmem:s15+$0xA0]  }
0x1fc: {  	v9 =	vld [tilespmem:s15+$0xC0];
	v10, _, _ =	vpop (xrf2)  }
0x1fd: {  	v10 =	vbroadcast v10, $0xF;
	v11 =	vld [tilespmem:s15+$0xF0];
	_ =	sdelay $0x1  }
0x1fe: {  	v6 =	vmul.f32 v10, v6;
	v7 =	vmul.f32 v10, v7  }
0x1ff: {  	v5 =	vmul.f32 v5, v10;
	v8 =	vmul.f32 v8, v10  }
0x200: {  	v4 =	vmul.f32 v4, v10;
	[tilespmem:s15+$0x80] =	vst v6;
	v6 =	vmul.f32 v9, v10  }
0x201: {  	v3 =	vmul.f32 v3, v10;
	[tilespmem:s15+$0xA0] =	vst v8;
	v8 =	vmul.f32 v11, v10  }
0x202: {  	[tilespmem:s15+$0xB0] =	vst v5  }
0x203: {  	[tilespmem:s15+$0xC0] =	vst v6  }
0x204: {  	[tilespmem:s15+$0xD0] =	vst v4  }
0x205: {  	s17 =	sand.u32 $0x70, s20;
	[tilespmem:s15+$0xE0] =	vst v3  }
0x206: {  	[tilespmem:s15+$0xF0] =	vst v8  }
0x207: {  	[tilespmem:s15+$0x90] =	vst v7;
	s15 =	smov.u32 s19  }
0x208: {  	v3 =	vld [tilespmem:s17+$0x4480];
	_ =	sdelay $0x1  }
0x209: {  	s12 =	sand.u32 $0xC, s20  }
0x20a: {  	v4 =	vmov s12  }
0x20b: {  	vm0 =	veq.s32 v4, v0  }
0x20c: {  	v3 =	vnsel vm0, $0x0, v3  }
0x20d: {  	(xrf2) =	vadd.scan.msk.f32 $0xffff, v3;
	_ =	sdelay $0x4  }
0x20e: {  	v3 =	vld [tilespmem:s19+$0xFFFFFF60]  }
0x20f: {  	v4 =	vld [tilespmem:s19+$0xFFFFFF50]  }
0x210: {  	v5 =	vld [tilespmem:s19+$0xFFFFFF20]  }
0x211: {  	v6 =	vld [tilespmem:s19+$0xFFFFFF10]  }
0x212: {  	v7 =	vld [tilespmem:s19+$0xFFFFFF30]  }
0x213: {  	v8 =	vld [tilespmem:s19+$0xFFFFFF00];
	v9, _, _ =	vpop (xrf2)  }
0x214: {  	v9 =	vbroadcast v9, $0xF;
	v10 =	vld [tilespmem:s19+$0xFFFFFF70]  }
0x215: {  	v11 =	vld [tilespmem:s19+$0xFFFFFF40]  }
0x216: {  	v6 =	vmul.f32 v9, v6;
	v5 =	vmul.f32 v5, v9  }
0x217: {  	v4 =	vmul.f32 v4, v9;
	v7 =	vmul.f32 v7, v9  }
0x218: {  	v3 =	vmul.f32 v3, v9;
	v8 =	vmul.f32 v9, v8;
	[tilespmem:s19+$0xFFFFFF10] =	vst v6  }
0x219: {  	[tilespmem:s19+$0xFFFFFF50] =	vst v4;
	v4 =	vmul.f32 v10, v9  }
0x21a: {  	[tilespmem:s19+$0xFFFFFF20] =	vst v5;
	v5 =	vmul.f32 v11, v9  }
0x21b: {  	[tilespmem:s19+$0xFFFFFF00] =	vst v8  }
0x21c: {  	[tilespmem:s19+$0xFFFFFF60] =	vst v3  }
0x21d: {  	[tilespmem:s19+$0xFFFFFF30] =	vst v7  }
0x21e: {  	[tilespmem:s19+$0xFFFFFF70] =	vst v4  }
0x21f: {  	[tilespmem:s19+$0xFFFFFF40] =	vst v5  }
0x220: {  	v4 =	vld [tilespmem:s17+$0x4480]  }
0x221: {  	s12 =	sand.u32 $0xF, s20  }
0x222: {  	s20 =	sadd.s32 $0x1, s12;
	s21 =	sadd.s32 $0x2, s12;
	s12 =	sadd.s32 $0x3, s12  }
0x223: {  	v6 =	vmov s21;
	v3 =	vmov s12;
	v5 =	vmov s20  }
0x224: {  	vm0 =	veq.s32 v5, v0  }
0x225: {  	v4 =	vnsel vm0, $0x0, v4  }
0x226: {  	(xrf2) =	vadd.scan.msk.f32 $0xffff, v4;
	_ =	sdelay $0x3  }
0x227: {  	v4 =	vld [tilespmem:s19+$0xFFFFFFF0]  }
0x228: {  	v5 =	vld [tilespmem:s19+$0xFFFFFFD0]  }
0x229: {  	v7 =	vld [tilespmem:s19+$0xFFFFFFC0]  }
0x22a: {  	v8 =	vld [tilespmem:s19+$0xFFFFFFA0]  }
0x22b: {  	v9 =	vld [tilespmem:s19+$0xFFFFFF80]  }
0x22c: {  	v10 =	vld [tilespmem:s19+$0xFFFFFF90]  }
0x22d: {  	v11 =	vld [tilespmem:s19+$0xFFFFFFB0];
	v12, _, _ =	vpop (xrf2)  }
0x22e: {  	v12 =	vbroadcast v12, $0xF;
	v13 =	vld [tilespmem:s19+$0xFFFFFFE0];
	_ =	sdelay $0x1  }
0x22f: {  	v9 =	vmul.f32 v12, v9;
	v8 =	vmul.f32 v8, v12  }
0x230: {  	v7 =	vmul.f32 v7, v12;
	v10 =	vmul.f32 v12, v10  }
0x231: {  	v5 =	vmul.f32 v5, v12;
	[tilespmem:s19+$0xFFFFFF80] =	vst v9;
	v9 =	vmul.f32 v11, v12  }
0x232: {  	v4 =	vmul.f32 v4, v12;
	[tilespmem:s19+$0xFFFFFF90] =	vst v10;
	v10 =	vmul.f32 v13, v12  }
0x233: {  	[tilespmem:s19+$0xFFFFFFD0] =	vst v5  }
0x234: {  	[tilespmem:s19+$0xFFFFFFE0] =	vst v10  }
0x235: {  	[tilespmem:s19+$0xFFFFFFF0] =	vst v4  }
0x236: {  	[tilespmem:s19+$0xFFFFFFA0] =	vst v8  }
0x237: {  	[tilespmem:s19+$0xFFFFFFC0] =	vst v7  }
0x238: {  	[tilespmem:s19+$0xFFFFFFB0] =	vst v9  }
0x239: {  	v4 =	vld [tilespmem:s17+$0x4480];
	_ =	sdelay $0x3  }
0x23a: {  	vm0 =	veq.s32 v6, v0  }
0x23b: {  	v4 =	vnsel vm0, $0x0, v4  }
0x23c: {  	(xrf2) =	vadd.scan.msk.f32 $0xffff, v4;
	_ =	sdelay $0x3  }
0x23d: {  	v6 =	vld [tilespmem:s19+$0x70]  }
0x23e: {  	v5 =	vld [tilespmem:s19+$0x40]  }
0x23f: {  	v7 =	vld [tilespmem:s19+$0x30]  }
0x240: {  	v4 =	vld [tilespmem:s19+$0x60]  }
0x241: {  	v8 =	vld [tilespmem:s19+$0x0]  }
0x242: {  	v9 =	vld [tilespmem:s19+$0x20]  }
0x243: {  	v10 =	vld [tilespmem:s19+$0x50];
	v11, _, _ =	vpop (xrf2)  }
0x244: {  	v11 =	vbroadcast v11, $0xF;
	v12 =	vld [tilespmem:s19+$0x10];
	_ =	sdelay $0x1  }
0x245: {  	v8 =	vmul.f32 v11, v8;
	v13 =	vmul.f32 v4, v11  }
0x246: {  	v7 =	vmul.f32 v7, v11;
	v4 =	vmul.f32 v9, v11  }
0x247: {  	[tilespmem:s19+$0x0] =	vst v8;
	v8 =	vmul.f32 v5, v11;
	v5 =	vmul.f32 v10, v11  }
.Ltmp2:
0x248: {  	v6 =	vmul.f32 v6, v11;
	v9 =	vmul.f32 v11, v12;
	[tilespmem:s19+$0x30] =	vst v7;
	(pc) =	sbr.rel @p4 .LBB2_7-.Ltmp2, $4  }
0x249: {  	[tilespmem:s19+$0x40] =	vst v8  }
0x24a: {  	[tilespmem:s19+$0x10] =	vst v9  }
0x24b: {  	[tilespmem:s19+$0x60] =	vst v13  }
0x24c: {  	[tilespmem:s19+$0x70] =	vst v6  }
0x24d: {  	[tilespmem:s15+$0x20] =	vst v4  }
0x24e: {  	[tilespmem:s15+$0x50] =	vst v5  }
0x24f: {  	v4 =	vld [tilespmem:s17+$0x4480];
	_ =	sdelay $0x3  }
0x250: {  	vm0 =	veq.s32 v3, v0  }
0x251: {  	v3 =	vnsel vm0, $0x0, v4  }
0x252: {  	(xrf2) =	vadd.scan.msk.f32 $0xffff, v3;
	_ =	sdelay $0x7  }
0x253: {  	v58 =	vld [tilespmem:s15+$0x80]  }
0x254: {  	v59 =	vld [tilespmem:s15+$0xA0]  }
0x255: {  	v6 =	vld [tilespmem:s15+$0xB0];
	v7, _, _ =	vpop (xrf2)  }
0x256: {  	v8 =	vld [tilespmem:s15+$0xC0];
	v7 =	vbroadcast v7, $0xF  }
0x257: {  	v9 =	vld [tilespmem:s15+$0xD0]  }
0x258: {  	v3 =	vld [tilespmem:s15+$0xE0];
	v4 =	vmul.f32 v7, v58  }
0x259: {  	v11 =	vld [tilespmem:s15+$0xF0];
	v5 =	vmul.f32 v59, v7  }
0x25a: {  	v10 =	vld [tilespmem:s15+$0x90];
	v6 =	vmul.f32 v6, v7;
	[tilespmem:s15+$0x80] =	vst v4  }
0x25b: {  	v60 =	vmul.f32 v8, v7;
	[tilespmem:s15+$0xA0] =	vst v5  }
0x25c: {  	v61 =	vmul.f32 v9, v7;
	[tilespmem:s15+$0xB0] =	vst v6  }
0x25d: {  	v3 =	vmul.f32 v3, v7;
	[tilespmem:s15+$0xC0] =	vst v60  }
0x25e: {  	v62 =	vmul.f32 v11, v7;
	[tilespmem:s15+$0xD0] =	vst v61  }
0x25f: {  	v63 =	vmul.f32 v7, v10;
	[tilespmem:s15+$0xE0] =	vst v3  }
0x260: {  	[tilespmem:s15+$0xF0] =	vst v62  }
0x261: {  	[tilespmem:s15+$0x90] =	vst v63  }
0x262: {  	[spmem:s2] =	stream.indirect.scatter.add.f32 [tilespmem:s1], [sflag:$0x3], $0x80, s29, s23, $0xb8;
	[tilespmem:$0x1EBF8] =	vst v63  }
0x263: {  	_ =	swait.ge [sflag:s22], $0x4000  }
0x264: {  	p4 =	sne.s32 s14, $0x51;
	[sflag:s22] =	ssyncset.done $0x0  }
.Ltmp3:
0x265: {  	[sflag:s22] =	ssyncadd.s32 $0xFFFFC000;
	(pc) =	sbr.rel @p4 .LBB2_2-.Ltmp3, $4  }
0x266: {  	[spmem:s3] =	stream.indirect.scatter.add.f32 [tilespmem:s11], [sflag:$0x3], $0x1, s29, s23, $0xb8;
	[tilespmem:$0x1EBF8] =	vst v63  }
0x267: {  	_ =	swait.ge [sflag:s22], $0x80  }
0x268: {  	[sflag:s22] =	ssyncset.done $0x0  }
0x269: {  	[sflag:s22] =	ssyncadd.s32 $0xFFFFFF80  }
0x26a: {  	s12 =	stileid.u32  }
0x26b: {  	[bflag:$0x0] =	sbarrier.arrive $0xFFFF;
	s12 =	sshll.u32 @!p2 s12, $0x6  }
0x26c: {  	s14 =	sshrl.u32 @!p2 s2, $0x3;
	s15 =	rddreg [dreg:$0x9];
	s12 =	sor.u32 @!p2 $0x1C03, s12  }
0x26d: {  	[hbm:s15], [sflag:s12] =	dma.local @!p2 [spmem:s14], $0x27100  }
0x26e: {  	s12 =	simm.s32 @!p2 $0x3  }
0x26f: {  	_ =	swait.ge @!p2 [sflag:s12], $0x27100  }
0x270: {  	[sflag:s12] =	ssyncset.done @!p2 $0x0  }
0x271: {  	s14 =	simm.s32 @!p3 $0x3;
	[sflag:s12] =	ssyncadd.s32 @!p2 $0xFFFD8F00;
	s12 =	simm.s32 @!p3 $0x8500  }
0x272: {  	[tilespmem:s12], [sflag:$0x3] =	stream.linear.gather @!p3 [spmem:s3], $0x2710, $0x38;
	[tilespmem:$0x1EBF8] =	vst v63  }
0x273: {  	_ =	swait.ge @!p3 [sflag:s14], $0x2710  }
0x274: {  	[sflag:s14] =	ssyncset.done @!p3 $0x0  }
0x275: {  	s15 =	simm.s32 @!p3 $0x0;
	s17 =	rddreg [dreg:$0xf];
	[sflag:s14] =	ssyncadd.s32 @!p3 $0xFFFFD8F0  }
0x276: {  	[hbm4b:s17+s15] =	stream.linear.scatter @!p3 [tilespmem:s12], [sflag:$0x3], $0x2710, $0x38;
	[tilespmem:$0x1EBF8] =	vst v63  }
0x277: {  	_ =	swait.ge @!p3 [sflag:s14], $0x2710  }
0x278: {  	s12 =	sshrl.u32 @p1 s2, $0x3;
	[sflag:s14] =	ssyncset.done @!p3 $0x0  }
0x279: {  	s15 =	rddreg [dreg:$0xa];
	[sflag:s14] =	ssyncadd.s32 @!p3 $0xFFFFD8F0;
	s14 =	simm.s32 @p1 $0x1C03  }
0x27a: {  	[hbm:s15], [sflag:s14] =	dma.local @p1 [spmem:s12], $0x27100  }
0x27b: {  	s12 =	simm.s32 @p1 $0x3  }
0x27c: {  	_ =	swait.ge @p1 [sflag:s12], $0x27100  }
0x27d: {  	s21 =	rddreg [dreg:$0x12]  }
0x27e: {  	s24 =	rddreg [dreg:$0x10];
	s15 =	sadd.s32 $0x1, s21  }
0x27f: {  	p4 =	sne.s32 s15, s24  }
.Ltmp4:
0x280: {  	_ = 	snop;
	(pc) =	sbr.rel @p4 .LBB2_1-.Ltmp4, $3  }
0x281: {  	_ =	sdelay $0x1  }
0x282: {  	[sflag:s12] =	ssyncset.done @p1 $0x0  }
0x283: {  	[sflag:s12] =	ssyncadd.s32 @p1 $0xFFFD8F00  }
0x284: {  	_ =	sfence.sel $0x180000  }
0x285: {  	[bflag:$0x0] =	sbarrier.arrive $0xFFFF  }
0x286: {  	_ =	strace $0x90000047  }
0x287: {  	[bflag:$0x2] =	sbarrier.arrive $0xFFFF  }
0x288: {  	s0 =	rddreg [dreg:$0x6]  }
0x289: {  	s0 =	sadd.s32 @!p0 $0x100000, s0  }
0x28a: {  	[sflag:s0] =	ssyncadd.tile.s32 @!p0 $0x1;
	_ =	shalt  }
.Lfunc_end2:
_tile_overlayer_lowered:
.L_overlay_start_2:
0x28b: {  	(tag) =	ssettag $0x2  }
0x28c: {  	s0 =	rddreg [dreg:$0x0];
	s2 =	stileid.u32  }
0x28d: {  	s1 =	rddreg [dreg:$0x1];
	p0 =	sne.s32 s2, $0x0  }
0x28e: {  	s3 =	rddreg [dreg:$0x2];
	[bflag:$0x3] =	sbarrier.arrive $0xFFFF;
	s2 =	simm.s32 @!p0 $0x1C03  }
0x28f: {  	[timem:s3], [sflag:s2] =	dma.local @!p0 [hbm:s0], s1  }
0x290: {  	s0 =	simm.s32 @!p0 $0x3  }
0x291: {  	_ =	swait.ge @!p0 [sflag:s0], s1  }
0x292: {  	s1 =	ssub.s32 @!p0 $0x0, s1;
	[sflag:s0] =	ssyncset.done @!p0 $0x0  }
0x293: {  	[sflag:s0] =	ssyncadd.s32 @!p0 s1  }
0x294: {  	[bflag:$0x3] =	sbarrier.arrive $0xFFFF  }
0x295: {  	_ =	shalt  }

</sc_bundles>
